<compile_context>
chip_gen: v7x
topology: tpu7x:2x2x1
jax: 0.10.2.dev20260603
libtpu: 0.0.44.dev20260713+nightly
codegen_flags: <defaults>
</compile_context>

<pallas_src>
import functools

import jax
import jax.numpy as jnp
from jax import lax
from jax.experimental import pallas as pl
from jax.experimental.pallas import tpu as pltpu
from jax.experimental.pallas import tpu_sc as plsc

NW = 32
L = 16
B = 224
W = 16
ICH = 128


def _log_tables_kernel(p_ref, lp_ref, l1p_ref):
    p = p_ref[...]
    lp_ref[...] = jnp.log(p)
    l1p_ref[...] = jnp.log(1.0 - p)


def _make_sc_combine(n, deg, c_per_w, blks):
    mesh = plsc.VectorSubcoreMesh(
        core_axis_name="c", subcore_axis_name="s", num_cores=2,
        num_subcores=16)
    grp_per_blk = B // L
    nch = B * deg // ICH

    @functools.partial(
        pl.kernel,
        out_type=jax.ShapeDtypeStruct((n,), jnp.float32),
        mesh=mesh,
        scratch_types=[
            pltpu.VMEM((2, B * deg), jnp.int32),
            pltpu.VMEM((2, B * deg, W), jnp.float32),
            pltpu.VMEM((2, B), jnp.float32),
            pltpu.VMEM((2, B), jnp.float32),
            pltpu.VMEM((2, B), jnp.float32),
            pltpu.VMEM((2, B), jnp.float32),
            pltpu.VMEM((2, B), jnp.float32),
            pltpu.SemaphoreType.DMA((2,)),
            pltpu.SemaphoreType.DMA((2,)),
            pltpu.SemaphoreType.DMA((2,)),
            pltpu.SemaphoreType.DMA((2,)),
        ],
        compiler_params=pltpu.CompilerParams(
            needs_layout_passes=False, use_tc_tiling_on_sc=False),
    )
    def sc_combine(tbl, nbr, prior0, lp, l1p, mist, out,
                   idx_v, mail_v, prior_v, lp_v, l1p_v, mist_v, out_v, sem,
                   sem2, sem3, sem4):
        wid = lax.axis_index("s") * 2 + lax.axis_index("c")
        base = jnp.minimum(wid * c_per_w, n - c_per_w)
        lanes = lax.iota(jnp.int32, 16)
        col_b = jnp.full((16,), 0, jnp.int32)
        col_s = jnp.full((16,), 1, jnp.int32)
        col_t = jnp.full((16,), 2, jnp.int32)

        def state_copies(t, buf):
            blk = base + t * B
            yield prior0.at[pl.ds(blk, B)], prior_v.at[buf]
            yield lp.at[pl.ds(blk, B)], lp_v.at[buf]
            yield l1p.at[pl.ds(blk, B)], l1p_v.at[buf]
            yield mist.at[pl.ds(blk, B)], mist_v.at[buf]

        def idx_copy(t, buf):
            blk = base + t * B
            return (nbr.at[pl.ds(blk * deg, B * deg)], idx_v.at[buf])

        def fire_block(t, buf):

            pltpu.async_copy(tbl.at[idx_v.at[buf]], mail_v.at[buf],
                             sem.at[buf])
            for src, dst in state_copies(t, buf):
                pltpu.async_copy(src, dst, sem2.at[buf])

        pltpu.sync_copy(*idx_copy(0, 0))
        fire_block(0, 0)

        @pl.when(blks > 1)
        def _():
            src, dst = idx_copy(1, 1)
            pltpu.async_copy(src, dst, sem3.at[1])

        def block(t, _):
            p = lax.rem(t, 2)
            q = lax.rem(t + 1, 2)

            @pl.when(t + 1 < blks)
            def _():
                src, dst = idx_copy(t + 1, q)
                pltpu.make_async_copy(src, dst, sem3.at[q]).wait()
                fire_block(t + 1, q)

            pltpu.make_async_copy(tbl.at[idx_v.at[p]], mail_v.at[p],
                                  sem.at[p]).wait()

            @pl.when(t + 2 < blks)
            def _():
                src, dst = idx_copy(t + 2, p)
                pltpu.async_copy(src, dst, sem3.at[p])

            @pl.when(t >= 2)
            def _():
                pltpu.make_async_copy(
                    out_v.at[p], out.at[pl.ds(base + (t - 2) * B, B)],
                    sem4.at[p]).wait()

            for src, dst in state_copies(t, p):
                pltpu.make_async_copy(src, dst, sem2.at[p]).wait()
            mail_p = mail_v.at[p]

            def group(gh, _):
                gs = [gh * 2, gh * 2 + 1]
                prior = [prior_v.at[p][pl.ds(g * L, L)] for g in gs]
                lpv = [lp_v.at[p][pl.ds(g * L, L)] for g in gs]
                l1pv = [l1p_v.at[p][pl.ds(g * L, L)] for g in gs]
                mv = [mist_v.at[p][pl.ds(g * L, L)] for g in gs]
                rows0 = [g * (L * deg) + lanes * deg for g in gs]
                for i in range(deg):
                    for k in (0, 1):
                        rows = rows0[k] + i
                        b = plsc.load_gather(mail_p, [rows, col_b])
                        s = plsc.load_gather(mail_p, [rows, col_s])
                        tt = plsc.load_gather(mail_p, [rows, col_t])
                        pr = prior[k]
                        f = tt - s
                        valid = tt > 0.0
                        delta = jnp.abs(pr - b)
                        likely = jnp.exp(s * lpv[k] + f * l1pv[k])
                        other = jnp.exp(s * l1pv[k] + f * lpv[k])
                        p_l = pr * likely
                        marginal = p_l + other - pr * other
                        omm = 1.0 - marginal
                        omm_g = jnp.where(valid, omm, 1.0)
                        certainty = 1.0 - jnp.minimum(delta * mv[k], 1.0) * omm
                        num = (p_l * certainty * omm_g
                               + (pr - p_l) * (1.0 - certainty) * marginal)
                        posterior = num / (marginal * omm_g)
                        prior[k] = jnp.where(valid, posterior, pr)
                for k in (0, 1):
                    out_v.at[p][pl.ds(gs[k] * L, L)] = prior[k]
                return 0

            lax.fori_loop(0, grp_per_blk // 2, group, 0)
            pltpu.async_copy(out_v.at[p], out.at[pl.ds(base + t * B, B)],
                             sem4.at[p])
            return 0

        lax.fori_loop(0, blks, block, 0)
        for t in range(max(0, blks - 2), blks):
            pltpu.make_async_copy(
                out_v.at[t % 2], out.at[pl.ds(base + t * B, B)],
                sem4.at[t % 2]).wait()

    return sc_combine


def kernel(belief, probability, payoff, mistrust, neighbors):
    n = belief.shape[0]
    deg = neighbors.shape[1]
    c_per_w = -(-(-(-n // NW)) // B) * B
    blks = c_per_w // B

    f32 = jnp.float32
    nbr_flat = neighbors.reshape(-1)
    tbl = jnp.concatenate(
        [belief[:, None], payoff, jnp.zeros((n, W - 3), f32)], axis=1)

    rows = 625 if n == 100000 else n // 128
    lp2, l1p2 = pl.pallas_call(
        _log_tables_kernel,
        out_shape=(jax.ShapeDtypeStruct((rows, n // rows), f32),
                   jax.ShapeDtypeStruct((rows, n // rows), f32)),
    )(probability.reshape(rows, n // rows))

    return _make_sc_combine(n, deg, c_per_w, blks)(
        tbl, nbr_flat, belief, lp2.reshape(n), l1p2.reshape(n), mistrust)

# --- scband reference (transcript-rebuilt; emitter-appended) ---
"""Pipeline reference for scband-oconnor-weatherall-op-16612933501367 (READ-ONLY COPY).

The authoritative reference and input builder live on the scoring server;
editing this copy changes nothing except your own understanding.
"""

import jax, jax.numpy as jnp
import numpy as np

N = 100000
DEG = 16
TRIALS = 10
EPS = 0.01
MISTRUST = 1.5
ANTIUPDATING = False


def setup_inputs(seed: int = 0) -> dict:
    key = jax.random.key(seed)
    k1, k2, k3 = jax.random.split(key, 3)
    # node beliefs ~ U(0,1)  (init.init(size, params.init))
    belief = jax.random.uniform(k1, (N,), dtype=jnp.float32)
    # probs = 0.5 + epsilon  (init.halfs + params.epsilon)
    probability = jnp.full((N,), 0.5 + EPS, dtype=jnp.float32)
    # fixed in-degree adjacency: neighbors[d, j] = src node of j-th incoming edge of dst d
    neighbors = jax.random.randint(k2, (N, DEG), 0, N, dtype=jnp.int32)
    # experiment(): binomial sample (sum of Bernoulli trials), masked by belief > 0.5
    succ = jnp.sum(jax.random.bernoulli(k3, 0.5 + EPS, (TRIALS, N)), axis=0).astype(jnp.float32)
    trials = jnp.full((N,), float(TRIALS), dtype=jnp.float32)
    mask = (belief > 0.5).astype(jnp.float32)
    payoff = jnp.stack([succ * mask, trials * mask], axis=1)  # [N, 2] = (successes, trials)
    mistrust = jnp.full((N,), MISTRUST, dtype=jnp.float32)
    return {
        "belief": belief,
        "probability": probability,
        "payoff": payoff,
        "mistrust": mistrust,
        "neighbors": neighbors,
    }


def reference(belief, probability, payoff, mistrust, neighbors):
    # messagefn: each dst gathers src belief and payoff (SparseCore gather)
    mb_belief = belief[neighbors]  # [N, DEG]
    mb_payoff = payoff[neighbors]  # [N, DEG, 2]
    prior = belief
    # reducefn: sequential Bayesian (mis)trust update over the mailbox
    for i in range(DEG):
        success = mb_payoff[:, i, 0]
        trials = mb_payoff[:, i, 1]
        failure = trials - success
        # filterfn: edges.src['payoff'][:, 1] > 0
        valid = trials > 0.0
        delta = jnp.abs(prior - mb_belief[:, i])
        likely = jnp.power(probability, success) * jnp.power(1.0 - probability, failure)
        other = jnp.power(1.0 - probability, success) * jnp.power(probability, failure)
        marginal = prior * likely + (1.0 - prior) * other
        bel = prior * likely / marginal
        one_minus_marg = jnp.where(valid, 1.0 - marginal, 1.0)  # guard 0/0 on filtered edges
        misbel = prior * (1.0 - likely) / one_minus_marg
        if ANTIUPDATING:
            certainty = jnp.maximum(1.0 - delta * mistrust * (1.0 - marginal), jnp.zeros((N,), dtype=prior.dtype))
        else:
            certainty = 1.0 - jnp.minimum(jnp.ones((N,), dtype=prior.dtype), delta * mistrust) * (1.0 - marginal)
        posterior = bel * certainty + misbel * (1.0 - certainty)
        prior = jnp.where(valid, posterior, prior)
    return prior

if __name__ == "__main__":
    import jax
    _d = setup_inputs()
    print(jax.jit(kernel)(*tuple(_d.values())))

</pallas_src>

<mosaic_0001>
#map = affine_map<(d0, d1) -> (0, 0)>
#map1 = affine_map<(d0, d1) -> (0)>
module attributes {stable_mosaic.version = 14 : i64} {
  func.func @sc_combine(%arg0: i32, %arg1: i32, %arg2: memref<100000x16xf32, #tpu.memory_space<hbm>>, %arg3: memref<1600000xi32, #tpu.memory_space<hbm>>, %arg4: memref<100000xf32, #tpu.memory_space<hbm>>, %arg5: memref<100000xf32, #tpu.memory_space<hbm>>, %arg6: memref<100000xf32, #tpu.memory_space<hbm>>, %arg7: memref<100000xf32, #tpu.memory_space<hbm>>, %arg8: memref<100000xf32, #tpu.memory_space<hbm>>, %arg9: memref<2x3584xi32, #tpu.memory_space<vmem>>, %arg10: memref<2x3584x16xf32, #tpu.memory_space<vmem>>, %arg11: memref<2x224xf32, #tpu.memory_space<vmem>>, %arg12: memref<2x224xf32, #tpu.memory_space<vmem>>, %arg13: memref<2x224xf32, #tpu.memory_space<vmem>>, %arg14: memref<2x224xf32, #tpu.memory_space<vmem>>, %arg15: memref<2x224xf32, #tpu.memory_space<vmem>>, %arg16: memref<2x!tpu.dma_semaphore, #tpu.memory_space<semaphore_mem>>, %arg17: memref<2x!tpu.dma_semaphore, #tpu.memory_space<semaphore_mem>>, %arg18: memref<2x!tpu.dma_semaphore, #tpu.memory_space<semaphore_mem>>, %arg19: memref<2x!tpu.dma_semaphore, #tpu.memory_space<semaphore_mem>>) attributes {dimension_semantics = [#tpu.dimension_semantics<core_parallel>, #tpu.dimension_semantics<subcore_parallel>], iteration_bounds = array<i64: 2, 16>, scalar_prefetch = 0 : i64, scratch_operands = 11 : i64, tpu.core_type = #tpu.core_type<sc_vector_subcore>, window_params = [{transform_indices = #map}, {transform_indices = #map1}, {transform_indices = #map1}, {transform_indices = #map1}, {transform_indices = #map1}, {transform_indices = #map1}, {transform_indices = #map1}]} {
    %mul3A = arith.constant 2 : i32
    %mul3A_0 = arith.muli %arg1, %mul3A : i32
    %add3A = arith.addi %mul3A_0, %arg0 : i32
    %mul3A_1 = arith.constant 3136 : i32
    %mul3A_2 = arith.muli %add3A, %mul3A_1 : i32
    %min3A = arith.constant 96864 : i32
    %min3A_3 = arith.minsi %mul3A_2, %min3A : i32
    %iota3A = tpu.iota {dimensions = array<i32: 0>} : vector<16xi32>
    %broadcast_in_dim3A = arith.constant 0 : i32
    %broadcast_in_dim3A_4 = vector.broadcast %broadcast_in_dim3A : i32 to vector<16xi32>
    %broadcast_in_dim3A_5 = arith.constant 1 : i32
    %broadcast_in_dim3A_6 = vector.broadcast %broadcast_in_dim3A_5 : i32 to vector<16xi32>
    %broadcast_in_dim3A_7 = arith.constant 2 : i32
    %broadcast_in_dim3A_8 = vector.broadcast %broadcast_in_dim3A_7 : i32 to vector<16xi32>
    %add3A_9 = arith.constant 0 : i32
    %add3A_10 = arith.addi %min3A_3, %add3A_9 : i32
    %mul3A_11 = arith.constant 16 : i32
    %mul3A_12 = arith.muli %add3A_10, %mul3A_11 : i32
    %run_scoped3A = arith.constant 0 : i32
    "tpu.region"() ({
      %run_scoped3A_126 = tpu.sem_alloc : memref<!tpu.dma_semaphore, #tpu.memory_space<semaphore_mem>>
      %dma_start3A_127 = arith.constant 0 : i32
      %dma_start3A_128 = tpu.memref_slice %arg9[%run_scoped3A, %dma_start3A_127] : memref<2x3584xi32, #tpu.memory_space<vmem>> -> memref<1x3584xi32, #tpu.memory_space<vmem>>
      %dma_start3A_129 = tpu.memref_squeeze %dma_start3A_128 : memref<1x3584xi32, #tpu.memory_space<vmem>> -> memref<3584xi32, #tpu.memory_space<vmem>>
      %dma_start3A_130 = tpu.memref_slice %arg3[%mul3A_12] : memref<1600000xi32, #tpu.memory_space<hbm>> -> memref<3584xi32, #tpu.memory_space<hbm>>
      %dma_start3A_131 = arith.constant 0 : i32
      %dma_start3A_132 = tpu.memref_slice %arg9[%run_scoped3A, %dma_start3A_131] : memref<2x3584xi32, #tpu.memory_space<vmem>> -> memref<1x3584xi32, #tpu.memory_space<vmem>>
      %dma_start3A_133 = tpu.memref_squeeze %dma_start3A_132 : memref<1x3584xi32, #tpu.memory_space<vmem>> -> memref<3584xi32, #tpu.memory_space<vmem>>
      %dma_start3A_134 = tpu.memref_slice %arg3[%mul3A_12] : memref<1600000xi32, #tpu.memory_space<hbm>> -> memref<3584xi32, #tpu.memory_space<hbm>>
      tpu.enqueue_dma source(%dma_start3A_134 : memref<3584xi32, #tpu.memory_space<hbm>>) target(%dma_start3A_133 : memref<3584xi32, #tpu.memory_space<vmem>>) target_semaphore(%run_scoped3A_126 : memref<!tpu.dma_semaphore, #tpu.memory_space<semaphore_mem>>)
      %dma_wait3A_135 = arith.constant 0 : i32
      %dma_wait3A_136 = tpu.memref_slice %arg9[%run_scoped3A, %dma_wait3A_135] : memref<2x3584xi32, #tpu.memory_space<vmem>> -> memref<1x3584xi32, #tpu.memory_space<vmem>>
      %dma_wait3A_137 = tpu.memref_squeeze %dma_wait3A_136 : memref<1x3584xi32, #tpu.memory_space<vmem>> -> memref<3584xi32, #tpu.memory_space<vmem>>
      %dma_wait3A_138 = tpu.memref_slice %arg3[%mul3A_12] : memref<1600000xi32, #tpu.memory_space<hbm>> -> memref<3584xi32, #tpu.memory_space<hbm>>
      %dma_wait3A_139 = arith.constant 0 : i32
      %dma_wait3A_140 = tpu.memref_slice %arg9[%run_scoped3A, %dma_wait3A_139] : memref<2x3584xi32, #tpu.memory_space<vmem>> -> memref<1x3584xi32, #tpu.memory_space<vmem>>
      %dma_wait3A_141 = tpu.memref_squeeze %dma_wait3A_140 : memref<1x3584xi32, #tpu.memory_space<vmem>> -> memref<3584xi32, #tpu.memory_space<vmem>>
      %dma_wait3A_142 = tpu.memref_slice %arg3[%mul3A_12] : memref<1600000xi32, #tpu.memory_space<hbm>> -> memref<3584xi32, #tpu.memory_space<hbm>>
      tpu.wait_dma2 semaphore(%run_scoped3A_126 : memref<!tpu.dma_semaphore, #tpu.memory_space<semaphore_mem>>) src(%dma_wait3A_142 : memref<3584xi32, #tpu.memory_space<hbm>>) dst(%dma_wait3A_141 : memref<3584xi32, #tpu.memory_space<vmem>>)
      tpu.yield
    }) : () -> ()
    %dma_start3A = arith.constant 0 : i32
    %dma_start3A_13 = arith.constant 0 : i32
    %dma_start3A_14 = arith.constant 0 : i32
    %dma_start3A_15 = arith.constant 0 : i32
    %dma_start3A_16 = arith.constant 0 : i32
    %dma_start3A_17 = tpu.memref_slice %arg10[%dma_start3A_13, %dma_start3A_15, %dma_start3A_16] : memref<2x3584x16xf32, #tpu.memory_space<vmem>> -> memref<1x3584x16xf32, #tpu.memory_space<vmem>>
    %dma_start3A_18 = tpu.memref_squeeze %dma_start3A_17 : memref<1x3584x16xf32, #tpu.memory_space<vmem>> -> memref<3584x16xf32, #tpu.memory_space<vmem>>
    %dma_start3A_19 = arith.constant 0 : i32
    %dma_start3A_20 = tpu.memref_slice %arg9[%dma_start3A, %dma_start3A_19] : memref<2x3584xi32, #tpu.memory_space<vmem>> -> memref<1x3584xi32, #tpu.memory_space<vmem>>
    %dma_start3A_21 = tpu.memref_squeeze %dma_start3A_20 : memref<1x3584xi32, #tpu.memory_space<vmem>> -> memref<3584xi32, #tpu.memory_space<vmem>>
    %dma_start3A_22 = arith.constant 0 : i32
    %dma_start3A_23 = arith.constant 0 : i32
    %dma_start3A_24 = tpu.memref_slice %arg2[%dma_start3A_22, %dma_start3A_23] : memref<100000x16xf32, #tpu.memory_space<hbm>> -> memref<100000x16xf32, #tpu.memory_space<hbm>>
    %dma_start3A_25 = tpu.memref_slice %arg16[%dma_start3A_14] : memref<2x!tpu.dma_semaphore, #tpu.memory_space<semaphore_mem>> -> memref<1x!tpu.dma_semaphore, #tpu.memory_space<semaphore_mem>>
    %dma_start3A_26 = tpu.memref_squeeze %dma_start3A_25 : memref<1x!tpu.dma_semaphore, #tpu.memory_space<semaphore_mem>> -> memref<!tpu.dma_semaphore, #tpu.memory_space<semaphore_mem>>
    tpu.enqueue_indirect_dma source(%dma_start3A_24 : memref<100000x16xf32, #tpu.memory_space<hbm>>) target(%dma_start3A_18 : memref<3584x16xf32, #tpu.memory_space<vmem>>) offsets(%dma_start3A_21 : memref<3584xi32, #tpu.memory_space<vmem>>) semaphore(%dma_start3A_26 : memref<!tpu.dma_semaphore, #tpu.memory_space<semaphore_mem>>)
    %add3A_27 = arith.constant 0 : i32
    %add3A_28 = arith.addi %min3A_3, %add3A_27 : i32
    %dma_start3A_29 = arith.constant 0 : i32
    %dma_start3A_30 = arith.constant 0 : i32
    %dma_start3A_31 = arith.constant 0 : i32
    %dma_start3A_32 = tpu.memref_slice %arg11[%dma_start3A_29, %dma_start3A_31] : memref<2x224xf32, #tpu.memory_space<vmem>> -> memref<1x224xf32, #tpu.memory_space<vmem>>
    %dma_start3A_33 = tpu.memref_squeeze %dma_start3A_32 : memref<1x224xf32, #tpu.memory_space<vmem>> -> memref<224xf32, #tpu.memory_space<vmem>>
    %dma_start3A_34 = tpu.memref_slice %arg4[%add3A_28] : memref<100000xf32, #tpu.memory_space<hbm>> -> memref<224xf32, #tpu.memory_space<hbm>>
    %dma_start3A_35 = tpu.memref_slice %arg17[%dma_start3A_30] : memref<2x!tpu.dma_semaphore, #tpu.memory_space<semaphore_mem>> -> memref<1x!tpu.dma_semaphore, #tpu.memory_space<semaphore_mem>>
    %dma_start3A_36 = tpu.memref_squeeze %dma_start3A_35 : memref<1x!tpu.dma_semaphore, #tpu.memory_space<semaphore_mem>> -> memref<!tpu.dma_semaphore, #tpu.memory_space<semaphore_mem>>
    %dma_start3A_37 = arith.constant 0 : i32
    %dma_start3A_38 = tpu.memref_slice %arg11[%dma_start3A_29, %dma_start3A_37] : memref<2x224xf32, #tpu.memory_space<vmem>> -> memref<1x224xf32, #tpu.memory_space<vmem>>
    %dma_start3A_39 = tpu.memref_squeeze %dma_start3A_38 : memref<1x224xf32, #tpu.memory_space<vmem>> -> memref<224xf32, #tpu.memory_space<vmem>>
    %dma_start3A_40 = tpu.memref_slice %arg4[%add3A_28] : memref<100000xf32, #tpu.memory_space<hbm>> -> memref<224xf32, #tpu.memory_space<hbm>>
    tpu.enqueue_dma source(%dma_start3A_40 : memref<224xf32, #tpu.memory_space<hbm>>) target(%dma_start3A_39 : memref<224xf32, #tpu.memory_space<vmem>>) target_semaphore(%dma_start3A_36 : memref<!tpu.dma_semaphore, #tpu.memory_space<semaphore_mem>>)
    %dma_start3A_41 = arith.constant 0 : i32
    %dma_start3A_42 = arith.constant 0 : i32
    %dma_start3A_43 = arith.constant 0 : i32
    %dma_start3A_44 = tpu.memref_slice %arg12[%dma_start3A_41, %dma_start3A_43] : memref<2x224xf32, #tpu.memory_space<vmem>> -> memref<1x224xf32, #tpu.memory_space<vmem>>
    %dma_start3A_45 = tpu.memref_squeeze %dma_start3A_44 : memref<1x224xf32, #tpu.memory_space<vmem>> -> memref<224xf32, #tpu.memory_space<vmem>>
    %dma_start3A_46 = tpu.memref_slice %arg5[%add3A_28] : memref<100000xf32, #tpu.memory_space<hbm>> -> memref<224xf32, #tpu.memory_space<hbm>>
    %dma_start3A_47 = tpu.memref_slice %arg17[%dma_start3A_42] : memref<2x!tpu.dma_semaphore, #tpu.memory_space<semaphore_mem>> -> memref<1x!tpu.dma_semaphore, #tpu.memory_space<semaphore_mem>>
    %dma_start3A_48 = tpu.memref_squeeze %dma_start3A_47 : memref<1x!tpu.dma_semaphore, #tpu.memory_space<semaphore_mem>> -> memref<!tpu.dma_semaphore, #tpu.memory_space<semaphore_mem>>
    %dma_start3A_49 = arith.constant 0 : i32
    %dma_start3A_50 = tpu.memref_slice %arg12[%dma_start3A_41, %dma_start3A_49] : memref<2x224xf32, #tpu.memory_space<vmem>> -> memref<1x224xf32, #tpu.memory_space<vmem>>
    %dma_start3A_51 = tpu.memref_squeeze %dma_start3A_50 : memref<1x224xf32, #tpu.memory_space<vmem>> -> memref<224xf32, #tpu.memory_space<vmem>>
    %dma_start3A_52 = tpu.memref_slice %arg5[%add3A_28] : memref<100000xf32, #tpu.memory_space<hbm>> -> memref<224xf32, #tpu.memory_space<hbm>>
    tpu.enqueue_dma source(%dma_start3A_52 : memref<224xf32, #tpu.memory_space<hbm>>) target(%dma_start3A_51 : memref<224xf32, #tpu.memory_space<vmem>>) target_semaphore(%dma_start3A_48 : memref<!tpu.dma_semaphore, #tpu.memory_space<semaphore_mem>>)
    %dma_start3A_53 = arith.constant 0 : i32
    %dma_start3A_54 = arith.constant 0 : i32
    %dma_start3A_55 = arith.constant 0 : i32
    %dma_start3A_56 = tpu.memref_slice %arg13[%dma_start3A_53, %dma_start3A_55] : memref<2x224xf32, #tpu.memory_space<vmem>> -> memref<1x224xf32, #tpu.memory_space<vmem>>
    %dma_start3A_57 = tpu.memref_squeeze %dma_start3A_56 : memref<1x224xf32, #tpu.memory_space<vmem>> -> memref<224xf32, #tpu.memory_space<vmem>>
    %dma_start3A_58 = tpu.memref_slice %arg6[%add3A_28] : memref<100000xf32, #tpu.memory_space<hbm>> -> memref<224xf32, #tpu.memory_space<hbm>>
    %dma_start3A_59 = tpu.memref_slice %arg17[%dma_start3A_54] : memref<2x!tpu.dma_semaphore, #tpu.memory_space<semaphore_mem>> -> memref<1x!tpu.dma_semaphore, #tpu.memory_space<semaphore_mem>>
    %dma_start3A_60 = tpu.memref_squeeze %dma_start3A_59 : memref<1x!tpu.dma_semaphore, #tpu.memory_space<semaphore_mem>> -> memref<!tpu.dma_semaphore, #tpu.memory_space<semaphore_mem>>
    %dma_start3A_61 = arith.constant 0 : i32
    %dma_start3A_62 = tpu.memref_slice %arg13[%dma_start3A_53, %dma_start3A_61] : memref<2x224xf32, #tpu.memory_space<vmem>> -> memref<1x224xf32, #tpu.memory_space<vmem>>
    %dma_start3A_63 = tpu.memref_squeeze %dma_start3A_62 : memref<1x224xf32, #tpu.memory_space<vmem>> -> memref<224xf32, #tpu.memory_space<vmem>>
    %dma_start3A_64 = tpu.memref_slice %arg6[%add3A_28] : memref<100000xf32, #tpu.memory_space<hbm>> -> memref<224xf32, #tpu.memory_space<hbm>>
    tpu.enqueue_dma source(%dma_start3A_64 : memref<224xf32, #tpu.memory_space<hbm>>) target(%dma_start3A_63 : memref<224xf32, #tpu.memory_space<vmem>>) target_semaphore(%dma_start3A_60 : memref<!tpu.dma_semaphore, #tpu.memory_space<semaphore_mem>>)
    %dma_start3A_65 = arith.constant 0 : i32
    %dma_start3A_66 = arith.constant 0 : i32
    %dma_start3A_67 = arith.constant 0 : i32
    %dma_start3A_68 = tpu.memref_slice %arg14[%dma_start3A_65, %dma_start3A_67] : memref<2x224xf32, #tpu.memory_space<vmem>> -> memref<1x224xf32, #tpu.memory_space<vmem>>
    %dma_start3A_69 = tpu.memref_squeeze %dma_start3A_68 : memref<1x224xf32, #tpu.memory_space<vmem>> -> memref<224xf32, #tpu.memory_space<vmem>>
    %dma_start3A_70 = tpu.memref_slice %arg7[%add3A_28] : memref<100000xf32, #tpu.memory_space<hbm>> -> memref<224xf32, #tpu.memory_space<hbm>>
    %dma_start3A_71 = tpu.memref_slice %arg17[%dma_start3A_66] : memref<2x!tpu.dma_semaphore, #tpu.memory_space<semaphore_mem>> -> memref<1x!tpu.dma_semaphore, #tpu.memory_space<semaphore_mem>>
    %dma_start3A_72 = tpu.memref_squeeze %dma_start3A_71 : memref<1x!tpu.dma_semaphore, #tpu.memory_space<semaphore_mem>> -> memref<!tpu.dma_semaphore, #tpu.memory_space<semaphore_mem>>
    %dma_start3A_73 = arith.constant 0 : i32
    %dma_start3A_74 = tpu.memref_slice %arg14[%dma_start3A_65, %dma_start3A_73] : memref<2x224xf32, #tpu.memory_space<vmem>> -> memref<1x224xf32, #tpu.memory_space<vmem>>
    %dma_start3A_75 = tpu.memref_squeeze %dma_start3A_74 : memref<1x224xf32, #tpu.memory_space<vmem>> -> memref<224xf32, #tpu.memory_space<vmem>>
    %dma_start3A_76 = tpu.memref_slice %arg7[%add3A_28] : memref<100000xf32, #tpu.memory_space<hbm>> -> memref<224xf32, #tpu.memory_space<hbm>>
    tpu.enqueue_dma source(%dma_start3A_76 : memref<224xf32, #tpu.memory_space<hbm>>) target(%dma_start3A_75 : memref<224xf32, #tpu.memory_space<vmem>>) target_semaphore(%dma_start3A_72 : memref<!tpu.dma_semaphore, #tpu.memory_space<semaphore_mem>>)
    %add3A_77 = arith.constant 224 : i32
    %add3A_78 = arith.addi %min3A_3, %add3A_77 : i32
    %mul3A_79 = arith.constant 16 : i32
    %mul3A_80 = arith.muli %add3A_78, %mul3A_79 : i32
    %dma_start3A_81 = arith.constant 1 : i32
    %dma_start3A_82 = arith.constant 1 : i32
    %dma_start3A_83 = arith.constant 0 : i32
    %dma_start3A_84 = tpu.memref_slice %arg9[%dma_start3A_81, %dma_start3A_83] : memref<2x3584xi32, #tpu.memory_space<vmem>> -> memref<1x3584xi32, #tpu.memory_space<vmem>>
    %dma_start3A_85 = tpu.memref_squeeze %dma_start3A_84 : memref<1x3584xi32, #tpu.memory_space<vmem>> -> memref<3584xi32, #tpu.memory_space<vmem>>
    %dma_start3A_86 = tpu.memref_slice %arg3[%mul3A_80] : memref<1600000xi32, #tpu.memory_space<hbm>> -> memref<3584xi32, #tpu.memory_space<hbm>>
    %dma_start3A_87 = tpu.memref_slice %arg18[%dma_start3A_82] : memref<2x!tpu.dma_semaphore, #tpu.memory_space<semaphore_mem>> -> memref<1x!tpu.dma_semaphore, #tpu.memory_space<semaphore_mem>>
    %dma_start3A_88 = tpu.memref_squeeze %dma_start3A_87 : memref<1x!tpu.dma_semaphore, #tpu.memory_space<semaphore_mem>> -> memref<!tpu.dma_semaphore, #tpu.memory_space<semaphore_mem>>
    %dma_start3A_89 = arith.constant 0 : i32
    %dma_start3A_90 = tpu.memref_slice %arg9[%dma_start3A_81, %dma_start3A_89] : memref<2x3584xi32, #tpu.memory_space<vmem>> -> memref<1x3584xi32, #tpu.memory_space<vmem>>
    %dma_start3A_91 = tpu.memref_squeeze %dma_start3A_90 : memref<1x3584xi32, #tpu.memory_space<vmem>> -> memref<3584xi32, #tpu.memory_space<vmem>>
    %dma_start3A_92 = tpu.memref_slice %arg3[%mul3A_80] : memref<1600000xi32, #tpu.memory_space<hbm>> -> memref<3584xi32, #tpu.memory_space<hbm>>
    tpu.enqueue_dma source(%dma_start3A_92 : memref<3584xi32, #tpu.memory_space<hbm>>) target(%dma_start3A_91 : memref<3584xi32, #tpu.memory_space<vmem>>) target_semaphore(%dma_start3A_88 : memref<!tpu.dma_semaphore, #tpu.memory_space<semaphore_mem>>)
    %scan3A = arith.constant 0 : i32
    %scan3A_93 = arith.constant 0 : i32
    %scan3A_94 = arith.constant 14 : i32
    %scan3A_95 = arith.addi %scan3A_93, %scan3A_94 : i32
    %scan3A_96 = arith.constant 1 : i32
    %scan3A_97 = scf.for %scan3A_126 = %scan3A_93 to %scan3A_95 step %scan3A_96 iter_args(%scan3A_127 = %scan3A) -> (i32)  : i32 {
      %rem3A = arith.constant 2 : i32
      %rem3A_128 = arith.remsi %scan3A_126, %rem3A : i32
      %add3A_129 = arith.constant 1 : i32
      %add3A_130 = arith.addi %scan3A_126, %add3A_129 : i32
      %rem3A_131 = arith.constant 2 : i32
      %rem3A_132 = arith.remsi %add3A_130, %rem3A_131 : i32
      %add3A_133 = arith.constant 1 : i32
      %add3A_134 = arith.addi %scan3A_126, %add3A_133 : i32
      %lt3A = arith.constant 14 : i32
      %lt3A_135 = arith.cmpi slt, %add3A_134, %lt3A : i32
      %convert_element_type3A = arith.extui %lt3A_135 : i1 to i32
      %cond3A = arith.constant 0 : i32
      %cond3A_136 = arith.cmpi ne, %convert_element_type3A, %cond3A : i32
      scf.if %cond3A_136 {
        %add3A_224 = arith.constant 1 : i32
        %add3A_225 = arith.addi %scan3A_126, %add3A_224 : i32
        %mul3A_226 = arith.constant 224 : i32
        %mul3A_227 = arith.muli %add3A_225, %mul3A_226 : i32
        %add3A_228 = arith.addi %min3A_3, %mul3A_227 : i32
        %mul3A_229 = arith.constant 16 : i32
        %mul3A_230 = arith.muli %add3A_228, %mul3A_229 : i32
        %dma_wait3A_231 = arith.constant 0 : i32
        %dma_wait3A_232 = tpu.memref_slice %arg9[%rem3A_132, %dma_wait3A_231] : memref<2x3584xi32, #tpu.memory_space<vmem>> -> memref<1x3584xi32, #tpu.memory_space<vmem>>
        %dma_wait3A_233 = tpu.memref_squeeze %dma_wait3A_232 : memref<1x3584xi32, #tpu.memory_space<vmem>> -> memref<3584xi32, #tpu.memory_space<vmem>>
        %dma_wait3A_234 = tpu.memref_slice %arg3[%mul3A_230] : memref<1600000xi32, #tpu.memory_space<hbm>> -> memref<3584xi32, #tpu.memory_space<hbm>>
        %dma_wait3A_235 = tpu.memref_slice %arg18[%rem3A_132] : memref<2x!tpu.dma_semaphore, #tpu.memory_space<semaphore_mem>> -> memref<1x!tpu.dma_semaphore, #tpu.memory_space<semaphore_mem>>
        %dma_wait3A_236 = tpu.memref_squeeze %dma_wait3A_235 : memref<1x!tpu.dma_semaphore, #tpu.memory_space<semaphore_mem>> -> memref<!tpu.dma_semaphore, #tpu.memory_space<semaphore_mem>>
        %dma_wait3A_237 = arith.constant 0 : i32
        %dma_wait3A_238 = tpu.memref_slice %arg9[%rem3A_132, %dma_wait3A_237] : memref<2x3584xi32, #tpu.memory_space<vmem>> -> memref<1x3584xi32, #tpu.memory_space<vmem>>
        %dma_wait3A_239 = tpu.memref_squeeze %dma_wait3A_238 : memref<1x3584xi32, #tpu.memory_space<vmem>> -> memref<3584xi32, #tpu.memory_space<vmem>>
        %dma_wait3A_240 = tpu.memref_slice %arg3[%mul3A_230] : memref<1600000xi32, #tpu.memory_space<hbm>> -> memref<3584xi32, #tpu.memory_space<hbm>>
        tpu.wait_dma2 semaphore(%dma_wait3A_236 : memref<!tpu.dma_semaphore, #tpu.memory_space<semaphore_mem>>) src(%dma_wait3A_240 : memref<3584xi32, #tpu.memory_space<hbm>>) dst(%dma_wait3A_239 : memref<3584xi32, #tpu.memory_space<vmem>>)
        %add3A_241 = arith.constant 1 : i32
        %add3A_242 = arith.addi %scan3A_126, %add3A_241 : i32
        %dma_start3A_243 = arith.constant 0 : i32
        %dma_start3A_244 = arith.constant 0 : i32
        %dma_start3A_245 = tpu.memref_slice %arg10[%rem3A_132, %dma_start3A_243, %dma_start3A_244] : memref<2x3584x16xf32, #tpu.memory_space<vmem>> -> memref<1x3584x16xf32, #tpu.memory_space<vmem>>
        %dma_start3A_246 = tpu.memref_squeeze %dma_start3A_245 : memref<1x3584x16xf32, #tpu.memory_space<vmem>> -> memref<3584x16xf32, #tpu.memory_space<vmem>>
        %dma_start3A_247 = arith.constant 0 : i32
        %dma_start3A_248 = tpu.memref_slice %arg9[%rem3A_132, %dma_start3A_247] : memref<2x3584xi32, #tpu.memory_space<vmem>> -> memref<1x3584xi32, #tpu.memory_space<vmem>>
        %dma_start3A_249 = tpu.memref_squeeze %dma_start3A_248 : memref<1x3584xi32, #tpu.memory_space<vmem>> -> memref<3584xi32, #tpu.memory_space<vmem>>
        %dma_start3A_250 = arith.constant 0 : i32
        %dma_start3A_251 = arith.constant 0 : i32
        %dma_start3A_252 = tpu.memref_slice %arg2[%dma_start3A_250, %dma_start3A_251] : memref<100000x16xf32, #tpu.memory_space<hbm>> -> memref<100000x16xf32, #tpu.memory_space<hbm>>
        %dma_start3A_253 = tpu.memref_slice %arg16[%rem3A_132] : memref<2x!tpu.dma_semaphore, #tpu.memory_space<semaphore_mem>> -> memref<1x!tpu.dma_semaphore, #tpu.memory_space<semaphore_mem>>
        %dma_start3A_254 = tpu.memref_squeeze %dma_start3A_253 : memref<1x!tpu.dma_semaphore, #tpu.memory_space<semaphore_mem>> -> memref<!tpu.dma_semaphore, #tpu.memory_space<semaphore_mem>>
        tpu.enqueue_indirect_dma source(%dma_start3A_252 : memref<100000x16xf32, #tpu.memory_space<hbm>>) target(%dma_start3A_246 : memref<3584x16xf32, #tpu.memory_space<vmem>>) offsets(%dma_start3A_249 : memref<3584xi32, #tpu.memory_space<vmem>>) semaphore(%dma_start3A_254 : memref<!tpu.dma_semaphore, #tpu.memory_space<semaphore_mem>>)
        %mul3A_255 = arith.constant 224 : i32
        %mul3A_256 = arith.muli %add3A_242, %mul3A_255 : i32
        %add3A_257 = arith.addi %min3A_3, %mul3A_256 : i32
        %dma_start3A_258 = arith.constant 0 : i32
        %dma_start3A_259 = tpu.memref_slice %arg11[%rem3A_132, %dma_start3A_258] : memref<2x224xf32, #tpu.memory_space<vmem>> -> memref<1x224xf32, #tpu.memory_space<vmem>>
        %dma_start3A_260 = tpu.memref_squeeze %dma_start3A_259 : memref<1x224xf32, #tpu.memory_space<vmem>> -> memref<224xf32, #tpu.memory_space<vmem>>
        %dma_start3A_261 = tpu.memref_slice %arg4[%add3A_257] : memref<100000xf32, #tpu.memory_space<hbm>> -> memref<224xf32, #tpu.memory_space<hbm>>
        %dma_start3A_262 = tpu.memref_slice %arg17[%rem3A_132] : memref<2x!tpu.dma_semaphore, #tpu.memory_space<semaphore_mem>> -> memref<1x!tpu.dma_semaphore, #tpu.memory_space<semaphore_mem>>
        %dma_start3A_263 = tpu.memref_squeeze %dma_start3A_262 : memref<1x!tpu.dma_semaphore, #tpu.memory_space<semaphore_mem>> -> memref<!tpu.dma_semaphore, #tpu.memory_space<semaphore_mem>>
        %dma_start3A_264 = arith.constant 0 : i32
        %dma_start3A_265 = tpu.memref_slice %arg11[%rem3A_132, %dma_start3A_264] : memref<2x224xf32, #tpu.memory_space<vmem>> -> memref<1x224xf32, #tpu.memory_space<vmem>>
        %dma_start3A_266 = tpu.memref_squeeze %dma_start3A_265 : memref<1x224xf32, #tpu.memory_space<vmem>> -> memref<224xf32, #tpu.memory_space<vmem>>
        %dma_start3A_267 = tpu.memref_slice %arg4[%add3A_257] : memref<100000xf32, #tpu.memory_space<hbm>> -> memref<224xf32, #tpu.memory_space<hbm>>
        tpu.enqueue_dma source(%dma_start3A_267 : memref<224xf32, #tpu.memory_space<hbm>>) target(%dma_start3A_266 : memref<224xf32, #tpu.memory_space<vmem>>) target_semaphore(%dma_start3A_263 : memref<!tpu.dma_semaphore, #tpu.memory_space<semaphore_mem>>)
        %dma_start3A_268 = arith.constant 0 : i32
        %dma_start3A_269 = tpu.memref_slice %arg12[%rem3A_132, %dma_start3A_268] : memref<2x224xf32, #tpu.memory_space<vmem>> -> memref<1x224xf32, #tpu.memory_space<vmem>>
        %dma_start3A_270 = tpu.memref_squeeze %dma_start3A_269 : memref<1x224xf32, #tpu.memory_space<vmem>> -> memref<224xf32, #tpu.memory_space<vmem>>
        %dma_start3A_271 = tpu.memref_slice %arg5[%add3A_257] : memref<100000xf32, #tpu.memory_space<hbm>> -> memref<224xf32, #tpu.memory_space<hbm>>
        %dma_start3A_272 = tpu.memref_slice %arg17[%rem3A_132] : memref<2x!tpu.dma_semaphore, #tpu.memory_space<semaphore_mem>> -> memref<1x!tpu.dma_semaphore, #tpu.memory_space<semaphore_mem>>
        %dma_start3A_273 = tpu.memref_squeeze %dma_start3A_272 : memref<1x!tpu.dma_semaphore, #tpu.memory_space<semaphore_mem>> -> memref<!tpu.dma_semaphore, #tpu.memory_space<semaphore_mem>>
        %dma_start3A_274 = arith.constant 0 : i32
        %dma_start3A_275 = tpu.memref_slice %arg12[%rem3A_132, %dma_start3A_274] : memref<2x224xf32, #tpu.memory_space<vmem>> -> memref<1x224xf32, #tpu.memory_space<vmem>>
        %dma_start3A_276 = tpu.memref_squeeze %dma_start3A_275 : memref<1x224xf32, #tpu.memory_space<vmem>> -> memref<224xf32, #tpu.memory_space<vmem>>
        %dma_start3A_277 = tpu.memref_slice %arg5[%add3A_257] : memref<100000xf32, #tpu.memory_space<hbm>> -> memref<224xf32, #tpu.memory_space<hbm>>
        tpu.enqueue_dma source(%dma_start3A_277 : memref<224xf32, #tpu.memory_space<hbm>>) target(%dma_start3A_276 : memref<224xf32, #tpu.memory_space<vmem>>) target_semaphore(%dma_start3A_273 : memref<!tpu.dma_semaphore, #tpu.memory_space<semaphore_mem>>)
        %dma_start3A_278 = arith.constant 0 : i32
        %dma_start3A_279 = tpu.memref_slice %arg13[%rem3A_132, %dma_start3A_278] : memref<2x224xf32, #tpu.memory_space<vmem>> -> memref<1x224xf32, #tpu.memory_space<vmem>>
        %dma_start3A_280 = tpu.memref_squeeze %dma_start3A_279 : memref<1x224xf32, #tpu.memory_space<vmem>> -> memref<224xf32, #tpu.memory_space<vmem>>
        %dma_start3A_281 = tpu.memref_slice %arg6[%add3A_257] : memref<100000xf32, #tpu.memory_space<hbm>> -> memref<224xf32, #tpu.memory_space<hbm>>
        %dma_start3A_282 = tpu.memref_slice %arg17[%rem3A_132] : memref<2x!tpu.dma_semaphore, #tpu.memory_space<semaphore_mem>> -> memref<1x!tpu.dma_semaphore, #tpu.memory_space<semaphore_mem>>
        %dma_start3A_283 = tpu.memref_squeeze %dma_start3A_282 : memref<1x!tpu.dma_semaphore, #tpu.memory_space<semaphore_mem>> -> memref<!tpu.dma_semaphore, #tpu.memory_space<semaphore_mem>>
        %dma_start3A_284 = arith.constant 0 : i32
        %dma_start3A_285 = tpu.memref_slice %arg13[%rem3A_132, %dma_start3A_284] : memref<2x224xf32, #tpu.memory_space<vmem>> -> memref<1x224xf32, #tpu.memory_space<vmem>>
        %dma_start3A_286 = tpu.memref_squeeze %dma_start3A_285 : memref<1x224xf32, #tpu.memory_space<vmem>> -> memref<224xf32, #tpu.memory_space<vmem>>
        %dma_start3A_287 = tpu.memref_slice %arg6[%add3A_257] : memref<100000xf32, #tpu.memory_space<hbm>> -> memref<224xf32, #tpu.memory_space<hbm>>
        tpu.enqueue_dma source(%dma_start3A_287 : memref<224xf32, #tpu.memory_space<hbm>>) target(%dma_start3A_286 : memref<224xf32, #tpu.memory_space<vmem>>) target_semaphore(%dma_start3A_283 : memref<!tpu.dma_semaphore, #tpu.memory_space<semaphore_mem>>)
        %dma_start3A_288 = arith.constant 0 : i32
        %dma_start3A_289 = tpu.memref_slice %arg14[%rem3A_132, %dma_start3A_288] : memref<2x224xf32, #tpu.memory_space<vmem>> -> memref<1x224xf32, #tpu.memory_space<vmem>>
        %dma_start3A_290 = tpu.memref_squeeze %dma_start3A_289 : memref<1x224xf32, #tpu.memory_space<vmem>> -> memref<224xf32, #tpu.memory_space<vmem>>
        %dma_start3A_291 = tpu.memref_slice %arg7[%add3A_257] : memref<100000xf32, #tpu.memory_space<hbm>> -> memref<224xf32, #tpu.memory_space<hbm>>
        %dma_start3A_292 = tpu.memref_slice %arg17[%rem3A_132] : memref<2x!tpu.dma_semaphore, #tpu.memory_space<semaphore_mem>> -> memref<1x!tpu.dma_semaphore, #tpu.memory_space<semaphore_mem>>
        %dma_start3A_293 = tpu.memref_squeeze %dma_start3A_292 : memref<1x!tpu.dma_semaphore, #tpu.memory_space<semaphore_mem>> -> memref<!tpu.dma_semaphore, #tpu.memory_space<semaphore_mem>>
        %dma_start3A_294 = arith.constant 0 : i32
        %dma_start3A_295 = tpu.memref_slice %arg14[%rem3A_132, %dma_start3A_294] : memref<2x224xf32, #tpu.memory_space<vmem>> -> memref<1x224xf32, #tpu.memory_space<vmem>>
        %dma_start3A_296 = tpu.memref_squeeze %dma_start3A_295 : memref<1x224xf32, #tpu.memory_space<vmem>> -> memref<224xf32, #tpu.memory_space<vmem>>
        %dma_start3A_297 = tpu.memref_slice %arg7[%add3A_257] : memref<100000xf32, #tpu.memory_space<hbm>> -> memref<224xf32, #tpu.memory_space<hbm>>
        tpu.enqueue_dma source(%dma_start3A_297 : memref<224xf32, #tpu.memory_space<hbm>>) target(%dma_start3A_296 : memref<224xf32, #tpu.memory_space<vmem>>) target_semaphore(%dma_start3A_293 : memref<!tpu.dma_semaphore, #tpu.memory_space<semaphore_mem>>)
      } else {
      }
      %dma_wait3A_137 = arith.constant 0 : i32
      %dma_wait3A_138 = arith.constant 0 : i32
      %dma_wait3A_139 = tpu.memref_slice %arg10[%rem3A_128, %dma_wait3A_137, %dma_wait3A_138] : memref<2x3584x16xf32, #tpu.memory_space<vmem>> -> memref<1x3584x16xf32, #tpu.memory_space<vmem>>
      %dma_wait3A_140 = tpu.memref_squeeze %dma_wait3A_139 : memref<1x3584x16xf32, #tpu.memory_space<vmem>> -> memref<3584x16xf32, #tpu.memory_space<vmem>>
      %dma_wait3A_141 = arith.constant 0 : i32
      %dma_wait3A_142 = tpu.memref_slice %arg9[%rem3A_128, %dma_wait3A_141] : memref<2x3584xi32, #tpu.memory_space<vmem>> -> memref<1x3584xi32, #tpu.memory_space<vmem>>
      %dma_wait3A_143 = tpu.memref_squeeze %dma_wait3A_142 : memref<1x3584xi32, #tpu.memory_space<vmem>> -> memref<3584xi32, #tpu.memory_space<vmem>>
      %dma_wait3A_144 = arith.constant 0 : i32
      %dma_wait3A_145 = arith.constant 0 : i32
      %dma_wait3A_146 = tpu.memref_slice %arg2[%dma_wait3A_144, %dma_wait3A_145] : memref<100000x16xf32, #tpu.memory_space<hbm>> -> memref<100000x16xf32, #tpu.memory_space<hbm>>
      %dma_wait3A_147 = tpu.memref_slice %arg16[%rem3A_128] : memref<2x!tpu.dma_semaphore, #tpu.memory_space<semaphore_mem>> -> memref<1x!tpu.dma_semaphore, #tpu.memory_space<semaphore_mem>>
      %dma_wait3A_148 = tpu.memref_squeeze %dma_wait3A_147 : memref<1x!tpu.dma_semaphore, #tpu.memory_space<semaphore_mem>> -> memref<!tpu.dma_semaphore, #tpu.memory_space<semaphore_mem>>
      tpu.wait_indirect_dma semaphore(%dma_wait3A_148 : memref<!tpu.dma_semaphore, #tpu.memory_space<semaphore_mem>>) src(%dma_wait3A_146 : memref<100000x16xf32, #tpu.memory_space<hbm>>) dst(%dma_wait3A_140 : memref<3584x16xf32, #tpu.memory_space<vmem>>)
      %add3A_149 = arith.constant 2 : i32
      %add3A_150 = arith.addi %scan3A_126, %add3A_149 : i32
      %lt3A_151 = arith.constant 14 : i32
      %lt3A_152 = arith.cmpi slt, %add3A_150, %lt3A_151 : i32
      %convert_element_type3A_153 = arith.extui %lt3A_152 : i1 to i32
      %cond3A_154 = arith.constant 0 : i32
      %cond3A_155 = arith.cmpi ne, %convert_element_type3A_153, %cond3A_154 : i32
      scf.if %cond3A_155 {
        %add3A_224 = arith.constant 2 : i32
        %add3A_225 = arith.addi %scan3A_126, %add3A_224 : i32
        %mul3A_226 = arith.constant 224 : i32
        %mul3A_227 = arith.muli %add3A_225, %mul3A_226 : i32
        %add3A_228 = arith.addi %min3A_3, %mul3A_227 : i32
        %mul3A_229 = arith.constant 16 : i32
        %mul3A_230 = arith.muli %add3A_228, %mul3A_229 : i32
        %dma_start3A_231 = arith.constant 0 : i32
        %dma_start3A_232 = tpu.memref_slice %arg9[%rem3A_128, %dma_start3A_231] : memref<2x3584xi32, #tpu.memory_space<vmem>> -> memref<1x3584xi32, #tpu.memory_space<vmem>>
        %dma_start3A_233 = tpu.memref_squeeze %dma_start3A_232 : memref<1x3584xi32, #tpu.memory_space<vmem>> -> memref<3584xi32, #tpu.memory_space<vmem>>
        %dma_start3A_234 = tpu.memref_slice %arg3[%mul3A_230] : memref<1600000xi32, #tpu.memory_space<hbm>> -> memref<3584xi32, #tpu.memory_space<hbm>>
        %dma_start3A_235 = tpu.memref_slice %arg18[%rem3A_128] : memref<2x!tpu.dma_semaphore, #tpu.memory_space<semaphore_mem>> -> memref<1x!tpu.dma_semaphore, #tpu.memory_space<semaphore_mem>>
        %dma_start3A_236 = tpu.memref_squeeze %dma_start3A_235 : memref<1x!tpu.dma_semaphore, #tpu.memory_space<semaphore_mem>> -> memref<!tpu.dma_semaphore, #tpu.memory_space<semaphore_mem>>
        %dma_start3A_237 = arith.constant 0 : i32
        %dma_start3A_238 = tpu.memref_slice %arg9[%rem3A_128, %dma_start3A_237] : memref<2x3584xi32, #tpu.memory_space<vmem>> -> memref<1x3584xi32, #tpu.memory_space<vmem>>
        %dma_start3A_239 = tpu.memref_squeeze %dma_start3A_238 : memref<1x3584xi32, #tpu.memory_space<vmem>> -> memref<3584xi32, #tpu.memory_space<vmem>>
        %dma_start3A_240 = tpu.memref_slice %arg3[%mul3A_230] : memref<1600000xi32, #tpu.memory_space<hbm>> -> memref<3584xi32, #tpu.memory_space<hbm>>
        tpu.enqueue_dma source(%dma_start3A_240 : memref<3584xi32, #tpu.memory_space<hbm>>) target(%dma_start3A_239 : memref<3584xi32, #tpu.memory_space<vmem>>) target_semaphore(%dma_start3A_236 : memref<!tpu.dma_semaphore, #tpu.memory_space<semaphore_mem>>)
      } else {
      }
      %ge3A = arith.constant 2 : i32
      %ge3A_156 = arith.cmpi sge, %scan3A_126, %ge3A : i32
      %convert_element_type3A_157 = arith.extui %ge3A_156 : i1 to i32
      %cond3A_158 = arith.constant 0 : i32
      %cond3A_159 = arith.cmpi ne, %convert_element_type3A_157, %cond3A_158 : i32
      scf.if %cond3A_159 {
        %sub3A = arith.constant 2 : i32
        %sub3A_224 = arith.subi %scan3A_126, %sub3A : i32
        %mul3A_225 = arith.constant 224 : i32
        %mul3A_226 = arith.muli %sub3A_224, %mul3A_225 : i32
        %add3A_227 = arith.addi %min3A_3, %mul3A_226 : i32
        %dma_wait3A_228 = arith.constant 0 : i32
        %dma_wait3A_229 = tpu.memref_slice %arg15[%rem3A_128, %dma_wait3A_228] : memref<2x224xf32, #tpu.memory_space<vmem>> -> memref<1x224xf32, #tpu.memory_space<vmem>>
        %dma_wait3A_230 = tpu.memref_squeeze %dma_wait3A_229 : memref<1x224xf32, #tpu.memory_space<vmem>> -> memref<224xf32, #tpu.memory_space<vmem>>
        %dma_wait3A_231 = tpu.memref_slice %arg8[%add3A_227] : memref<100000xf32, #tpu.memory_space<hbm>> -> memref<224xf32, #tpu.memory_space<hbm>>
        %dma_wait3A_232 = tpu.memref_slice %arg19[%rem3A_128] : memref<2x!tpu.dma_semaphore, #tpu.memory_space<semaphore_mem>> -> memref<1x!tpu.dma_semaphore, #tpu.memory_space<semaphore_mem>>
        %dma_wait3A_233 = tpu.memref_squeeze %dma_wait3A_232 : memref<1x!tpu.dma_semaphore, #tpu.memory_space<semaphore_mem>> -> memref<!tpu.dma_semaphore, #tpu.memory_space<semaphore_mem>>
        %dma_wait3A_234 = tpu.memref_slice %arg8[%add3A_227] : memref<100000xf32, #tpu.memory_space<hbm>> -> memref<224xf32, #tpu.memory_space<hbm>>
        %dma_wait3A_235 = arith.constant 0 : i32
        %dma_wait3A_236 = tpu.memref_slice %arg15[%rem3A_128, %dma_wait3A_235] : memref<2x224xf32, #tpu.memory_space<vmem>> -> memref<1x224xf32, #tpu.memory_space<vmem>>
        %dma_wait3A_237 = tpu.memref_squeeze %dma_wait3A_236 : memref<1x224xf32, #tpu.memory_space<vmem>> -> memref<224xf32, #tpu.memory_space<vmem>>
        tpu.wait_dma2 semaphore(%dma_wait3A_233 : memref<!tpu.dma_semaphore, #tpu.memory_space<semaphore_mem>>) src(%dma_wait3A_237 : memref<224xf32, #tpu.memory_space<vmem>>) dst(%dma_wait3A_234 : memref<224xf32, #tpu.memory_space<hbm>>)
      } else {
      }
      %mul3A_160 = arith.constant 224 : i32
      %mul3A_161 = arith.muli %scan3A_126, %mul3A_160 : i32
      %add3A_162 = arith.addi %min3A_3, %mul3A_161 : i32
      %dma_wait3A_163 = arith.constant 0 : i32
      %dma_wait3A_164 = tpu.memref_slice %arg11[%rem3A_128, %dma_wait3A_163] : memref<2x224xf32, #tpu.memory_space<vmem>> -> memref<1x224xf32, #tpu.memory_space<vmem>>
      %dma_wait3A_165 = tpu.memref_squeeze %dma_wait3A_164 : memref<1x224xf32, #tpu.memory_space<vmem>> -> memref<224xf32, #tpu.memory_space<vmem>>
      %dma_wait3A_166 = tpu.memref_slice %arg4[%add3A_162] : memref<100000xf32, #tpu.memory_space<hbm>> -> memref<224xf32, #tpu.memory_space<hbm>>
      %dma_wait3A_167 = tpu.memref_slice %arg17[%rem3A_128] : memref<2x!tpu.dma_semaphore, #tpu.memory_space<semaphore_mem>> -> memref<1x!tpu.dma_semaphore, #tpu.memory_space<semaphore_mem>>
      %dma_wait3A_168 = tpu.memref_squeeze %dma_wait3A_167 : memref<1x!tpu.dma_semaphore, #tpu.memory_space<semaphore_mem>> -> memref<!tpu.dma_semaphore, #tpu.memory_space<semaphore_mem>>
      %dma_wait3A_169 = arith.constant 0 : i32
      %dma_wait3A_170 = tpu.memref_slice %arg11[%rem3A_128, %dma_wait3A_169] : memref<2x224xf32, #tpu.memory_space<vmem>> -> memref<1x224xf32, #tpu.memory_space<vmem>>
      %dma_wait3A_171 = tpu.memref_squeeze %dma_wait3A_170 : memref<1x224xf32, #tpu.memory_space<vmem>> -> memref<224xf32, #tpu.memory_space<vmem>>
      %dma_wait3A_172 = tpu.memref_slice %arg4[%add3A_162] : memref<100000xf32, #tpu.memory_space<hbm>> -> memref<224xf32, #tpu.memory_space<hbm>>
      tpu.wait_dma2 semaphore(%dma_wait3A_168 : memref<!tpu.dma_semaphore, #tpu.memory_space<semaphore_mem>>) src(%dma_wait3A_172 : memref<224xf32, #tpu.memory_space<hbm>>) dst(%dma_wait3A_171 : memref<224xf32, #tpu.memory_space<vmem>>)
      %dma_wait3A_173 = arith.constant 0 : i32
      %dma_wait3A_174 = tpu.memref_slice %arg12[%rem3A_128, %dma_wait3A_173] : memref<2x224xf32, #tpu.memory_space<vmem>> -> memref<1x224xf32, #tpu.memory_space<vmem>>
      %dma_wait3A_175 = tpu.memref_squeeze %dma_wait3A_174 : memref<1x224xf32, #tpu.memory_space<vmem>> -> memref<224xf32, #tpu.memory_space<vmem>>
      %dma_wait3A_176 = tpu.memref_slice %arg5[%add3A_162] : memref<100000xf32, #tpu.memory_space<hbm>> -> memref<224xf32, #tpu.memory_space<hbm>>
      %dma_wait3A_177 = tpu.memref_slice %arg17[%rem3A_128] : memref<2x!tpu.dma_semaphore, #tpu.memory_space<semaphore_mem>> -> memref<1x!tpu.dma_semaphore, #tpu.memory_space<semaphore_mem>>
      %dma_wait3A_178 = tpu.memref_squeeze %dma_wait3A_177 : memref<1x!tpu.dma_semaphore, #tpu.memory_space<semaphore_mem>> -> memref<!tpu.dma_semaphore, #tpu.memory_space<semaphore_mem>>
      %dma_wait3A_179 = arith.constant 0 : i32
      %dma_wait3A_180 = tpu.memref_slice %arg12[%rem3A_128, %dma_wait3A_179] : memref<2x224xf32, #tpu.memory_space<vmem>> -> memref<1x224xf32, #tpu.memory_space<vmem>>
      %dma_wait3A_181 = tpu.memref_squeeze %dma_wait3A_180 : memref<1x224xf32, #tpu.memory_space<vmem>> -> memref<224xf32, #tpu.memory_space<vmem>>
      %dma_wait3A_182 = tpu.memref_slice %arg5[%add3A_162] : memref<100000xf32, #tpu.memory_space<hbm>> -> memref<224xf32, #tpu.memory_space<hbm>>
      tpu.wait_dma2 semaphore(%dma_wait3A_178 : memref<!tpu.dma_semaphore, #tpu.memory_space<semaphore_mem>>) src(%dma_wait3A_182 : memref<224xf32, #tpu.memory_space<hbm>>) dst(%dma_wait3A_181 : memref<224xf32, #tpu.memory_space<vmem>>)
      %dma_wait3A_183 = arith.constant 0 : i32
      %dma_wait3A_184 = tpu.memref_slice %arg13[%rem3A_128, %dma_wait3A_183] : memref<2x224xf32, #tpu.memory_space<vmem>> -> memref<1x224xf32, #tpu.memory_space<vmem>>
      %dma_wait3A_185 = tpu.memref_squeeze %dma_wait3A_184 : memref<1x224xf32, #tpu.memory_space<vmem>> -> memref<224xf32, #tpu.memory_space<vmem>>
      %dma_wait3A_186 = tpu.memref_slice %arg6[%add3A_162] : memref<100000xf32, #tpu.memory_space<hbm>> -> memref<224xf32, #tpu.memory_space<hbm>>
      %dma_wait3A_187 = tpu.memref_slice %arg17[%rem3A_128] : memref<2x!tpu.dma_semaphore, #tpu.memory_space<semaphore_mem>> -> memref<1x!tpu.dma_semaphore, #tpu.memory_space<semaphore_mem>>
      %dma_wait3A_188 = tpu.memref_squeeze %dma_wait3A_187 : memref<1x!tpu.dma_semaphore, #tpu.memory_space<semaphore_mem>> -> memref<!tpu.dma_semaphore, #tpu.memory_space<semaphore_mem>>
      %dma_wait3A_189 = arith.constant 0 : i32
      %dma_wait3A_190 = tpu.memref_slice %arg13[%rem3A_128, %dma_wait3A_189] : memref<2x224xf32, #tpu.memory_space<vmem>> -> memref<1x224xf32, #tpu.memory_space<vmem>>
      %dma_wait3A_191 = tpu.memref_squeeze %dma_wait3A_190 : memref<1x224xf32, #tpu.memory_space<vmem>> -> memref<224xf32, #tpu.memory_space<vmem>>
      %dma_wait3A_192 = tpu.memref_slice %arg6[%add3A_162] : memref<100000xf32, #tpu.memory_space<hbm>> -> memref<224xf32, #tpu.memory_space<hbm>>
      tpu.wait_dma2 semaphore(%dma_wait3A_188 : memref<!tpu.dma_semaphore, #tpu.memory_space<semaphore_mem>>) src(%dma_wait3A_192 : memref<224xf32, #tpu.memory_space<hbm>>) dst(%dma_wait3A_191 : memref<224xf32, #tpu.memory_space<vmem>>)
      %dma_wait3A_193 = arith.constant 0 : i32
      %dma_wait3A_194 = tpu.memref_slice %arg14[%rem3A_128, %dma_wait3A_193] : memref<2x224xf32, #tpu.memory_space<vmem>> -> memref<1x224xf32, #tpu.memory_space<vmem>>
      %dma_wait3A_195 = tpu.memref_squeeze %dma_wait3A_194 : memref<1x224xf32, #tpu.memory_space<vmem>> -> memref<224xf32, #tpu.memory_space<vmem>>
      %dma_wait3A_196 = tpu.memref_slice %arg7[%add3A_162] : memref<100000xf32, #tpu.memory_space<hbm>> -> memref<224xf32, #tpu.memory_space<hbm>>
      %dma_wait3A_197 = tpu.memref_slice %arg17[%rem3A_128] : memref<2x!tpu.dma_semaphore, #tpu.memory_space<semaphore_mem>> -> memref<1x!tpu.dma_semaphore, #tpu.memory_space<semaphore_mem>>
      %dma_wait3A_198 = tpu.memref_squeeze %dma_wait3A_197 : memref<1x!tpu.dma_semaphore, #tpu.memory_space<semaphore_mem>> -> memref<!tpu.dma_semaphore, #tpu.memory_space<semaphore_mem>>
      %dma_wait3A_199 = arith.constant 0 : i32
      %dma_wait3A_200 = tpu.memref_slice %arg14[%rem3A_128, %dma_wait3A_199] : memref<2x224xf32, #tpu.memory_space<vmem>> -> memref<1x224xf32, #tpu.memory_space<vmem>>
      %dma_wait3A_201 = tpu.memref_squeeze %dma_wait3A_200 : memref<1x224xf32, #tpu.memory_space<vmem>> -> memref<224xf32, #tpu.memory_space<vmem>>
      %dma_wait3A_202 = tpu.memref_slice %arg7[%add3A_162] : memref<100000xf32, #tpu.memory_space<hbm>> -> memref<224xf32, #tpu.memory_space<hbm>>
      tpu.wait_dma2 semaphore(%dma_wait3A_198 : memref<!tpu.dma_semaphore, #tpu.memory_space<semaphore_mem>>) src(%dma_wait3A_202 : memref<224xf32, #tpu.memory_space<hbm>>) dst(%dma_wait3A_201 : memref<224xf32, #tpu.memory_space<vmem>>)
      %scan3A_203 = arith.constant 0 : i32
      %scan3A_204 = arith.constant 0 : i32
      %scan3A_205 = arith.constant 7 : i32
      %scan3A_206 = arith.addi %scan3A_204, %scan3A_205 : i32
      %scan3A_207 = arith.constant 1 : i32
      %scan3A_208 = scf.for %scan3A_224 = %scan3A_204 to %scan3A_206 step %scan3A_207 iter_args(%scan3A_225 = %scan3A_203) -> (i32)  : i32 {
        %mul3A_226 = arith.constant 2 : i32
        %mul3A_227 = arith.muli %scan3A_224, %mul3A_226 : i32
        %mul3A_228 = arith.constant 2 : i32
        %mul3A_229 = arith.muli %scan3A_224, %mul3A_228 : i32
        %add3A_230 = arith.constant 1 : i32
        %add3A_231 = arith.addi %mul3A_229, %add3A_230 : i32
        %mul3A_232 = arith.constant 16 : i32
        %mul3A_233 = arith.muli %mul3A_227, %mul3A_232 : i32
        %get3A = arith.constant 0 : i32
        %get3A_234 = tpu.memref_slice %arg11[%rem3A_128, %get3A] : memref<2x224xf32, #tpu.memory_space<vmem>> -> memref<1x224xf32, #tpu.memory_space<vmem>>
        %get3A_235 = tpu.memref_squeeze %get3A_234 : memref<1x224xf32, #tpu.memory_space<vmem>> -> memref<224xf32, #tpu.memory_space<vmem>>
        %get3A_236 = arith.index_cast %mul3A_233 : i32 to index
        %get3A_237 = tpu.vector_load %get3A_235[%get3A_236] {strides = array<i32>} : memref<224xf32, #tpu.memory_space<vmem>>, vector<16xf32>,
        %mul3A_238 = arith.constant 16 : i32
        %mul3A_239 = arith.muli %add3A_231, %mul3A_238 : i32
        %get3A_240 = arith.constant 0 : i32
        %get3A_241 = tpu.memref_slice %arg11[%rem3A_128, %get3A_240] : memref<2x224xf32, #tpu.memory_space<vmem>> -> memref<1x224xf32, #tpu.memory_space<vmem>>
        %get3A_242 = tpu.memref_squeeze %get3A_241 : memref<1x224xf32, #tpu.memory_space<vmem>> -> memref<224xf32, #tpu.memory_space<vmem>>
        %get3A_243 = arith.index_cast %mul3A_239 : i32 to index
        %get3A_244 = tpu.vector_load %get3A_242[%get3A_243] {strides = array<i32>} : memref<224xf32, #tpu.memory_space<vmem>>, vector<16xf32>,
        %mul3A_245 = arith.constant 16 : i32
        %mul3A_246 = arith.muli %mul3A_227, %mul3A_245 : i32
        %get3A_247 = arith.constant 0 : i32
        %get3A_248 = tpu.memref_slice %arg12[%rem3A_128, %get3A_247] : memref<2x224xf32, #tpu.memory_space<vmem>> -> memref<1x224xf32, #tpu.memory_space<vmem>>
        %get3A_249 = tpu.memref_squeeze %get3A_248 : memref<1x224xf32, #tpu.memory_space<vmem>> -> memref<224xf32, #tpu.memory_space<vmem>>
        %get3A_250 = arith.index_cast %mul3A_246 : i32 to index
        %get3A_251 = tpu.vector_load %get3A_249[%get3A_250] {strides = array<i32>} : memref<224xf32, #tpu.memory_space<vmem>>, vector<16xf32>,
        %mul3A_252 = arith.constant 16 : i32
        %mul3A_253 = arith.muli %add3A_231, %mul3A_252 : i32
        %get3A_254 = arith.constant 0 : i32
        %get3A_255 = tpu.memref_slice %arg12[%rem3A_128, %get3A_254] : memref<2x224xf32, #tpu.memory_space<vmem>> -> memref<1x224xf32, #tpu.memory_space<vmem>>
        %get3A_256 = tpu.memref_squeeze %get3A_255 : memref<1x224xf32, #tpu.memory_space<vmem>> -> memref<224xf32, #tpu.memory_space<vmem>>
        %get3A_257 = arith.index_cast %mul3A_253 : i32 to index
        %get3A_258 = tpu.vector_load %get3A_256[%get3A_257] {strides = array<i32>} : memref<224xf32, #tpu.memory_space<vmem>>, vector<16xf32>,
        %mul3A_259 = arith.constant 16 : i32
        %mul3A_260 = arith.muli %mul3A_227, %mul3A_259 : i32
        %get3A_261 = arith.constant 0 : i32
        %get3A_262 = tpu.memref_slice %arg13[%rem3A_128, %get3A_261] : memref<2x224xf32, #tpu.memory_space<vmem>> -> memref<1x224xf32, #tpu.memory_space<vmem>>
        %get3A_263 = tpu.memref_squeeze %get3A_262 : memref<1x224xf32, #tpu.memory_space<vmem>> -> memref<224xf32, #tpu.memory_space<vmem>>
        %get3A_264 = arith.index_cast %mul3A_260 : i32 to index
        %get3A_265 = tpu.vector_load %get3A_263[%get3A_264] {strides = array<i32>} : memref<224xf32, #tpu.memory_space<vmem>>, vector<16xf32>,
        %mul3A_266 = arith.constant 16 : i32
        %mul3A_267 = arith.muli %add3A_231, %mul3A_266 : i32
        %get3A_268 = arith.constant 0 : i32
        %get3A_269 = tpu.memref_slice %arg13[%rem3A_128, %get3A_268] : memref<2x224xf32, #tpu.memory_space<vmem>> -> memref<1x224xf32, #tpu.memory_space<vmem>>
        %get3A_270 = tpu.memref_squeeze %get3A_269 : memref<1x224xf32, #tpu.memory_space<vmem>> -> memref<224xf32, #tpu.memory_space<vmem>>
        %get3A_271 = arith.index_cast %mul3A_267 : i32 to index
        %get3A_272 = tpu.vector_load %get3A_270[%get3A_271] {strides = array<i32>} : memref<224xf32, #tpu.memory_space<vmem>>, vector<16xf32>,
        %mul3A_273 = arith.constant 16 : i32
        %mul3A_274 = arith.muli %mul3A_227, %mul3A_273 : i32
        %get3A_275 = arith.constant 0 : i32
        %get3A_276 = tpu.memref_slice %arg14[%rem3A_128, %get3A_275] : memref<2x224xf32, #tpu.memory_space<vmem>> -> memref<1x224xf32, #tpu.memory_space<vmem>>
        %get3A_277 = tpu.memref_squeeze %get3A_276 : memref<1x224xf32, #tpu.memory_space<vmem>> -> memref<224xf32, #tpu.memory_space<vmem>>
        %get3A_278 = arith.index_cast %mul3A_274 : i32 to index
        %get3A_279 = tpu.vector_load %get3A_277[%get3A_278] {strides = array<i32>} : memref<224xf32, #tpu.memory_space<vmem>>, vector<16xf32>,
        %mul3A_280 = arith.constant 16 : i32
        %mul3A_281 = arith.muli %add3A_231, %mul3A_280 : i32
        %get3A_282 = arith.constant 0 : i32
        %get3A_283 = tpu.memref_slice %arg14[%rem3A_128, %get3A_282] : memref<2x224xf32, #tpu.memory_space<vmem>> -> memref<1x224xf32, #tpu.memory_space<vmem>>
        %get3A_284 = tpu.memref_squeeze %get3A_283 : memref<1x224xf32, #tpu.memory_space<vmem>> -> memref<224xf32, #tpu.memory_space<vmem>>
        %get3A_285 = arith.index_cast %mul3A_281 : i32 to index
        %get3A_286 = tpu.vector_load %get3A_284[%get3A_285] {strides = array<i32>} : memref<224xf32, #tpu.memory_space<vmem>>, vector<16xf32>,
        %mul3A_287 = arith.constant 256 : i32
        %mul3A_288 = arith.muli %mul3A_227, %mul3A_287 : i32
        %mul3A_289 = arith.constant 16 : i32
        %mul3A_290 = vector.broadcast %mul3A_289 : i32 to vector<16xi32>
        %mul3A_291 = arith.muli %iota3A, %mul3A_290 : vector<16xi32>
        %add3A_292 = vector.broadcast %mul3A_288 : i32 to vector<16xi32>
        %add3A_293 = arith.addi %add3A_292, %mul3A_291 : vector<16xi32>
        %mul3A_294 = arith.constant 256 : i32
        %mul3A_295 = arith.muli %add3A_231, %mul3A_294 : i32
        %mul3A_296 = arith.constant 16 : i32
        %mul3A_297 = vector.broadcast %mul3A_296 : i32 to vector<16xi32>
        %mul3A_298 = arith.muli %iota3A, %mul3A_297 : vector<16xi32>
        %add3A_299 = vector.broadcast %mul3A_295 : i32 to vector<16xi32>
        %add3A_300 = arith.addi %add3A_299, %mul3A_298 : vector<16xi32>
        %add3A_301 = arith.constant 0 : i32
        %add3A_302 = vector.broadcast %add3A_301 : i32 to vector<16xi32>
        %add3A_303 = arith.addi %add3A_293, %add3A_302 : vector<16xi32>
        %gather3A = arith.constant 0 : i32
        %gather3A_304 = arith.constant 0 : i32
        %gather3A_305 = tpu.memref_slice %arg10[%rem3A_128, %gather3A, %gather3A_304] : memref<2x3584x16xf32, #tpu.memory_space<vmem>> -> memref<1x3584x16xf32, #tpu.memory_space<vmem>>
        %gather3A_306 = tpu.memref_squeeze %gather3A_305 : memref<1x3584x16xf32, #tpu.memory_space<vmem>> -> memref<3584x16xf32, #tpu.memory_space<vmem>>
        %gather3A_307 = tpu.vector_load_idx %gather3A_306[%add3A_303, %broadcast_in_dim3A_4] : memref<3584x16xf32, #tpu.memory_space<vmem>>[vector<16xi32>, vector<16xi32>], vector<16xf32>,
        %gather3A_308 = arith.constant 0 : i32
        %gather3A_309 = arith.constant 0 : i32
        %gather3A_310 = tpu.memref_slice %arg10[%rem3A_128, %gather3A_308, %gather3A_309] : memref<2x3584x16xf32, #tpu.memory_space<vmem>> -> memref<1x3584x16xf32, #tpu.memory_space<vmem>>
        %gather3A_311 = tpu.memref_squeeze %gather3A_310 : memref<1x3584x16xf32, #tpu.memory_space<vmem>> -> memref<3584x16xf32, #tpu.memory_space<vmem>>
        %gather3A_312 = tpu.vector_load_idx %gather3A_311[%add3A_303, %broadcast_in_dim3A_6] : memref<3584x16xf32, #tpu.memory_space<vmem>>[vector<16xi32>, vector<16xi32>], vector<16xf32>,
        %gather3A_313 = arith.constant 0 : i32
        %gather3A_314 = arith.constant 0 : i32
        %gather3A_315 = tpu.memref_slice %arg10[%rem3A_128, %gather3A_313, %gather3A_314] : memref<2x3584x16xf32, #tpu.memory_space<vmem>> -> memref<1x3584x16xf32, #tpu.memory_space<vmem>>
        %gather3A_316 = tpu.memref_squeeze %gather3A_315 : memref<1x3584x16xf32, #tpu.memory_space<vmem>> -> memref<3584x16xf32, #tpu.memory_space<vmem>>
        %gather3A_317 = tpu.vector_load_idx %gather3A_316[%add3A_303, %broadcast_in_dim3A_8] : memref<3584x16xf32, #tpu.memory_space<vmem>>[vector<16xi32>, vector<16xi32>], vector<16xf32>,
        %sub3A = arith.subf %gather3A_317, %gather3A_312 : vector<16xf32>
        %gt3A = arith.constant 0.000000e+00 : f32
        %gt3A_318 = vector.broadcast %gt3A : f32 to vector<16xf32>
        %gt3A_319 = arith.cmpf ogt, %gather3A_317, %gt3A_318 : vector<16xf32>
        %sub3A_320 = arith.subf %get3A_237, %gather3A_307 : vector<16xf32>
        %abs3A = math.absf %sub3A_320 : vector<16xf32>
        %mul3A_321 = arith.mulf %gather3A_312, %get3A_251 : vector<16xf32>
        %mul3A_322 = arith.mulf %sub3A, %get3A_265 : vector<16xf32>
        %add3A_323 = arith.addf %mul3A_321, %mul3A_322 : vector<16xf32>
        %exp3A = math.exp %add3A_323 : vector<16xf32>
        %mul3A_324 = arith.mulf %gather3A_312, %get3A_265 : vector<16xf32>
        %mul3A_325 = arith.mulf %sub3A, %get3A_251 : vector<16xf32>
        %add3A_326 = arith.addf %mul3A_324, %mul3A_325 : vector<16xf32>
        %exp3A_327 = math.exp %add3A_326 : vector<16xf32>
        %mul3A_328 = arith.mulf %get3A_237, %exp3A : vector<16xf32>
        %add3A_329 = arith.addf %mul3A_328, %exp3A_327 : vector<16xf32>
        %mul3A_330 = arith.mulf %get3A_237, %exp3A_327 : vector<16xf32>
        %sub3A_331 = arith.subf %add3A_329, %mul3A_330 : vector<16xf32>
        %sub3A_332 = arith.constant 1.000000e+00 : f32
        %sub3A_333 = vector.broadcast %sub3A_332 : f32 to vector<16xf32>
        %sub3A_334 = arith.subf %sub3A_333, %sub3A_331 : vector<16xf32>
        %jit3A = arith.constant 1.000000e+00 : f32
        %broadcast_in_dim3A_335 = vector.broadcast %jit3A : f32 to vector<16xf32>
        %select_n3A = arith.select %gt3A_319, %sub3A_334, %broadcast_in_dim3A_335 : vector<16xi1>, vector<16xf32>
        %mul3A_336 = arith.mulf %abs3A, %get3A_279 : vector<16xf32>
        %min3A_337 = arith.constant 1.000000e+00 : f32
        %min3A_338 = vector.broadcast %min3A_337 : f32 to vector<16xf32>
        %min3A_339 = arith.minimumf %mul3A_336, %min3A_338 : vector<16xf32>
        %mul3A_340 = arith.mulf %min3A_339, %sub3A_334 : vector<16xf32>
        %sub3A_341 = arith.constant 1.000000e+00 : f32
        %sub3A_342 = vector.broadcast %sub3A_341 : f32 to vector<16xf32>
        %sub3A_343 = arith.subf %sub3A_342, %mul3A_340 : vector<16xf32>
        %mul3A_344 = arith.mulf %mul3A_328, %sub3A_343 : vector<16xf32>
        %mul3A_345 = arith.mulf %mul3A_344, %select_n3A : vector<16xf32>
        %sub3A_346 = arith.subf %get3A_237, %mul3A_328 : vector<16xf32>
        %sub3A_347 = arith.constant 1.000000e+00 : f32
        %sub3A_348 = vector.broadcast %sub3A_347 : f32 to vector<16xf32>
        %sub3A_349 = arith.subf %sub3A_348, %sub3A_343 : vector<16xf32>
        %mul3A_350 = arith.mulf %sub3A_346, %sub3A_349 : vector<16xf32>
        %mul3A_351 = arith.mulf %mul3A_350, %sub3A_331 : vector<16xf32>
        %add3A_352 = arith.addf %mul3A_345, %mul3A_351 : vector<16xf32>
        %mul3A_353 = arith.mulf %sub3A_331, %select_n3A : vector<16xf32>
        %div3A = arith.divf %add3A_352, %mul3A_353 : vector<16xf32>
        %select_n3A_354 = arith.select %gt3A_319, %div3A, %get3A_237 : vector<16xi1>, vector<16xf32>
        %add3A_355 = arith.constant 0 : i32
        %add3A_356 = vector.broadcast %add3A_355 : i32 to vector<16xi32>
        %add3A_357 = arith.addi %add3A_300, %add3A_356 : vector<16xi32>
        %gather3A_358 = arith.constant 0 : i32
        %gather3A_359 = arith.constant 0 : i32
        %gather3A_360 = tpu.memref_slice %arg10[%rem3A_128, %gather3A_358, %gather3A_359] : memref<2x3584x16xf32, #tpu.memory_space<vmem>> -> memref<1x3584x16xf32, #tpu.memory_space<vmem>>
        %gather3A_361 = tpu.memref_squeeze %gather3A_360 : memref<1x3584x16xf32, #tpu.memory_space<vmem>> -> memref<3584x16xf32, #tpu.memory_space<vmem>>
        %gather3A_362 = tpu.vector_load_idx %gather3A_361[%add3A_357, %broadcast_in_dim3A_4] : memref<3584x16xf32, #tpu.memory_space<vmem>>[vector<16xi32>, vector<16xi32>], vector<16xf32>,
        %gather3A_363 = arith.constant 0 : i32
        %gather3A_364 = arith.constant 0 : i32
        %gather3A_365 = tpu.memref_slice %arg10[%rem3A_128, %gather3A_363, %gather3A_364] : memref<2x3584x16xf32, #tpu.memory_space<vmem>> -> memref<1x3584x16xf32, #tpu.memory_space<vmem>>
        %gather3A_366 = tpu.memref_squeeze %gather3A_365 : memref<1x3584x16xf32, #tpu.memory_space<vmem>> -> memref<3584x16xf32, #tpu.memory_space<vmem>>
        %gather3A_367 = tpu.vector_load_idx %gather3A_366[%add3A_357, %broadcast_in_dim3A_6] : memref<3584x16xf32, #tpu.memory_space<vmem>>[vector<16xi32>, vector<16xi32>], vector<16xf32>,
        %gather3A_368 = arith.constant 0 : i32
        %gather3A_369 = arith.constant 0 : i32
        %gather3A_370 = tpu.memref_slice %arg10[%rem3A_128, %gather3A_368, %gather3A_369] : memref<2x3584x16xf32, #tpu.memory_space<vmem>> -> memref<1x3584x16xf32, #tpu.memory_space<vmem>>
        %gather3A_371 = tpu.memref_squeeze %gather3A_370 : memref<1x3584x16xf32, #tpu.memory_space<vmem>> -> memref<3584x16xf32, #tpu.memory_space<vmem>>
        %gather3A_372 = tpu.vector_load_idx %gather3A_371[%add3A_357, %broadcast_in_dim3A_8] : memref<3584x16xf32, #tpu.memory_space<vmem>>[vector<16xi32>, vector<16xi32>], vector<16xf32>,
        %sub3A_373 = arith.subf %gather3A_372, %gather3A_367 : vector<16xf32>
        %gt3A_374 = arith.constant 0.000000e+00 : f32
        %gt3A_375 = vector.broadcast %gt3A_374 : f32 to vector<16xf32>
        %gt3A_376 = arith.cmpf ogt, %gather3A_372, %gt3A_375 : vector<16xf32>
        %sub3A_377 = arith.subf %get3A_244, %gather3A_362 : vector<16xf32>
        %abs3A_378 = math.absf %sub3A_377 : vector<16xf32>
        %mul3A_379 = arith.mulf %gather3A_367, %get3A_258 : vector<16xf32>
        %mul3A_380 = arith.mulf %sub3A_373, %get3A_272 : vector<16xf32>
        %add3A_381 = arith.addf %mul3A_379, %mul3A_380 : vector<16xf32>
        %exp3A_382 = math.exp %add3A_381 : vector<16xf32>
        %mul3A_383 = arith.mulf %gather3A_367, %get3A_272 : vector<16xf32>
        %mul3A_384 = arith.mulf %sub3A_373, %get3A_258 : vector<16xf32>
        %add3A_385 = arith.addf %mul3A_383, %mul3A_384 : vector<16xf32>
        %exp3A_386 = math.exp %add3A_385 : vector<16xf32>
        %mul3A_387 = arith.mulf %get3A_244, %exp3A_382 : vector<16xf32>
        %add3A_388 = arith.addf %mul3A_387, %exp3A_386 : vector<16xf32>
        %mul3A_389 = arith.mulf %get3A_244, %exp3A_386 : vector<16xf32>
        %sub3A_390 = arith.subf %add3A_388, %mul3A_389 : vector<16xf32>
        %sub3A_391 = arith.constant 1.000000e+00 : f32
        %sub3A_392 = vector.broadcast %sub3A_391 : f32 to vector<16xf32>
        %sub3A_393 = arith.subf %sub3A_392, %sub3A_390 : vector<16xf32>
        %jit3A_394 = arith.constant 1.000000e+00 : f32
        %broadcast_in_dim3A_395 = vector.broadcast %jit3A_394 : f32 to vector<16xf32>
        %select_n3A_396 = arith.select %gt3A_376, %sub3A_393, %broadcast_in_dim3A_395 : vector<16xi1>, vector<16xf32>
        %mul3A_397 = arith.mulf %abs3A_378, %get3A_286 : vector<16xf32>
        %min3A_398 = arith.constant 1.000000e+00 : f32
        %min3A_399 = vector.broadcast %min3A_398 : f32 to vector<16xf32>
        %min3A_400 = arith.minimumf %mul3A_397, %min3A_399 : vector<16xf32>
        %mul3A_401 = arith.mulf %min3A_400, %sub3A_393 : vector<16xf32>
        %sub3A_402 = arith.constant 1.000000e+00 : f32
        %sub3A_403 = vector.broadcast %sub3A_402 : f32 to vector<16xf32>
        %sub3A_404 = arith.subf %sub3A_403, %mul3A_401 : vector<16xf32>
        %mul3A_405 = arith.mulf %mul3A_387, %sub3A_404 : vector<16xf32>
        %mul3A_406 = arith.mulf %mul3A_405, %select_n3A_396 : vector<16xf32>
        %sub3A_407 = arith.subf %get3A_244, %mul3A_387 : vector<16xf32>
        %sub3A_408 = arith.constant 1.000000e+00 : f32
        %sub3A_409 = vector.broadcast %sub3A_408 : f32 to vector<16xf32>
        %sub3A_410 = arith.subf %sub3A_409, %sub3A_404 : vector<16xf32>
        %mul3A_411 = arith.mulf %sub3A_407, %sub3A_410 : vector<16xf32>
        %mul3A_412 = arith.mulf %mul3A_411, %sub3A_390 : vector<16xf32>
        %add3A_413 = arith.addf %mul3A_406, %mul3A_412 : vector<16xf32>
        %mul3A_414 = arith.mulf %sub3A_390, %select_n3A_396 : vector<16xf32>
        %div3A_415 = arith.divf %add3A_413, %mul3A_414 : vector<16xf32>
        %select_n3A_416 = arith.select %gt3A_376, %div3A_415, %get3A_244 : vector<16xi1>, vector<16xf32>
        %add3A_417 = arith.constant 1 : i32
        %add3A_418 = vector.broadcast %add3A_417 : i32 to vector<16xi32>
        %add3A_419 = arith.addi %add3A_293, %add3A_418 : vector<16xi32>
        %gather3A_420 = arith.constant 0 : i32
        %gather3A_421 = arith.constant 0 : i32
        %gather3A_422 = tpu.memref_slice %arg10[%rem3A_128, %gather3A_420, %gather3A_421] : memref<2x3584x16xf32, #tpu.memory_space<vmem>> -> memref<1x3584x16xf32, #tpu.memory_space<vmem>>
        %gather3A_423 = tpu.memref_squeeze %gather3A_422 : memref<1x3584x16xf32, #tpu.memory_space<vmem>> -> memref<3584x16xf32, #tpu.memory_space<vmem>>
        %gather3A_424 = tpu.vector_load_idx %gather3A_423[%add3A_419, %broadcast_in_dim3A_4] : memref<3584x16xf32, #tpu.memory_space<vmem>>[vector<16xi32>, vector<16xi32>], vector<16xf32>,
        %gather3A_425 = arith.constant 0 : i32
        %gather3A_426 = arith.constant 0 : i32
        %gather3A_427 = tpu.memref_slice %arg10[%rem3A_128, %gather3A_425, %gather3A_426] : memref<2x3584x16xf32, #tpu.memory_space<vmem>> -> memref<1x3584x16xf32, #tpu.memory_space<vmem>>
        %gather3A_428 = tpu.memref_squeeze %gather3A_427 : memref<1x3584x16xf32, #tpu.memory_space<vmem>> -> memref<3584x16xf32, #tpu.memory_space<vmem>>
        %gather3A_429 = tpu.vector_load_idx %gather3A_428[%add3A_419, %broadcast_in_dim3A_6] : memref<3584x16xf32, #tpu.memory_space<vmem>>[vector<16xi32>, vector<16xi32>], vector<16xf32>,
        %gather3A_430 = arith.constant 0 : i32
        %gather3A_431 = arith.constant 0 : i32
        %gather3A_432 = tpu.memref_slice %arg10[%rem3A_128, %gather3A_430, %gather3A_431] : memref<2x3584x16xf32, #tpu.memory_space<vmem>> -> memref<1x3584x16xf32, #tpu.memory_space<vmem>>
        %gather3A_433 = tpu.memref_squeeze %gather3A_432 : memref<1x3584x16xf32, #tpu.memory_space<vmem>> -> memref<3584x16xf32, #tpu.memory_space<vmem>>
        %gather3A_434 = tpu.vector_load_idx %gather3A_433[%add3A_419, %broadcast_in_dim3A_8] : memref<3584x16xf32, #tpu.memory_space<vmem>>[vector<16xi32>, vector<16xi32>], vector<16xf32>,
        %sub3A_435 = arith.subf %gather3A_434, %gather3A_429 : vector<16xf32>
        %gt3A_436 = arith.constant 0.000000e+00 : f32
        %gt3A_437 = vector.broadcast %gt3A_436 : f32 to vector<16xf32>
        %gt3A_438 = arith.cmpf ogt, %gather3A_434, %gt3A_437 : vector<16xf32>
        %sub3A_439 = arith.subf %select_n3A_354, %gather3A_424 : vector<16xf32>
        %abs3A_440 = math.absf %sub3A_439 : vector<16xf32>
        %mul3A_441 = arith.mulf %gather3A_429, %get3A_251 : vector<16xf32>
        %mul3A_442 = arith.mulf %sub3A_435, %get3A_265 : vector<16xf32>
        %add3A_443 = arith.addf %mul3A_441, %mul3A_442 : vector<16xf32>
        %exp3A_444 = math.exp %add3A_443 : vector<16xf32>
        %mul3A_445 = arith.mulf %gather3A_429, %get3A_265 : vector<16xf32>
        %mul3A_446 = arith.mulf %sub3A_435, %get3A_251 : vector<16xf32>
        %add3A_447 = arith.addf %mul3A_445, %mul3A_446 : vector<16xf32>
        %exp3A_448 = math.exp %add3A_447 : vector<16xf32>
        %mul3A_449 = arith.mulf %select_n3A_354, %exp3A_444 : vector<16xf32>
        %add3A_450 = arith.addf %mul3A_449, %exp3A_448 : vector<16xf32>
        %mul3A_451 = arith.mulf %select_n3A_354, %exp3A_448 : vector<16xf32>
        %sub3A_452 = arith.subf %add3A_450, %mul3A_451 : vector<16xf32>
        %sub3A_453 = arith.constant 1.000000e+00 : f32
        %sub3A_454 = vector.broadcast %sub3A_453 : f32 to vector<16xf32>
        %sub3A_455 = arith.subf %sub3A_454, %sub3A_452 : vector<16xf32>
        %jit3A_456 = arith.constant 1.000000e+00 : f32
        %broadcast_in_dim3A_457 = vector.broadcast %jit3A_456 : f32 to vector<16xf32>
        %select_n3A_458 = arith.select %gt3A_438, %sub3A_455, %broadcast_in_dim3A_457 : vector<16xi1>, vector<16xf32>
        %mul3A_459 = arith.mulf %abs3A_440, %get3A_279 : vector<16xf32>
        %min3A_460 = arith.constant 1.000000e+00 : f32
        %min3A_461 = vector.broadcast %min3A_460 : f32 to vector<16xf32>
        %min3A_462 = arith.minimumf %mul3A_459, %min3A_461 : vector<16xf32>
        %mul3A_463 = arith.mulf %min3A_462, %sub3A_455 : vector<16xf32>
        %sub3A_464 = arith.constant 1.000000e+00 : f32
        %sub3A_465 = vector.broadcast %sub3A_464 : f32 to vector<16xf32>
        %sub3A_466 = arith.subf %sub3A_465, %mul3A_463 : vector<16xf32>
        %mul3A_467 = arith.mulf %mul3A_449, %sub3A_466 : vector<16xf32>
        %mul3A_468 = arith.mulf %mul3A_467, %select_n3A_458 : vector<16xf32>
        %sub3A_469 = arith.subf %select_n3A_354, %mul3A_449 : vector<16xf32>
        %sub3A_470 = arith.constant 1.000000e+00 : f32
        %sub3A_471 = vector.broadcast %sub3A_470 : f32 to vector<16xf32>
        %sub3A_472 = arith.subf %sub3A_471, %sub3A_466 : vector<16xf32>
        %mul3A_473 = arith.mulf %sub3A_469, %sub3A_472 : vector<16xf32>
        %mul3A_474 = arith.mulf %mul3A_473, %sub3A_452 : vector<16xf32>
        %add3A_475 = arith.addf %mul3A_468, %mul3A_474 : vector<16xf32>
        %mul3A_476 = arith.mulf %sub3A_452, %select_n3A_458 : vector<16xf32>
        %div3A_477 = arith.divf %add3A_475, %mul3A_476 : vector<16xf32>
        %select_n3A_478 = arith.select %gt3A_438, %div3A_477, %select_n3A_354 : vector<16xi1>, vector<16xf32>
        %add3A_479 = arith.constant 1 : i32
        %add3A_480 = vector.broadcast %add3A_479 : i32 to vector<16xi32>
        %add3A_481 = arith.addi %add3A_300, %add3A_480 : vector<16xi32>
        %gather3A_482 = arith.constant 0 : i32
        %gather3A_483 = arith.constant 0 : i32
        %gather3A_484 = tpu.memref_slice %arg10[%rem3A_128, %gather3A_482, %gather3A_483] : memref<2x3584x16xf32, #tpu.memory_space<vmem>> -> memref<1x3584x16xf32, #tpu.memory_space<vmem>>
        %gather3A_485 = tpu.memref_squeeze %gather3A_484 : memref<1x3584x16xf32, #tpu.memory_space<vmem>> -> memref<3584x16xf32, #tpu.memory_space<vmem>>
        %gather3A_486 = tpu.vector_load_idx %gather3A_485[%add3A_481, %broadcast_in_dim3A_4] : memref<3584x16xf32, #tpu.memory_space<vmem>>[vector<16xi32>, vector<16xi32>], vector<16xf32>,
        %gather3A_487 = arith.constant 0 : i32
        %gather3A_488 = arith.constant 0 : i32
        %gather3A_489 = tpu.memref_slice %arg10[%rem3A_128, %gather3A_487, %gather3A_488] : memref<2x3584x16xf32, #tpu.memory_space<vmem>> -> memref<1x3584x16xf32, #tpu.memory_space<vmem>>
        %gather3A_490 = tpu.memref_squeeze %gather3A_489 : memref<1x3584x16xf32, #tpu.memory_space<vmem>> -> memref<3584x16xf32, #tpu.memory_space<vmem>>
        %gather3A_491 = tpu.vector_load_idx %gather3A_490[%add3A_481, %broadcast_in_dim3A_6] : memref<3584x16xf32, #tpu.memory_space<vmem>>[vector<16xi32>, vector<16xi32>], vector<16xf32>,
        %gather3A_492 = arith.constant 0 : i32
        %gather3A_493 = arith.constant 0 : i32
        %gather3A_494 = tpu.memref_slice %arg10[%rem3A_128, %gather3A_492, %gather3A_493] : memref<2x3584x16xf32, #tpu.memory_space<vmem>> -> memref<1x3584x16xf32, #tpu.memory_space<vmem>>
        %gather3A_495 = tpu.memref_squeeze %gather3A_494 : memref<1x3584x16xf32, #tpu.memory_space<vmem>> -> memref<3584x16xf32, #tpu.memory_space<vmem>>
        %gather3A_496 = tpu.vector_load_idx %gather3A_495[%add3A_481, %broadcast_in_dim3A_8] : memref<3584x16xf32, #tpu.memory_space<vmem>>[vector<16xi32>, vector<16xi32>], vector<16xf32>,
        %sub3A_497 = arith.subf %gather3A_496, %gather3A_491 : vector<16xf32>
        %gt3A_498 = arith.constant 0.000000e+00 : f32
        %gt3A_499 = vector.broadcast %gt3A_498 : f32 to vector<16xf32>
        %gt3A_500 = arith.cmpf ogt, %gather3A_496, %gt3A_499 : vector<16xf32>
        %sub3A_501 = arith.subf %select_n3A_416, %gather3A_486 : vector<16xf32>
        %abs3A_502 = math.absf %sub3A_501 : vector<16xf32>
        %mul3A_503 = arith.mulf %gather3A_491, %get3A_258 : vector<16xf32>
        %mul3A_504 = arith.mulf %sub3A_497, %get3A_272 : vector<16xf32>
        %add3A_505 = arith.addf %mul3A_503, %mul3A_504 : vector<16xf32>
        %exp3A_506 = math.exp %add3A_505 : vector<16xf32>
        %mul3A_507 = arith.mulf %gather3A_491, %get3A_272 : vector<16xf32>
        %mul3A_508 = arith.mulf %sub3A_497, %get3A_258 : vector<16xf32>
        %add3A_509 = arith.addf %mul3A_507, %mul3A_508 : vector<16xf32>
        %exp3A_510 = math.exp %add3A_509 : vector<16xf32>
        %mul3A_511 = arith.mulf %select_n3A_416, %exp3A_506 : vector<16xf32>
        %add3A_512 = arith.addf %mul3A_511, %exp3A_510 : vector<16xf32>
        %mul3A_513 = arith.mulf %select_n3A_416, %exp3A_510 : vector<16xf32>
        %sub3A_514 = arith.subf %add3A_512, %mul3A_513 : vector<16xf32>
        %sub3A_515 = arith.constant 1.000000e+00 : f32
        %sub3A_516 = vector.broadcast %sub3A_515 : f32 to vector<16xf32>
        %sub3A_517 = arith.subf %sub3A_516, %sub3A_514 : vector<16xf32>
        %jit3A_518 = arith.constant 1.000000e+00 : f32
        %broadcast_in_dim3A_519 = vector.broadcast %jit3A_518 : f32 to vector<16xf32>
        %select_n3A_520 = arith.select %gt3A_500, %sub3A_517, %broadcast_in_dim3A_519 : vector<16xi1>, vector<16xf32>
        %mul3A_521 = arith.mulf %abs3A_502, %get3A_286 : vector<16xf32>
        %min3A_522 = arith.constant 1.000000e+00 : f32
        %min3A_523 = vector.broadcast %min3A_522 : f32 to vector<16xf32>
        %min3A_524 = arith.minimumf %mul3A_521, %min3A_523 : vector<16xf32>
        %mul3A_525 = arith.mulf %min3A_524, %sub3A_517 : vector<16xf32>
        %sub3A_526 = arith.constant 1.000000e+00 : f32
        %sub3A_527 = vector.broadcast %sub3A_526 : f32 to vector<16xf32>
        %sub3A_528 = arith.subf %sub3A_527, %mul3A_525 : vector<16xf32>
        %mul3A_529 = arith.mulf %mul3A_511, %sub3A_528 : vector<16xf32>
        %mul3A_530 = arith.mulf %mul3A_529, %select_n3A_520 : vector<16xf32>
        %sub3A_531 = arith.subf %select_n3A_416, %mul3A_511 : vector<16xf32>
        %sub3A_532 = arith.constant 1.000000e+00 : f32
        %sub3A_533 = vector.broadcast %sub3A_532 : f32 to vector<16xf32>
        %sub3A_534 = arith.subf %sub3A_533, %sub3A_528 : vector<16xf32>
        %mul3A_535 = arith.mulf %sub3A_531, %sub3A_534 : vector<16xf32>
        %mul3A_536 = arith.mulf %mul3A_535, %sub3A_514 : vector<16xf32>
        %add3A_537 = arith.addf %mul3A_530, %mul3A_536 : vector<16xf32>
        %mul3A_538 = arith.mulf %sub3A_514, %select_n3A_520 : vector<16xf32>
        %div3A_539 = arith.divf %add3A_537, %mul3A_538 : vector<16xf32>
        %select_n3A_540 = arith.select %gt3A_500, %div3A_539, %select_n3A_416 : vector<16xi1>, vector<16xf32>
        %add3A_541 = arith.constant 2 : i32
        %add3A_542 = vector.broadcast %add3A_541 : i32 to vector<16xi32>
        %add3A_543 = arith.addi %add3A_293, %add3A_542 : vector<16xi32>
        %gather3A_544 = arith.constant 0 : i32
        %gather3A_545 = arith.constant 0 : i32
        %gather3A_546 = tpu.memref_slice %arg10[%rem3A_128, %gather3A_544, %gather3A_545] : memref<2x3584x16xf32, #tpu.memory_space<vmem>> -> memref<1x3584x16xf32, #tpu.memory_space<vmem>>
        %gather3A_547 = tpu.memref_squeeze %gather3A_546 : memref<1x3584x16xf32, #tpu.memory_space<vmem>> -> memref<3584x16xf32, #tpu.memory_space<vmem>>
        %gather3A_548 = tpu.vector_load_idx %gather3A_547[%add3A_543, %broadcast_in_dim3A_4] : memref<3584x16xf32, #tpu.memory_space<vmem>>[vector<16xi32>, vector<16xi32>], vector<16xf32>,
        %gather3A_549 = arith.constant 0 : i32
        %gather3A_550 = arith.constant 0 : i32
        %gather3A_551 = tpu.memref_slice %arg10[%rem3A_128, %gather3A_549, %gather3A_550] : memref<2x3584x16xf32, #tpu.memory_space<vmem>> -> memref<1x3584x16xf32, #tpu.memory_space<vmem>>
        %gather3A_552 = tpu.memref_squeeze %gather3A_551 : memref<1x3584x16xf32, #tpu.memory_space<vmem>> -> memref<3584x16xf32, #tpu.memory_space<vmem>>
        %gather3A_553 = tpu.vector_load_idx %gather3A_552[%add3A_543, %broadcast_in_dim3A_6] : memref<3584x16xf32, #tpu.memory_space<vmem>>[vector<16xi32>, vector<16xi32>], vector<16xf32>,
        %gather3A_554 = arith.constant 0 : i32
        %gather3A_555 = arith.constant 0 : i32
        %gather3A_556 = tpu.memref_slice %arg10[%rem3A_128, %gather3A_554, %gather3A_555] : memref<2x3584x16xf32, #tpu.memory_space<vmem>> -> memref<1x3584x16xf32, #tpu.memory_space<vmem>>
        %gather3A_557 = tpu.memref_squeeze %gather3A_556 : memref<1x3584x16xf32, #tpu.memory_space<vmem>> -> memref<3584x16xf32, #tpu.memory_space<vmem>>
        %gather3A_558 = tpu.vector_load_idx %gather3A_557[%add3A_543, %broadcast_in_dim3A_8] : memref<3584x16xf32, #tpu.memory_space<vmem>>[vector<16xi32>, vector<16xi32>], vector<16xf32>,
        %sub3A_559 = arith.subf %gather3A_558, %gather3A_553 : vector<16xf32>
        %gt3A_560 = arith.constant 0.000000e+00 : f32
        %gt3A_561 = vector.broadcast %gt3A_560 : f32 to vector<16xf32>
        %gt3A_562 = arith.cmpf ogt, %gather3A_558, %gt3A_561 : vector<16xf32>
        %sub3A_563 = arith.subf %select_n3A_478, %gather3A_548 : vector<16xf32>
        %abs3A_564 = math.absf %sub3A_563 : vector<16xf32>
        %mul3A_565 = arith.mulf %gather3A_553, %get3A_251 : vector<16xf32>
        %mul3A_566 = arith.mulf %sub3A_559, %get3A_265 : vector<16xf32>
        %add3A_567 = arith.addf %mul3A_565, %mul3A_566 : vector<16xf32>
        %exp3A_568 = math.exp %add3A_567 : vector<16xf32>
        %mul3A_569 = arith.mulf %gather3A_553, %get3A_265 : vector<16xf32>
        %mul3A_570 = arith.mulf %sub3A_559, %get3A_251 : vector<16xf32>
        %add3A_571 = arith.addf %mul3A_569, %mul3A_570 : vector<16xf32>
        %exp3A_572 = math.exp %add3A_571 : vector<16xf32>
        %mul3A_573 = arith.mulf %select_n3A_478, %exp3A_568 : vector<16xf32>
        %add3A_574 = arith.addf %mul3A_573, %exp3A_572 : vector<16xf32>
        %mul3A_575 = arith.mulf %select_n3A_478, %exp3A_572 : vector<16xf32>
        %sub3A_576 = arith.subf %add3A_574, %mul3A_575 : vector<16xf32>
        %sub3A_577 = arith.constant 1.000000e+00 : f32
        %sub3A_578 = vector.broadcast %sub3A_577 : f32 to vector<16xf32>
        %sub3A_579 = arith.subf %sub3A_578, %sub3A_576 : vector<16xf32>
        %jit3A_580 = arith.constant 1.000000e+00 : f32
        %broadcast_in_dim3A_581 = vector.broadcast %jit3A_580 : f32 to vector<16xf32>
        %select_n3A_582 = arith.select %gt3A_562, %sub3A_579, %broadcast_in_dim3A_581 : vector<16xi1>, vector<16xf32>
        %mul3A_583 = arith.mulf %abs3A_564, %get3A_279 : vector<16xf32>
        %min3A_584 = arith.constant 1.000000e+00 : f32
        %min3A_585 = vector.broadcast %min3A_584 : f32 to vector<16xf32>
        %min3A_586 = arith.minimumf %mul3A_583, %min3A_585 : vector<16xf32>
        %mul3A_587 = arith.mulf %min3A_586, %sub3A_579 : vector<16xf32>
        %sub3A_588 = arith.constant 1.000000e+00 : f32
        %sub3A_589 = vector.broadcast %sub3A_588 : f32 to vector<16xf32>
        %sub3A_590 = arith.subf %sub3A_589, %mul3A_587 : vector<16xf32>
        %mul3A_591 = arith.mulf %mul3A_573, %sub3A_590 : vector<16xf32>
        %mul3A_592 = arith.mulf %mul3A_591, %select_n3A_582 : vector<16xf32>
        %sub3A_593 = arith.subf %select_n3A_478, %mul3A_573 : vector<16xf32>
        %sub3A_594 = arith.constant 1.000000e+00 : f32
        %sub3A_595 = vector.broadcast %sub3A_594 : f32 to vector<16xf32>
        %sub3A_596 = arith.subf %sub3A_595, %sub3A_590 : vector<16xf32>
        %mul3A_597 = arith.mulf %sub3A_593, %sub3A_596 : vector<16xf32>
        %mul3A_598 = arith.mulf %mul3A_597, %sub3A_576 : vector<16xf32>
        %add3A_599 = arith.addf %mul3A_592, %mul3A_598 : vector<16xf32>
        %mul3A_600 = arith.mulf %sub3A_576, %select_n3A_582 : vector<16xf32>
        %div3A_601 = arith.divf %add3A_599, %mul3A_600 : vector<16xf32>
        %select_n3A_602 = arith.select %gt3A_562, %div3A_601, %select_n3A_478 : vector<16xi1>, vector<16xf32>
        %add3A_603 = arith.constant 2 : i32
        %add3A_604 = vector.broadcast %add3A_603 : i32 to vector<16xi32>
        %add3A_605 = arith.addi %add3A_300, %add3A_604 : vector<16xi32>
        %gather3A_606 = arith.constant 0 : i32
        %gather3A_607 = arith.constant 0 : i32
        %gather3A_608 = tpu.memref_slice %arg10[%rem3A_128, %gather3A_606, %gather3A_607] : memref<2x3584x16xf32, #tpu.memory_space<vmem>> -> memref<1x3584x16xf32, #tpu.memory_space<vmem>>
        %gather3A_609 = tpu.memref_squeeze %gather3A_608 : memref<1x3584x16xf32, #tpu.memory_space<vmem>> -> memref<3584x16xf32, #tpu.memory_space<vmem>>
        %gather3A_610 = tpu.vector_load_idx %gather3A_609[%add3A_605, %broadcast_in_dim3A_4] : memref<3584x16xf32, #tpu.memory_space<vmem>>[vector<16xi32>, vector<16xi32>], vector<16xf32>,
        %gather3A_611 = arith.constant 0 : i32
        %gather3A_612 = arith.constant 0 : i32
        %gather3A_613 = tpu.memref_slice %arg10[%rem3A_128, %gather3A_611, %gather3A_612] : memref<2x3584x16xf32, #tpu.memory_space<vmem>> -> memref<1x3584x16xf32, #tpu.memory_space<vmem>>
        %gather3A_614 = tpu.memref_squeeze %gather3A_613 : memref<1x3584x16xf32, #tpu.memory_space<vmem>> -> memref<3584x16xf32, #tpu.memory_space<vmem>>
        %gather3A_615 = tpu.vector_load_idx %gather3A_614[%add3A_605, %broadcast_in_dim3A_6] : memref<3584x16xf32, #tpu.memory_space<vmem>>[vector<16xi32>, vector<16xi32>], vector<16xf32>,
        %gather3A_616 = arith.constant 0 : i32
        %gather3A_617 = arith.constant 0 : i32
        %gather3A_618 = tpu.memref_slice %arg10[%rem3A_128, %gather3A_616, %gather3A_617] : memref<2x3584x16xf32, #tpu.memory_space<vmem>> -> memref<1x3584x16xf32, #tpu.memory_space<vmem>>
        %gather3A_619 = tpu.memref_squeeze %gather3A_618 : memref<1x3584x16xf32, #tpu.memory_space<vmem>> -> memref<3584x16xf32, #tpu.memory_space<vmem>>
        %gather3A_620 = tpu.vector_load_idx %gather3A_619[%add3A_605, %broadcast_in_dim3A_8] : memref<3584x16xf32, #tpu.memory_space<vmem>>[vector<16xi32>, vector<16xi32>], vector<16xf32>,
        %sub3A_621 = arith.subf %gather3A_620, %gather3A_615 : vector<16xf32>
        %gt3A_622 = arith.constant 0.000000e+00 : f32
        %gt3A_623 = vector.broadcast %gt3A_622 : f32 to vector<16xf32>
        %gt3A_624 = arith.cmpf ogt, %gather3A_620, %gt3A_623 : vector<16xf32>
        %sub3A_625 = arith.subf %select_n3A_540, %gather3A_610 : vector<16xf32>
        %abs3A_626 = math.absf %sub3A_625 : vector<16xf32>
        %mul3A_627 = arith.mulf %gather3A_615, %get3A_258 : vector<16xf32>
        %mul3A_628 = arith.mulf %sub3A_621, %get3A_272 : vector<16xf32>
        %add3A_629 = arith.addf %mul3A_627, %mul3A_628 : vector<16xf32>
        %exp3A_630 = math.exp %add3A_629 : vector<16xf32>
        %mul3A_631 = arith.mulf %gather3A_615, %get3A_272 : vector<16xf32>
        %mul3A_632 = arith.mulf %sub3A_621, %get3A_258 : vector<16xf32>
        %add3A_633 = arith.addf %mul3A_631, %mul3A_632 : vector<16xf32>
        %exp3A_634 = math.exp %add3A_633 : vector<16xf32>
        %mul3A_635 = arith.mulf %select_n3A_540, %exp3A_630 : vector<16xf32>
        %add3A_636 = arith.addf %mul3A_635, %exp3A_634 : vector<16xf32>
        %mul3A_637 = arith.mulf %select_n3A_540, %exp3A_634 : vector<16xf32>
        %sub3A_638 = arith.subf %add3A_636, %mul3A_637 : vector<16xf32>
        %sub3A_639 = arith.constant 1.000000e+00 : f32
        %sub3A_640 = vector.broadcast %sub3A_639 : f32 to vector<16xf32>
        %sub3A_641 = arith.subf %sub3A_640, %sub3A_638 : vector<16xf32>
        %jit3A_642 = arith.constant 1.000000e+00 : f32
        %broadcast_in_dim3A_643 = vector.broadcast %jit3A_642 : f32 to vector<16xf32>
        %select_n3A_644 = arith.select %gt3A_624, %sub3A_641, %broadcast_in_dim3A_643 : vector<16xi1>, vector<16xf32>
        %mul3A_645 = arith.mulf %abs3A_626, %get3A_286 : vector<16xf32>
        %min3A_646 = arith.constant 1.000000e+00 : f32
        %min3A_647 = vector.broadcast %min3A_646 : f32 to vector<16xf32>
        %min3A_648 = arith.minimumf %mul3A_645, %min3A_647 : vector<16xf32>
        %mul3A_649 = arith.mulf %min3A_648, %sub3A_641 : vector<16xf32>
        %sub3A_650 = arith.constant 1.000000e+00 : f32
        %sub3A_651 = vector.broadcast %sub3A_650 : f32 to vector<16xf32>
        %sub3A_652 = arith.subf %sub3A_651, %mul3A_649 : vector<16xf32>
        %mul3A_653 = arith.mulf %mul3A_635, %sub3A_652 : vector<16xf32>
        %mul3A_654 = arith.mulf %mul3A_653, %select_n3A_644 : vector<16xf32>
        %sub3A_655 = arith.subf %select_n3A_540, %mul3A_635 : vector<16xf32>
        %sub3A_656 = arith.constant 1.000000e+00 : f32
        %sub3A_657 = vector.broadcast %sub3A_656 : f32 to vector<16xf32>
        %sub3A_658 = arith.subf %sub3A_657, %sub3A_652 : vector<16xf32>
        %mul3A_659 = arith.mulf %sub3A_655, %sub3A_658 : vector<16xf32>
        %mul3A_660 = arith.mulf %mul3A_659, %sub3A_638 : vector<16xf32>
        %add3A_661 = arith.addf %mul3A_654, %mul3A_660 : vector<16xf32>
        %mul3A_662 = arith.mulf %sub3A_638, %select_n3A_644 : vector<16xf32>
        %div3A_663 = arith.divf %add3A_661, %mul3A_662 : vector<16xf32>
        %select_n3A_664 = arith.select %gt3A_624, %div3A_663, %select_n3A_540 : vector<16xi1>, vector<16xf32>
        %add3A_665 = arith.constant 3 : i32
        %add3A_666 = vector.broadcast %add3A_665 : i32 to vector<16xi32>
        %add3A_667 = arith.addi %add3A_293, %add3A_666 : vector<16xi32>
        %gather3A_668 = arith.constant 0 : i32
        %gather3A_669 = arith.constant 0 : i32
        %gather3A_670 = tpu.memref_slice %arg10[%rem3A_128, %gather3A_668, %gather3A_669] : memref<2x3584x16xf32, #tpu.memory_space<vmem>> -> memref<1x3584x16xf32, #tpu.memory_space<vmem>>
        %gather3A_671 = tpu.memref_squeeze %gather3A_670 : memref<1x3584x16xf32, #tpu.memory_space<vmem>> -> memref<3584x16xf32, #tpu.memory_space<vmem>>
        %gather3A_672 = tpu.vector_load_idx %gather3A_671[%add3A_667, %broadcast_in_dim3A_4] : memref<3584x16xf32, #tpu.memory_space<vmem>>[vector<16xi32>, vector<16xi32>], vector<16xf32>,
        %gather3A_673 = arith.constant 0 : i32
        %gather3A_674 = arith.constant 0 : i32
        %gather3A_675 = tpu.memref_slice %arg10[%rem3A_128, %gather3A_673, %gather3A_674] : memref<2x3584x16xf32, #tpu.memory_space<vmem>> -> memref<1x3584x16xf32, #tpu.memory_space<vmem>>
        %gather3A_676 = tpu.memref_squeeze %gather3A_675 : memref<1x3584x16xf32, #tpu.memory_space<vmem>> -> memref<3584x16xf32, #tpu.memory_space<vmem>>
        %gather3A_677 = tpu.vector_load_idx %gather3A_676[%add3A_667, %broadcast_in_dim3A_6] : memref<3584x16xf32, #tpu.memory_space<vmem>>[vector<16xi32>, vector<16xi32>], vector<16xf32>,
        %gather3A_678 = arith.constant 0 : i32
        %gather3A_679 = arith.constant 0 : i32
        %gather3A_680 = tpu.memref_slice %arg10[%rem3A_128, %gather3A_678, %gather3A_679] : memref<2x3584x16xf32, #tpu.memory_space<vmem>> -> memref<1x3584x16xf32, #tpu.memory_space<vmem>>
        %gather3A_681 = tpu.memref_squeeze %gather3A_680 : memref<1x3584x16xf32, #tpu.memory_space<vmem>> -> memref<3584x16xf32, #tpu.memory_space<vmem>>
        %gather3A_682 = tpu.vector_load_idx %gather3A_681[%add3A_667, %broadcast_in_dim3A_8] : memref<3584x16xf32, #tpu.memory_space<vmem>>[vector<16xi32>, vector<16xi32>], vector<16xf32>,
        %sub3A_683 = arith.subf %gather3A_682, %gather3A_677 : vector<16xf32>
        %gt3A_684 = arith.constant 0.000000e+00 : f32
        %gt3A_685 = vector.broadcast %gt3A_684 : f32 to vector<16xf32>
        %gt3A_686 = arith.cmpf ogt, %gather3A_682, %gt3A_685 : vector<16xf32>
        %sub3A_687 = arith.subf %select_n3A_602, %gather3A_672 : vector<16xf32>
        %abs3A_688 = math.absf %sub3A_687 : vector<16xf32>
        %mul3A_689 = arith.mulf %gather3A_677, %get3A_251 : vector<16xf32>
        %mul3A_690 = arith.mulf %sub3A_683, %get3A_265 : vector<16xf32>
        %add3A_691 = arith.addf %mul3A_689, %mul3A_690 : vector<16xf32>
        %exp3A_692 = math.exp %add3A_691 : vector<16xf32>
        %mul3A_693 = arith.mulf %gather3A_677, %get3A_265 : vector<16xf32>
        %mul3A_694 = arith.mulf %sub3A_683, %get3A_251 : vector<16xf32>
        %add3A_695 = arith.addf %mul3A_693, %mul3A_694 : vector<16xf32>
        %exp3A_696 = math.exp %add3A_695 : vector<16xf32>
        %mul3A_697 = arith.mulf %select_n3A_602, %exp3A_692 : vector<16xf32>
        %add3A_698 = arith.addf %mul3A_697, %exp3A_696 : vector<16xf32>
        %mul3A_699 = arith.mulf %select_n3A_602, %exp3A_696 : vector<16xf32>
        %sub3A_700 = arith.subf %add3A_698, %mul3A_699 : vector<16xf32>
        %sub3A_701 = arith.constant 1.000000e+00 : f32
        %sub3A_702 = vector.broadcast %sub3A_701 : f32 to vector<16xf32>
        %sub3A_703 = arith.subf %sub3A_702, %sub3A_700 : vector<16xf32>
        %jit3A_704 = arith.constant 1.000000e+00 : f32
        %broadcast_in_dim3A_705 = vector.broadcast %jit3A_704 : f32 to vector<16xf32>
        %select_n3A_706 = arith.select %gt3A_686, %sub3A_703, %broadcast_in_dim3A_705 : vector<16xi1>, vector<16xf32>
        %mul3A_707 = arith.mulf %abs3A_688, %get3A_279 : vector<16xf32>
        %min3A_708 = arith.constant 1.000000e+00 : f32
        %min3A_709 = vector.broadcast %min3A_708 : f32 to vector<16xf32>
        %min3A_710 = arith.minimumf %mul3A_707, %min3A_709 : vector<16xf32>
        %mul3A_711 = arith.mulf %min3A_710, %sub3A_703 : vector<16xf32>
        %sub3A_712 = arith.constant 1.000000e+00 : f32
        %sub3A_713 = vector.broadcast %sub3A_712 : f32 to vector<16xf32>
        %sub3A_714 = arith.subf %sub3A_713, %mul3A_711 : vector<16xf32>
        %mul3A_715 = arith.mulf %mul3A_697, %sub3A_714 : vector<16xf32>
        %mul3A_716 = arith.mulf %mul3A_715, %select_n3A_706 : vector<16xf32>
        %sub3A_717 = arith.subf %select_n3A_602, %mul3A_697 : vector<16xf32>
        %sub3A_718 = arith.constant 1.000000e+00 : f32
        %sub3A_719 = vector.broadcast %sub3A_718 : f32 to vector<16xf32>
        %sub3A_720 = arith.subf %sub3A_719, %sub3A_714 : vector<16xf32>
        %mul3A_721 = arith.mulf %sub3A_717, %sub3A_720 : vector<16xf32>
        %mul3A_722 = arith.mulf %mul3A_721, %sub3A_700 : vector<16xf32>
        %add3A_723 = arith.addf %mul3A_716, %mul3A_722 : vector<16xf32>
        %mul3A_724 = arith.mulf %sub3A_700, %select_n3A_706 : vector<16xf32>
        %div3A_725 = arith.divf %add3A_723, %mul3A_724 : vector<16xf32>
        %select_n3A_726 = arith.select %gt3A_686, %div3A_725, %select_n3A_602 : vector<16xi1>, vector<16xf32>
        %add3A_727 = arith.constant 3 : i32
        %add3A_728 = vector.broadcast %add3A_727 : i32 to vector<16xi32>
        %add3A_729 = arith.addi %add3A_300, %add3A_728 : vector<16xi32>
        %gather3A_730 = arith.constant 0 : i32
        %gather3A_731 = arith.constant 0 : i32
        %gather3A_732 = tpu.memref_slice %arg10[%rem3A_128, %gather3A_730, %gather3A_731] : memref<2x3584x16xf32, #tpu.memory_space<vmem>> -> memref<1x3584x16xf32, #tpu.memory_space<vmem>>
        %gather3A_733 = tpu.memref_squeeze %gather3A_732 : memref<1x3584x16xf32, #tpu.memory_space<vmem>> -> memref<3584x16xf32, #tpu.memory_space<vmem>>
        %gather3A_734 = tpu.vector_load_idx %gather3A_733[%add3A_729, %broadcast_in_dim3A_4] : memref<3584x16xf32, #tpu.memory_space<vmem>>[vector<16xi32>, vector<16xi32>], vector<16xf32>,
        %gather3A_735 = arith.constant 0 : i32
        %gather3A_736 = arith.constant 0 : i32
        %gather3A_737 = tpu.memref_slice %arg10[%rem3A_128, %gather3A_735, %gather3A_736] : memref<2x3584x16xf32, #tpu.memory_space<vmem>> -> memref<1x3584x16xf32, #tpu.memory_space<vmem>>
        %gather3A_738 = tpu.memref_squeeze %gather3A_737 : memref<1x3584x16xf32, #tpu.memory_space<vmem>> -> memref<3584x16xf32, #tpu.memory_space<vmem>>
        %gather3A_739 = tpu.vector_load_idx %gather3A_738[%add3A_729, %broadcast_in_dim3A_6] : memref<3584x16xf32, #tpu.memory_space<vmem>>[vector<16xi32>, vector<16xi32>], vector<16xf32>,
        %gather3A_740 = arith.constant 0 : i32
        %gather3A_741 = arith.constant 0 : i32
        %gather3A_742 = tpu.memref_slice %arg10[%rem3A_128, %gather3A_740, %gather3A_741] : memref<2x3584x16xf32, #tpu.memory_space<vmem>> -> memref<1x3584x16xf32, #tpu.memory_space<vmem>>
        %gather3A_743 = tpu.memref_squeeze %gather3A_742 : memref<1x3584x16xf32, #tpu.memory_space<vmem>> -> memref<3584x16xf32, #tpu.memory_space<vmem>>
        %gather3A_744 = tpu.vector_load_idx %gather3A_743[%add3A_729, %broadcast_in_dim3A_8] : memref<3584x16xf32, #tpu.memory_space<vmem>>[vector<16xi32>, vector<16xi32>], vector<16xf32>,
        %sub3A_745 = arith.subf %gather3A_744, %gather3A_739 : vector<16xf32>
        %gt3A_746 = arith.constant 0.000000e+00 : f32
        %gt3A_747 = vector.broadcast %gt3A_746 : f32 to vector<16xf32>
        %gt3A_748 = arith.cmpf ogt, %gather3A_744, %gt3A_747 : vector<16xf32>
        %sub3A_749 = arith.subf %select_n3A_664, %gather3A_734 : vector<16xf32>
        %abs3A_750 = math.absf %sub3A_749 : vector<16xf32>
        %mul3A_751 = arith.mulf %gather3A_739, %get3A_258 : vector<16xf32>
        %mul3A_752 = arith.mulf %sub3A_745, %get3A_272 : vector<16xf32>
        %add3A_753 = arith.addf %mul3A_751, %mul3A_752 : vector<16xf32>
        %exp3A_754 = math.exp %add3A_753 : vector<16xf32>
        %mul3A_755 = arith.mulf %gather3A_739, %get3A_272 : vector<16xf32>
        %mul3A_756 = arith.mulf %sub3A_745, %get3A_258 : vector<16xf32>
        %add3A_757 = arith.addf %mul3A_755, %mul3A_756 : vector<16xf32>
        %exp3A_758 = math.exp %add3A_757 : vector<16xf32>
        %mul3A_759 = arith.mulf %select_n3A_664, %exp3A_754 : vector<16xf32>
        %add3A_760 = arith.addf %mul3A_759, %exp3A_758 : vector<16xf32>
        %mul3A_761 = arith.mulf %select_n3A_664, %exp3A_758 : vector<16xf32>
        %sub3A_762 = arith.subf %add3A_760, %mul3A_761 : vector<16xf32>
        %sub3A_763 = arith.constant 1.000000e+00 : f32
        %sub3A_764 = vector.broadcast %sub3A_763 : f32 to vector<16xf32>
        %sub3A_765 = arith.subf %sub3A_764, %sub3A_762 : vector<16xf32>
        %jit3A_766 = arith.constant 1.000000e+00 : f32
        %broadcast_in_dim3A_767 = vector.broadcast %jit3A_766 : f32 to vector<16xf32>
        %select_n3A_768 = arith.select %gt3A_748, %sub3A_765, %broadcast_in_dim3A_767 : vector<16xi1>, vector<16xf32>
        %mul3A_769 = arith.mulf %abs3A_750, %get3A_286 : vector<16xf32>
        %min3A_770 = arith.constant 1.000000e+00 : f32
        %min3A_771 = vector.broadcast %min3A_770 : f32 to vector<16xf32>
        %min3A_772 = arith.minimumf %mul3A_769, %min3A_771 : vector<16xf32>
        %mul3A_773 = arith.mulf %min3A_772, %sub3A_765 : vector<16xf32>
        %sub3A_774 = arith.constant 1.000000e+00 : f32
        %sub3A_775 = vector.broadcast %sub3A_774 : f32 to vector<16xf32>
        %sub3A_776 = arith.subf %sub3A_775, %mul3A_773 : vector<16xf32>
        %mul3A_777 = arith.mulf %mul3A_759, %sub3A_776 : vector<16xf32>
        %mul3A_778 = arith.mulf %mul3A_777, %select_n3A_768 : vector<16xf32>
        %sub3A_779 = arith.subf %select_n3A_664, %mul3A_759 : vector<16xf32>
        %sub3A_780 = arith.constant 1.000000e+00 : f32
        %sub3A_781 = vector.broadcast %sub3A_780 : f32 to vector<16xf32>
        %sub3A_782 = arith.subf %sub3A_781, %sub3A_776 : vector<16xf32>
        %mul3A_783 = arith.mulf %sub3A_779, %sub3A_782 : vector<16xf32>
        %mul3A_784 = arith.mulf %mul3A_783, %sub3A_762 : vector<16xf32>
        %add3A_785 = arith.addf %mul3A_778, %mul3A_784 : vector<16xf32>
        %mul3A_786 = arith.mulf %sub3A_762, %select_n3A_768 : vector<16xf32>
        %div3A_787 = arith.divf %add3A_785, %mul3A_786 : vector<16xf32>
        %select_n3A_788 = arith.select %gt3A_748, %div3A_787, %select_n3A_664 : vector<16xi1>, vector<16xf32>
        %add3A_789 = arith.constant 4 : i32
        %add3A_790 = vector.broadcast %add3A_789 : i32 to vector<16xi32>
        %add3A_791 = arith.addi %add3A_293, %add3A_790 : vector<16xi32>
        %gather3A_792 = arith.constant 0 : i32
        %gather3A_793 = arith.constant 0 : i32
        %gather3A_794 = tpu.memref_slice %arg10[%rem3A_128, %gather3A_792, %gather3A_793] : memref<2x3584x16xf32, #tpu.memory_space<vmem>> -> memref<1x3584x16xf32, #tpu.memory_space<vmem>>
        %gather3A_795 = tpu.memref_squeeze %gather3A_794 : memref<1x3584x16xf32, #tpu.memory_space<vmem>> -> memref<3584x16xf32, #tpu.memory_space<vmem>>
        %gather3A_796 = tpu.vector_load_idx %gather3A_795[%add3A_791, %broadcast_in_dim3A_4] : memref<3584x16xf32, #tpu.memory_space<vmem>>[vector<16xi32>, vector<16xi32>], vector<16xf32>,
        %gather3A_797 = arith.constant 0 : i32
        %gather3A_798 = arith.constant 0 : i32
        %gather3A_799 = tpu.memref_slice %arg10[%rem3A_128, %gather3A_797, %gather3A_798] : memref<2x3584x16xf32, #tpu.memory_space<vmem>> -> memref<1x3584x16xf32, #tpu.memory_space<vmem>>
        %gather3A_800 = tpu.memref_squeeze %gather3A_799 : memref<1x3584x16xf32, #tpu.memory_space<vmem>> -> memref<3584x16xf32, #tpu.memory_space<vmem>>
        %gather3A_801 = tpu.vector_load_idx %gather3A_800[%add3A_791, %broadcast_in_dim3A_6] : memref<3584x16xf32, #tpu.memory_space<vmem>>[vector<16xi32>, vector<16xi32>], vector<16xf32>,
        %gather3A_802 = arith.constant 0 : i32
        %gather3A_803 = arith.constant 0 : i32
        %gather3A_804 = tpu.memref_slice %arg10[%rem3A_128, %gather3A_802, %gather3A_803] : memref<2x3584x16xf32, #tpu.memory_space<vmem>> -> memref<1x3584x16xf32, #tpu.memory_space<vmem>>
        %gather3A_805 = tpu.memref_squeeze %gather3A_804 : memref<1x3584x16xf32, #tpu.memory_space<vmem>> -> memref<3584x16xf32, #tpu.memory_space<vmem>>
        %gather3A_806 = tpu.vector_load_idx %gather3A_805[%add3A_791, %broadcast_in_dim3A_8] : memref<3584x16xf32, #tpu.memory_space<vmem>>[vector<16xi32>, vector<16xi32>], vector<16xf32>,
        %sub3A_807 = arith.subf %gather3A_806, %gather3A_801 : vector<16xf32>
        %gt3A_808 = arith.constant 0.000000e+00 : f32
        %gt3A_809 = vector.broadcast %gt3A_808 : f32 to vector<16xf32>
        %gt3A_810 = arith.cmpf ogt, %gather3A_806, %gt3A_809 : vector<16xf32>
        %sub3A_811 = arith.subf %select_n3A_726, %gather3A_796 : vector<16xf32>
        %abs3A_812 = math.absf %sub3A_811 : vector<16xf32>
        %mul3A_813 = arith.mulf %gather3A_801, %get3A_251 : vector<16xf32>
        %mul3A_814 = arith.mulf %sub3A_807, %get3A_265 : vector<16xf32>
        %add3A_815 = arith.addf %mul3A_813, %mul3A_814 : vector<16xf32>
        %exp3A_816 = math.exp %add3A_815 : vector<16xf32>
        %mul3A_817 = arith.mulf %gather3A_801, %get3A_265 : vector<16xf32>
        %mul3A_818 = arith.mulf %sub3A_807, %get3A_251 : vector<16xf32>
        %add3A_819 = arith.addf %mul3A_817, %mul3A_818 : vector<16xf32>
        %exp3A_820 = math.exp %add3A_819 : vector<16xf32>
        %mul3A_821 = arith.mulf %select_n3A_726, %exp3A_816 : vector<16xf32>
        %add3A_822 = arith.addf %mul3A_821, %exp3A_820 : vector<16xf32>
        %mul3A_823 = arith.mulf %select_n3A_726, %exp3A_820 : vector<16xf32>
        %sub3A_824 = arith.subf %add3A_822, %mul3A_823 : vector<16xf32>
        %sub3A_825 = arith.constant 1.000000e+00 : f32
        %sub3A_826 = vector.broadcast %sub3A_825 : f32 to vector<16xf32>
        %sub3A_827 = arith.subf %sub3A_826, %sub3A_824 : vector<16xf32>
        %jit3A_828 = arith.constant 1.000000e+00 : f32
        %broadcast_in_dim3A_829 = vector.broadcast %jit3A_828 : f32 to vector<16xf32>
        %select_n3A_830 = arith.select %gt3A_810, %sub3A_827, %broadcast_in_dim3A_829 : vector<16xi1>, vector<16xf32>
        %mul3A_831 = arith.mulf %abs3A_812, %get3A_279 : vector<16xf32>
        %min3A_832 = arith.constant 1.000000e+00 : f32
        %min3A_833 = vector.broadcast %min3A_832 : f32 to vector<16xf32>
        %min3A_834 = arith.minimumf %mul3A_831, %min3A_833 : vector<16xf32>
        %mul3A_835 = arith.mulf %min3A_834, %sub3A_827 : vector<16xf32>
        %sub3A_836 = arith.constant 1.000000e+00 : f32
        %sub3A_837 = vector.broadcast %sub3A_836 : f32 to vector<16xf32>
        %sub3A_838 = arith.subf %sub3A_837, %mul3A_835 : vector<16xf32>
        %mul3A_839 = arith.mulf %mul3A_821, %sub3A_838 : vector<16xf32>
        %mul3A_840 = arith.mulf %mul3A_839, %select_n3A_830 : vector<16xf32>
        %sub3A_841 = arith.subf %select_n3A_726, %mul3A_821 : vector<16xf32>
        %sub3A_842 = arith.constant 1.000000e+00 : f32
        %sub3A_843 = vector.broadcast %sub3A_842 : f32 to vector<16xf32>
        %sub3A_844 = arith.subf %sub3A_843, %sub3A_838 : vector<16xf32>
        %mul3A_845 = arith.mulf %sub3A_841, %sub3A_844 : vector<16xf32>
        %mul3A_846 = arith.mulf %mul3A_845, %sub3A_824 : vector<16xf32>
        %add3A_847 = arith.addf %mul3A_840, %mul3A_846 : vector<16xf32>
        %mul3A_848 = arith.mulf %sub3A_824, %select_n3A_830 : vector<16xf32>
        %div3A_849 = arith.divf %add3A_847, %mul3A_848 : vector<16xf32>
        %select_n3A_850 = arith.select %gt3A_810, %div3A_849, %select_n3A_726 : vector<16xi1>, vector<16xf32>
        %add3A_851 = arith.constant 4 : i32
        %add3A_852 = vector.broadcast %add3A_851 : i32 to vector<16xi32>
        %add3A_853 = arith.addi %add3A_300, %add3A_852 : vector<16xi32>
        %gather3A_854 = arith.constant 0 : i32
        %gather3A_855 = arith.constant 0 : i32
        %gather3A_856 = tpu.memref_slice %arg10[%rem3A_128, %gather3A_854, %gather3A_855] : memref<2x3584x16xf32, #tpu.memory_space<vmem>> -> memref<1x3584x16xf32, #tpu.memory_space<vmem>>
        %gather3A_857 = tpu.memref_squeeze %gather3A_856 : memref<1x3584x16xf32, #tpu.memory_space<vmem>> -> memref<3584x16xf32, #tpu.memory_space<vmem>>
        %gather3A_858 = tpu.vector_load_idx %gather3A_857[%add3A_853, %broadcast_in_dim3A_4] : memref<3584x16xf32, #tpu.memory_space<vmem>>[vector<16xi32>, vector<16xi32>], vector<16xf32>,
        %gather3A_859 = arith.constant 0 : i32
        %gather3A_860 = arith.constant 0 : i32
        %gather3A_861 = tpu.memref_slice %arg10[%rem3A_128, %gather3A_859, %gather3A_860] : memref<2x3584x16xf32, #tpu.memory_space<vmem>> -> memref<1x3584x16xf32, #tpu.memory_space<vmem>>
        %gather3A_862 = tpu.memref_squeeze %gather3A_861 : memref<1x3584x16xf32, #tpu.memory_space<vmem>> -> memref<3584x16xf32, #tpu.memory_space<vmem>>
        %gather3A_863 = tpu.vector_load_idx %gather3A_862[%add3A_853, %broadcast_in_dim3A_6] : memref<3584x16xf32, #tpu.memory_space<vmem>>[vector<16xi32>, vector<16xi32>], vector<16xf32>,
        %gather3A_864 = arith.constant 0 : i32
        %gather3A_865 = arith.constant 0 : i32
        %gather3A_866 = tpu.memref_slice %arg10[%rem3A_128, %gather3A_864, %gather3A_865] : memref<2x3584x16xf32, #tpu.memory_space<vmem>> -> memref<1x3584x16xf32, #tpu.memory_space<vmem>>
        %gather3A_867 = tpu.memref_squeeze %gather3A_866 : memref<1x3584x16xf32, #tpu.memory_space<vmem>> -> memref<3584x16xf32, #tpu.memory_space<vmem>>
        %gather3A_868 = tpu.vector_load_idx %gather3A_867[%add3A_853, %broadcast_in_dim3A_8] : memref<3584x16xf32, #tpu.memory_space<vmem>>[vector<16xi32>, vector<16xi32>], vector<16xf32>,
        %sub3A_869 = arith.subf %gather3A_868, %gather3A_863 : vector<16xf32>
        %gt3A_870 = arith.constant 0.000000e+00 : f32
        %gt3A_871 = vector.broadcast %gt3A_870 : f32 to vector<16xf32>
        %gt3A_872 = arith.cmpf ogt, %gather3A_868, %gt3A_871 : vector<16xf32>
        %sub3A_873 = arith.subf %select_n3A_788, %gather3A_858 : vector<16xf32>
        %abs3A_874 = math.absf %sub3A_873 : vector<16xf32>
        %mul3A_875 = arith.mulf %gather3A_863, %get3A_258 : vector<16xf32>
        %mul3A_876 = arith.mulf %sub3A_869, %get3A_272 : vector<16xf32>
        %add3A_877 = arith.addf %mul3A_875, %mul3A_876 : vector<16xf32>
        %exp3A_878 = math.exp %add3A_877 : vector<16xf32>
        %mul3A_879 = arith.mulf %gather3A_863, %get3A_272 : vector<16xf32>
        %mul3A_880 = arith.mulf %sub3A_869, %get3A_258 : vector<16xf32>
        %add3A_881 = arith.addf %mul3A_879, %mul3A_880 : vector<16xf32>
        %exp3A_882 = math.exp %add3A_881 : vector<16xf32>
        %mul3A_883 = arith.mulf %select_n3A_788, %exp3A_878 : vector<16xf32>
        %add3A_884 = arith.addf %mul3A_883, %exp3A_882 : vector<16xf32>
        %mul3A_885 = arith.mulf %select_n3A_788, %exp3A_882 : vector<16xf32>
        %sub3A_886 = arith.subf %add3A_884, %mul3A_885 : vector<16xf32>
        %sub3A_887 = arith.constant 1.000000e+00 : f32
        %sub3A_888 = vector.broadcast %sub3A_887 : f32 to vector<16xf32>
        %sub3A_889 = arith.subf %sub3A_888, %sub3A_886 : vector<16xf32>
        %jit3A_890 = arith.constant 1.000000e+00 : f32
        %broadcast_in_dim3A_891 = vector.broadcast %jit3A_890 : f32 to vector<16xf32>
        %select_n3A_892 = arith.select %gt3A_872, %sub3A_889, %broadcast_in_dim3A_891 : vector<16xi1>, vector<16xf32>
        %mul3A_893 = arith.mulf %abs3A_874, %get3A_286 : vector<16xf32>
        %min3A_894 = arith.constant 1.000000e+00 : f32
        %min3A_895 = vector.broadcast %min3A_894 : f32 to vector<16xf32>
        %min3A_896 = arith.minimumf %mul3A_893, %min3A_895 : vector<16xf32>
        %mul3A_897 = arith.mulf %min3A_896, %sub3A_889 : vector<16xf32>
        %sub3A_898 = arith.constant 1.000000e+00 : f32
        %sub3A_899 = vector.broadcast %sub3A_898 : f32 to vector<16xf32>
        %sub3A_900 = arith.subf %sub3A_899, %mul3A_897 : vector<16xf32>
        %mul3A_901 = arith.mulf %mul3A_883, %sub3A_900 : vector<16xf32>
        %mul3A_902 = arith.mulf %mul3A_901, %select_n3A_892 : vector<16xf32>
        %sub3A_903 = arith.subf %select_n3A_788, %mul3A_883 : vector<16xf32>
        %sub3A_904 = arith.constant 1.000000e+00 : f32
        %sub3A_905 = vector.broadcast %sub3A_904 : f32 to vector<16xf32>
        %sub3A_906 = arith.subf %sub3A_905, %sub3A_900 : vector<16xf32>
        %mul3A_907 = arith.mulf %sub3A_903, %sub3A_906 : vector<16xf32>
        %mul3A_908 = arith.mulf %mul3A_907, %sub3A_886 : vector<16xf32>
        %add3A_909 = arith.addf %mul3A_902, %mul3A_908 : vector<16xf32>
        %mul3A_910 = arith.mulf %sub3A_886, %select_n3A_892 : vector<16xf32>
        %div3A_911 = arith.divf %add3A_909, %mul3A_910 : vector<16xf32>
        %select_n3A_912 = arith.select %gt3A_872, %div3A_911, %select_n3A_788 : vector<16xi1>, vector<16xf32>
        %add3A_913 = arith.constant 5 : i32
        %add3A_914 = vector.broadcast %add3A_913 : i32 to vector<16xi32>
        %add3A_915 = arith.addi %add3A_293, %add3A_914 : vector<16xi32>
        %gather3A_916 = arith.constant 0 : i32
        %gather3A_917 = arith.constant 0 : i32
        %gather3A_918 = tpu.memref_slice %arg10[%rem3A_128, %gather3A_916, %gather3A_917] : memref<2x3584x16xf32, #tpu.memory_space<vmem>> -> memref<1x3584x16xf32, #tpu.memory_space<vmem>>
        %gather3A_919 = tpu.memref_squeeze %gather3A_918 : memref<1x3584x16xf32, #tpu.memory_space<vmem>> -> memref<3584x16xf32, #tpu.memory_space<vmem>>
        %gather3A_920 = tpu.vector_load_idx %gather3A_919[%add3A_915, %broadcast_in_dim3A_4] : memref<3584x16xf32, #tpu.memory_space<vmem>>[vector<16xi32>, vector<16xi32>], vector<16xf32>,
        %gather3A_921 = arith.constant 0 : i32
        %gather3A_922 = arith.constant 0 : i32
        %gather3A_923 = tpu.memref_slice %arg10[%rem3A_128, %gather3A_921, %gather3A_922] : memref<2x3584x16xf32, #tpu.memory_space<vmem>> -> memref<1x3584x16xf32, #tpu.memory_space<vmem>>
        %gather3A_924 = tpu.memref_squeeze %gather3A_923 : memref<1x3584x16xf32, #tpu.memory_space<vmem>> -> memref<3584x16xf32, #tpu.memory_space<vmem>>
        %gather3A_925 = tpu.vector_load_idx %gather3A_924[%add3A_915, %broadcast_in_dim3A_6] : memref<3584x16xf32, #tpu.memory_space<vmem>>[vector<16xi32>, vector<16xi32>], vector<16xf32>,
        %gather3A_926 = arith.constant 0 : i32
        %gather3A_927 = arith.constant 0 : i32
        %gather3A_928 = tpu.memref_slice %arg10[%rem3A_128, %gather3A_926, %gather3A_927] : memref<2x3584x16xf32, #tpu.memory_space<vmem>> -> memref<1x3584x16xf32, #tpu.memory_space<vmem>>
        %gather3A_929 = tpu.memref_squeeze %gather3A_928 : memref<1x3584x16xf32, #tpu.memory_space<vmem>> -> memref<3584x16xf32, #tpu.memory_space<vmem>>
        %gather3A_930 = tpu.vector_load_idx %gather3A_929[%add3A_915, %broadcast_in_dim3A_8] : memref<3584x16xf32, #tpu.memory_space<vmem>>[vector<16xi32>, vector<16xi32>], vector<16xf32>,
        %sub3A_931 = arith.subf %gather3A_930, %gather3A_925 : vector<16xf32>
        %gt3A_932 = arith.constant 0.000000e+00 : f32
        %gt3A_933 = vector.broadcast %gt3A_932 : f32 to vector<16xf32>
        %gt3A_934 = arith.cmpf ogt, %gather3A_930, %gt3A_933 : vector<16xf32>
        %sub3A_935 = arith.subf %select_n3A_850, %gather3A_920 : vector<16xf32>
        %abs3A_936 = math.absf %sub3A_935 : vector<16xf32>
        %mul3A_937 = arith.mulf %gather3A_925, %get3A_251 : vector<16xf32>
        %mul3A_938 = arith.mulf %sub3A_931, %get3A_265 : vector<16xf32>
        %add3A_939 = arith.addf %mul3A_937, %mul3A_938 : vector<16xf32>
        %exp3A_940 = math.exp %add3A_939 : vector<16xf32>
        %mul3A_941 = arith.mulf %gather3A_925, %get3A_265 : vector<16xf32>
        %mul3A_942 = arith.mulf %sub3A_931, %get3A_251 : vector<16xf32>
        %add3A_943 = arith.addf %mul3A_941, %mul3A_942 : vector<16xf32>
        %exp3A_944 = math.exp %add3A_943 : vector<16xf32>
        %mul3A_945 = arith.mulf %select_n3A_850, %exp3A_940 : vector<16xf32>
        %add3A_946 = arith.addf %mul3A_945, %exp3A_944 : vector<16xf32>
        %mul3A_947 = arith.mulf %select_n3A_850, %exp3A_944 : vector<16xf32>
        %sub3A_948 = arith.subf %add3A_946, %mul3A_947 : vector<16xf32>
        %sub3A_949 = arith.constant 1.000000e+00 : f32
        %sub3A_950 = vector.broadcast %sub3A_949 : f32 to vector<16xf32>
        %sub3A_951 = arith.subf %sub3A_950, %sub3A_948 : vector<16xf32>
        %jit3A_952 = arith.constant 1.000000e+00 : f32
        %broadcast_in_dim3A_953 = vector.broadcast %jit3A_952 : f32 to vector<16xf32>
        %select_n3A_954 = arith.select %gt3A_934, %sub3A_951, %broadcast_in_dim3A_953 : vector<16xi1>, vector<16xf32>
        %mul3A_955 = arith.mulf %abs3A_936, %get3A_279 : vector<16xf32>
        %min3A_956 = arith.constant 1.000000e+00 : f32
        %min3A_957 = vector.broadcast %min3A_956 : f32 to vector<16xf32>
        %min3A_958 = arith.minimumf %mul3A_955, %min3A_957 : vector<16xf32>
        %mul3A_959 = arith.mulf %min3A_958, %sub3A_951 : vector<16xf32>
        %sub3A_960 = arith.constant 1.000000e+00 : f32
        %sub3A_961 = vector.broadcast %sub3A_960 : f32 to vector<16xf32>
        %sub3A_962 = arith.subf %sub3A_961, %mul3A_959 : vector<16xf32>
        %mul3A_963 = arith.mulf %mul3A_945, %sub3A_962 : vector<16xf32>
        %mul3A_964 = arith.mulf %mul3A_963, %select_n3A_954 : vector<16xf32>
        %sub3A_965 = arith.subf %select_n3A_850, %mul3A_945 : vector<16xf32>
        %sub3A_966 = arith.constant 1.000000e+00 : f32
        %sub3A_967 = vector.broadcast %sub3A_966 : f32 to vector<16xf32>
        %sub3A_968 = arith.subf %sub3A_967, %sub3A_962 : vector<16xf32>
        %mul3A_969 = arith.mulf %sub3A_965, %sub3A_968 : vector<16xf32>
        %mul3A_970 = arith.mulf %mul3A_969, %sub3A_948 : vector<16xf32>
        %add3A_971 = arith.addf %mul3A_964, %mul3A_970 : vector<16xf32>
        %mul3A_972 = arith.mulf %sub3A_948, %select_n3A_954 : vector<16xf32>
        %div3A_973 = arith.divf %add3A_971, %mul3A_972 : vector<16xf32>
        %select_n3A_974 = arith.select %gt3A_934, %div3A_973, %select_n3A_850 : vector<16xi1>, vector<16xf32>
        %add3A_975 = arith.constant 5 : i32
        %add3A_976 = vector.broadcast %add3A_975 : i32 to vector<16xi32>
        %add3A_977 = arith.addi %add3A_300, %add3A_976 : vector<16xi32>
        %gather3A_978 = arith.constant 0 : i32
        %gather3A_979 = arith.constant 0 : i32
        %gather3A_980 = tpu.memref_slice %arg10[%rem3A_128, %gather3A_978, %gather3A_979] : memref<2x3584x16xf32, #tpu.memory_space<vmem>> -> memref<1x3584x16xf32, #tpu.memory_space<vmem>>
        %gather3A_981 = tpu.memref_squeeze %gather3A_980 : memref<1x3584x16xf32, #tpu.memory_space<vmem>> -> memref<3584x16xf32, #tpu.memory_space<vmem>>
        %gather3A_982 = tpu.vector_load_idx %gather3A_981[%add3A_977, %broadcast_in_dim3A_4] : memref<3584x16xf32, #tpu.memory_space<vmem>>[vector<16xi32>, vector<16xi32>], vector<16xf32>,
        %gather3A_983 = arith.constant 0 : i32
        %gather3A_984 = arith.constant 0 : i32
        %gather3A_985 = tpu.memref_slice %arg10[%rem3A_128, %gather3A_983, %gather3A_984] : memref<2x3584x16xf32, #tpu.memory_space<vmem>> -> memref<1x3584x16xf32, #tpu.memory_space<vmem>>
        %gather3A_986 = tpu.memref_squeeze %gather3A_985 : memref<1x3584x16xf32, #tpu.memory_space<vmem>> -> memref<3584x16xf32, #tpu.memory_space<vmem>>
        %gather3A_987 = tpu.vector_load_idx %gather3A_986[%add3A_977, %broadcast_in_dim3A_6] : memref<3584x16xf32, #tpu.memory_space<vmem>>[vector<16xi32>, vector<16xi32>], vector<16xf32>,
        %gather3A_988 = arith.constant 0 : i32
        %gather3A_989 = arith.constant 0 : i32
        %gather3A_990 = tpu.memref_slice %arg10[%rem3A_128, %gather3A_988, %gather3A_989] : memref<2x3584x16xf32, #tpu.memory_space<vmem>> -> memref<1x3584x16xf32, #tpu.memory_space<vmem>>
        %gather3A_991 = tpu.memref_squeeze %gather3A_990 : memref<1x3584x16xf32, #tpu.memory_space<vmem>> -> memref<3584x16xf32, #tpu.memory_space<vmem>>
        %gather3A_992 = tpu.vector_load_idx %gather3A_991[%add3A_977, %broadcast_in_dim3A_8] : memref<3584x16xf32, #tpu.memory_space<vmem>>[vector<16xi32>, vector<16xi32>], vector<16xf32>,
        %sub3A_993 = arith.subf %gather3A_992, %gather3A_987 : vector<16xf32>
        %gt3A_994 = arith.constant 0.000000e+00 : f32
        %gt3A_995 = vector.broadcast %gt3A_994 : f32 to vector<16xf32>
        %gt3A_996 = arith.cmpf ogt, %gather3A_992, %gt3A_995 : vector<16xf32>
        %sub3A_997 = arith.subf %select_n3A_912, %gather3A_982 : vector<16xf32>
        %abs3A_998 = math.absf %sub3A_997 : vector<16xf32>
        %mul3A_999 = arith.mulf %gather3A_987, %get3A_258 : vector<16xf32>
        %mul3A_1000 = arith.mulf %sub3A_993, %get3A_272 : vector<16xf32>
        %add3A_1001 = arith.addf %mul3A_999, %mul3A_1000 : vector<16xf32>
        %exp3A_1002 = math.exp %add3A_1001 : vector<16xf32>
        %mul3A_1003 = arith.mulf %gather3A_987, %get3A_272 : vector<16xf32>
        %mul3A_1004 = arith.mulf %sub3A_993, %get3A_258 : vector<16xf32>
        %add3A_1005 = arith.addf %mul3A_1003, %mul3A_1004 : vector<16xf32>
        %exp3A_1006 = math.exp %add3A_1005 : vector<16xf32>
        %mul3A_1007 = arith.mulf %select_n3A_912, %exp3A_1002 : vector<16xf32>
        %add3A_1008 = arith.addf %mul3A_1007, %exp3A_1006 : vector<16xf32>
        %mul3A_1009 = arith.mulf %select_n3A_912, %exp3A_1006 : vector<16xf32>
        %sub3A_1010 = arith.subf %add3A_1008, %mul3A_1009 : vector<16xf32>
        %sub3A_1011 = arith.constant 1.000000e+00 : f32
        %sub3A_1012 = vector.broadcast %sub3A_1011 : f32 to vector<16xf32>
        %sub3A_1013 = arith.subf %sub3A_1012, %sub3A_1010 : vector<16xf32>
        %jit3A_1014 = arith.constant 1.000000e+00 : f32
        %broadcast_in_dim3A_1015 = vector.broadcast %jit3A_1014 : f32 to vector<16xf32>
        %select_n3A_1016 = arith.select %gt3A_996, %sub3A_1013, %broadcast_in_dim3A_1015 : vector<16xi1>, vector<16xf32>
        %mul3A_1017 = arith.mulf %abs3A_998, %get3A_286 : vector<16xf32>
        %min3A_1018 = arith.constant 1.000000e+00 : f32
        %min3A_1019 = vector.broadcast %min3A_1018 : f32 to vector<16xf32>
        %min3A_1020 = arith.minimumf %mul3A_1017, %min3A_1019 : vector<16xf32>
        %mul3A_1021 = arith.mulf %min3A_1020, %sub3A_1013 : vector<16xf32>
        %sub3A_1022 = arith.constant 1.000000e+00 : f32
        %sub3A_1023 = vector.broadcast %sub3A_1022 : f32 to vector<16xf32>
        %sub3A_1024 = arith.subf %sub3A_1023, %mul3A_1021 : vector<16xf32>
        %mul3A_1025 = arith.mulf %mul3A_1007, %sub3A_1024 : vector<16xf32>
        %mul3A_1026 = arith.mulf %mul3A_1025, %select_n3A_1016 : vector<16xf32>
        %sub3A_1027 = arith.subf %select_n3A_912, %mul3A_1007 : vector<16xf32>
        %sub3A_1028 = arith.constant 1.000000e+00 : f32
        %sub3A_1029 = vector.broadcast %sub3A_1028 : f32 to vector<16xf32>
        %sub3A_1030 = arith.subf %sub3A_1029, %sub3A_1024 : vector<16xf32>
        %mul3A_1031 = arith.mulf %sub3A_1027, %sub3A_1030 : vector<16xf32>
        %mul3A_1032 = arith.mulf %mul3A_1031, %sub3A_1010 : vector<16xf32>
        %add3A_1033 = arith.addf %mul3A_1026, %mul3A_1032 : vector<16xf32>
        %mul3A_1034 = arith.mulf %sub3A_1010, %select_n3A_1016 : vector<16xf32>
        %div3A_1035 = arith.divf %add3A_1033, %mul3A_1034 : vector<16xf32>
        %select_n3A_1036 = arith.select %gt3A_996, %div3A_1035, %select_n3A_912 : vector<16xi1>, vector<16xf32>
        %add3A_1037 = arith.constant 6 : i32
        %add3A_1038 = vector.broadcast %add3A_1037 : i32 to vector<16xi32>
        %add3A_1039 = arith.addi %add3A_293, %add3A_1038 : vector<16xi32>
        %gather3A_1040 = arith.constant 0 : i32
        %gather3A_1041 = arith.constant 0 : i32
        %gather3A_1042 = tpu.memref_slice %arg10[%rem3A_128, %gather3A_1040, %gather3A_1041] : memref<2x3584x16xf32, #tpu.memory_space<vmem>> -> memref<1x3584x16xf32, #tpu.memory_space<vmem>>
        %gather3A_1043 = tpu.memref_squeeze %gather3A_1042 : memref<1x3584x16xf32, #tpu.memory_space<vmem>> -> memref<3584x16xf32, #tpu.memory_space<vmem>>
        %gather3A_1044 = tpu.vector_load_idx %gather3A_1043[%add3A_1039, %broadcast_in_dim3A_4] : memref<3584x16xf32, #tpu.memory_space<vmem>>[vector<16xi32>, vector<16xi32>], vector<16xf32>,
        %gather3A_1045 = arith.constant 0 : i32
        %gather3A_1046 = arith.constant 0 : i32
        %gather3A_1047 = tpu.memref_slice %arg10[%rem3A_128, %gather3A_1045, %gather3A_1046] : memref<2x3584x16xf32, #tpu.memory_space<vmem>> -> memref<1x3584x16xf32, #tpu.memory_space<vmem>>
        %gather3A_1048 = tpu.memref_squeeze %gather3A_1047 : memref<1x3584x16xf32, #tpu.memory_space<vmem>> -> memref<3584x16xf32, #tpu.memory_space<vmem>>
        %gather3A_1049 = tpu.vector_load_idx %gather3A_1048[%add3A_1039, %broadcast_in_dim3A_6] : memref<3584x16xf32, #tpu.memory_space<vmem>>[vector<16xi32>, vector<16xi32>], vector<16xf32>,
        %gather3A_1050 = arith.constant 0 : i32
        %gather3A_1051 = arith.constant 0 : i32
        %gather3A_1052 = tpu.memref_slice %arg10[%rem3A_128, %gather3A_1050, %gather3A_1051] : memref<2x3584x16xf32, #tpu.memory_space<vmem>> -> memref<1x3584x16xf32, #tpu.memory_space<vmem>>
        %gather3A_1053 = tpu.memref_squeeze %gather3A_1052 : memref<1x3584x16xf32, #tpu.memory_space<vmem>> -> memref<3584x16xf32, #tpu.memory_space<vmem>>
        %gather3A_1054 = tpu.vector_load_idx %gather3A_1053[%add3A_1039, %broadcast_in_dim3A_8] : memref<3584x16xf32, #tpu.memory_space<vmem>>[vector<16xi32>, vector<16xi32>], vector<16xf32>,
        %sub3A_1055 = arith.subf %gather3A_1054, %gather3A_1049 : vector<16xf32>
        %gt3A_1056 = arith.constant 0.000000e+00 : f32
        %gt3A_1057 = vector.broadcast %gt3A_1056 : f32 to vector<16xf32>
        %gt3A_1058 = arith.cmpf ogt, %gather3A_1054, %gt3A_1057 : vector<16xf32>
        %sub3A_1059 = arith.subf %select_n3A_974, %gather3A_1044 : vector<16xf32>
        %abs3A_1060 = math.absf %sub3A_1059 : vector<16xf32>
        %mul3A_1061 = arith.mulf %gather3A_1049, %get3A_251 : vector<16xf32>
        %mul3A_1062 = arith.mulf %sub3A_1055, %get3A_265 : vector<16xf32>
        %add3A_1063 = arith.addf %mul3A_1061, %mul3A_1062 : vector<16xf32>
        %exp3A_1064 = math.exp %add3A_1063 : vector<16xf32>
        %mul3A_1065 = arith.mulf %gather3A_1049, %get3A_265 : vector<16xf32>
        %mul3A_1066 = arith.mulf %sub3A_1055, %get3A_251 : vector<16xf32>
        %add3A_1067 = arith.addf %mul3A_1065, %mul3A_1066 : vector<16xf32>
        %exp3A_1068 = math.exp %add3A_1067 : vector<16xf32>
        %mul3A_1069 = arith.mulf %select_n3A_974, %exp3A_1064 : vector<16xf32>
        %add3A_1070 = arith.addf %mul3A_1069, %exp3A_1068 : vector<16xf32>
        %mul3A_1071 = arith.mulf %select_n3A_974, %exp3A_1068 : vector<16xf32>
        %sub3A_1072 = arith.subf %add3A_1070, %mul3A_1071 : vector<16xf32>
        %sub3A_1073 = arith.constant 1.000000e+00 : f32
        %sub3A_1074 = vector.broadcast %sub3A_1073 : f32 to vector<16xf32>
        %sub3A_1075 = arith.subf %sub3A_1074, %sub3A_1072 : vector<16xf32>
        %jit3A_1076 = arith.constant 1.000000e+00 : f32
        %broadcast_in_dim3A_1077 = vector.broadcast %jit3A_1076 : f32 to vector<16xf32>
        %select_n3A_1078 = arith.select %gt3A_1058, %sub3A_1075, %broadcast_in_dim3A_1077 : vector<16xi1>, vector<16xf32>
        %mul3A_1079 = arith.mulf %abs3A_1060, %get3A_279 : vector<16xf32>
        %min3A_1080 = arith.constant 1.000000e+00 : f32
        %min3A_1081 = vector.broadcast %min3A_1080 : f32 to vector<16xf32>
        %min3A_1082 = arith.minimumf %mul3A_1079, %min3A_1081 : vector<16xf32>
        %mul3A_1083 = arith.mulf %min3A_1082, %sub3A_1075 : vector<16xf32>
        %sub3A_1084 = arith.constant 1.000000e+00 : f32
        %sub3A_1085 = vector.broadcast %sub3A_1084 : f32 to vector<16xf32>
        %sub3A_1086 = arith.subf %sub3A_1085, %mul3A_1083 : vector<16xf32>
        %mul3A_1087 = arith.mulf %mul3A_1069, %sub3A_1086 : vector<16xf32>
        %mul3A_1088 = arith.mulf %mul3A_1087, %select_n3A_1078 : vector<16xf32>
        %sub3A_1089 = arith.subf %select_n3A_974, %mul3A_1069 : vector<16xf32>
        %sub3A_1090 = arith.constant 1.000000e+00 : f32
        %sub3A_1091 = vector.broadcast %sub3A_1090 : f32 to vector<16xf32>
        %sub3A_1092 = arith.subf %sub3A_1091, %sub3A_1086 : vector<16xf32>
        %mul3A_1093 = arith.mulf %sub3A_1089, %sub3A_1092 : vector<16xf32>
        %mul3A_1094 = arith.mulf %mul3A_1093, %sub3A_1072 : vector<16xf32>
        %add3A_1095 = arith.addf %mul3A_1088, %mul3A_1094 : vector<16xf32>
        %mul3A_1096 = arith.mulf %sub3A_1072, %select_n3A_1078 : vector<16xf32>
        %div3A_1097 = arith.divf %add3A_1095, %mul3A_1096 : vector<16xf32>
        %select_n3A_1098 = arith.select %gt3A_1058, %div3A_1097, %select_n3A_974 : vector<16xi1>, vector<16xf32>
        %add3A_1099 = arith.constant 6 : i32
        %add3A_1100 = vector.broadcast %add3A_1099 : i32 to vector<16xi32>
        %add3A_1101 = arith.addi %add3A_300, %add3A_1100 : vector<16xi32>
        %gather3A_1102 = arith.constant 0 : i32
        %gather3A_1103 = arith.constant 0 : i32
        %gather3A_1104 = tpu.memref_slice %arg10[%rem3A_128, %gather3A_1102, %gather3A_1103] : memref<2x3584x16xf32, #tpu.memory_space<vmem>> -> memref<1x3584x16xf32, #tpu.memory_space<vmem>>
        %gather3A_1105 = tpu.memref_squeeze %gather3A_1104 : memref<1x3584x16xf32, #tpu.memory_space<vmem>> -> memref<3584x16xf32, #tpu.memory_space<vmem>>
        %gather3A_1106 = tpu.vector_load_idx %gather3A_1105[%add3A_1101, %broadcast_in_dim3A_4] : memref<3584x16xf32, #tpu.memory_space<vmem>>[vector<16xi32>, vector<16xi32>], vector<16xf32>,
        %gather3A_1107 = arith.constant 0 : i32
        %gather3A_1108 = arith.constant 0 : i32
        %gather3A_1109 = tpu.memref_slice %arg10[%rem3A_128, %gather3A_1107, %gather3A_1108] : memref<2x3584x16xf32, #tpu.memory_space<vmem>> -> memref<1x3584x16xf32, #tpu.memory_space<vmem>>
        %gather3A_1110 = tpu.memref_squeeze %gather3A_1109 : memref<1x3584x16xf32, #tpu.memory_space<vmem>> -> memref<3584x16xf32, #tpu.memory_space<vmem>>
        %gather3A_1111 = tpu.vector_load_idx %gather3A_1110[%add3A_1101, %broadcast_in_dim3A_6] : memref<3584x16xf32, #tpu.memory_space<vmem>>[vector<16xi32>, vector<16xi32>], vector<16xf32>,
        %gather3A_1112 = arith.constant 0 : i32
        %gather3A_1113 = arith.constant 0 : i32
        %gather3A_1114 = tpu.memref_slice %arg10[%rem3A_128, %gather3A_1112, %gather3A_1113] : memref<2x3584x16xf32, #tpu.memory_space<vmem>> -> memref<1x3584x16xf32, #tpu.memory_space<vmem>>
        %gather3A_1115 = tpu.memref_squeeze %gather3A_1114 : memref<1x3584x16xf32, #tpu.memory_space<vmem>> -> memref<3584x16xf32, #tpu.memory_space<vmem>>
        %gather3A_1116 = tpu.vector_load_idx %gather3A_1115[%add3A_1101, %broadcast_in_dim3A_8] : memref<3584x16xf32, #tpu.memory_space<vmem>>[vector<16xi32>, vector<16xi32>], vector<16xf32>,
        %sub3A_1117 = arith.subf %gather3A_1116, %gather3A_1111 : vector<16xf32>
        %gt3A_1118 = arith.constant 0.000000e+00 : f32
        %gt3A_1119 = vector.broadcast %gt3A_1118 : f32 to vector<16xf32>
        %gt3A_1120 = arith.cmpf ogt, %gather3A_1116, %gt3A_1119 : vector<16xf32>
        %sub3A_1121 = arith.subf %select_n3A_1036, %gather3A_1106 : vector<16xf32>
        %abs3A_1122 = math.absf %sub3A_1121 : vector<16xf32>
        %mul3A_1123 = arith.mulf %gather3A_1111, %get3A_258 : vector<16xf32>
        %mul3A_1124 = arith.mulf %sub3A_1117, %get3A_272 : vector<16xf32>
        %add3A_1125 = arith.addf %mul3A_1123, %mul3A_1124 : vector<16xf32>
        %exp3A_1126 = math.exp %add3A_1125 : vector<16xf32>
        %mul3A_1127 = arith.mulf %gather3A_1111, %get3A_272 : vector<16xf32>
        %mul3A_1128 = arith.mulf %sub3A_1117, %get3A_258 : vector<16xf32>
        %add3A_1129 = arith.addf %mul3A_1127, %mul3A_1128 : vector<16xf32>
        %exp3A_1130 = math.exp %add3A_1129 : vector<16xf32>
        %mul3A_1131 = arith.mulf %select_n3A_1036, %exp3A_1126 : vector<16xf32>
        %add3A_1132 = arith.addf %mul3A_1131, %exp3A_1130 : vector<16xf32>
        %mul3A_1133 = arith.mulf %select_n3A_1036, %exp3A_1130 : vector<16xf32>
        %sub3A_1134 = arith.subf %add3A_1132, %mul3A_1133 : vector<16xf32>
        %sub3A_1135 = arith.constant 1.000000e+00 : f32
        %sub3A_1136 = vector.broadcast %sub3A_1135 : f32 to vector<16xf32>
        %sub3A_1137 = arith.subf %sub3A_1136, %sub3A_1134 : vector<16xf32>
        %jit3A_1138 = arith.constant 1.000000e+00 : f32
        %broadcast_in_dim3A_1139 = vector.broadcast %jit3A_1138 : f32 to vector<16xf32>
        %select_n3A_1140 = arith.select %gt3A_1120, %sub3A_1137, %broadcast_in_dim3A_1139 : vector<16xi1>, vector<16xf32>
        %mul3A_1141 = arith.mulf %abs3A_1122, %get3A_286 : vector<16xf32>
        %min3A_1142 = arith.constant 1.000000e+00 : f32
        %min3A_1143 = vector.broadcast %min3A_1142 : f32 to vector<16xf32>
        %min3A_1144 = arith.minimumf %mul3A_1141, %min3A_1143 : vector<16xf32>
        %mul3A_1145 = arith.mulf %min3A_1144, %sub3A_1137 : vector<16xf32>
        %sub3A_1146 = arith.constant 1.000000e+00 : f32
        %sub3A_1147 = vector.broadcast %sub3A_1146 : f32 to vector<16xf32>
        %sub3A_1148 = arith.subf %sub3A_1147, %mul3A_1145 : vector<16xf32>
        %mul3A_1149 = arith.mulf %mul3A_1131, %sub3A_1148 : vector<16xf32>
        %mul3A_1150 = arith.mulf %mul3A_1149, %select_n3A_1140 : vector<16xf32>
        %sub3A_1151 = arith.subf %select_n3A_1036, %mul3A_1131 : vector<16xf32>
        %sub3A_1152 = arith.constant 1.000000e+00 : f32
        %sub3A_1153 = vector.broadcast %sub3A_1152 : f32 to vector<16xf32>
        %sub3A_1154 = arith.subf %sub3A_1153, %sub3A_1148 : vector<16xf32>
        %mul3A_1155 = arith.mulf %sub3A_1151, %sub3A_1154 : vector<16xf32>
        %mul3A_1156 = arith.mulf %mul3A_1155, %sub3A_1134 : vector<16xf32>
        %add3A_1157 = arith.addf %mul3A_1150, %mul3A_1156 : vector<16xf32>
        %mul3A_1158 = arith.mulf %sub3A_1134, %select_n3A_1140 : vector<16xf32>
        %div3A_1159 = arith.divf %add3A_1157, %mul3A_1158 : vector<16xf32>
        %select_n3A_1160 = arith.select %gt3A_1120, %div3A_1159, %select_n3A_1036 : vector<16xi1>, vector<16xf32>
        %add3A_1161 = arith.constant 7 : i32
        %add3A_1162 = vector.broadcast %add3A_1161 : i32 to vector<16xi32>
        %add3A_1163 = arith.addi %add3A_293, %add3A_1162 : vector<16xi32>
        %gather3A_1164 = arith.constant 0 : i32
        %gather3A_1165 = arith.constant 0 : i32
        %gather3A_1166 = tpu.memref_slice %arg10[%rem3A_128, %gather3A_1164, %gather3A_1165] : memref<2x3584x16xf32, #tpu.memory_space<vmem>> -> memref<1x3584x16xf32, #tpu.memory_space<vmem>>
        %gather3A_1167 = tpu.memref_squeeze %gather3A_1166 : memref<1x3584x16xf32, #tpu.memory_space<vmem>> -> memref<3584x16xf32, #tpu.memory_space<vmem>>
        %gather3A_1168 = tpu.vector_load_idx %gather3A_1167[%add3A_1163, %broadcast_in_dim3A_4] : memref<3584x16xf32, #tpu.memory_space<vmem>>[vector<16xi32>, vector<16xi32>], vector<16xf32>,
        %gather3A_1169 = arith.constant 0 : i32
        %gather3A_1170 = arith.constant 0 : i32
        %gather3A_1171 = tpu.memref_slice %arg10[%rem3A_128, %gather3A_1169, %gather3A_1170] : memref<2x3584x16xf32, #tpu.memory_space<vmem>> -> memref<1x3584x16xf32, #tpu.memory_space<vmem>>
        %gather3A_1172 = tpu.memref_squeeze %gather3A_1171 : memref<1x3584x16xf32, #tpu.memory_space<vmem>> -> memref<3584x16xf32, #tpu.memory_space<vmem>>
        %gather3A_1173 = tpu.vector_load_idx %gather3A_1172[%add3A_1163, %broadcast_in_dim3A_6] : memref<3584x16xf32, #tpu.memory_space<vmem>>[vector<16xi32>, vector<16xi32>], vector<16xf32>,
        %gather3A_1174 = arith.constant 0 : i32
        %gather3A_1175 = arith.constant 0 : i32
        %gather3A_1176 = tpu.memref_slice %arg10[%rem3A_128, %gather3A_1174, %gather3A_1175] : memref<2x3584x16xf32, #tpu.memory_space<vmem>> -> memref<1x3584x16xf32, #tpu.memory_space<vmem>>
        %gather3A_1177 = tpu.memref_squeeze %gather3A_1176 : memref<1x3584x16xf32, #tpu.memory_space<vmem>> -> memref<3584x16xf32, #tpu.memory_space<vmem>>
        %gather3A_1178 = tpu.vector_load_idx %gather3A_1177[%add3A_1163, %broadcast_in_dim3A_8] : memref<3584x16xf32, #tpu.memory_space<vmem>>[vector<16xi32>, vector<16xi32>], vector<16xf32>,
        %sub3A_1179 = arith.subf %gather3A_1178, %gather3A_1173 : vector<16xf32>
        %gt3A_1180 = arith.constant 0.000000e+00 : f32
        %gt3A_1181 = vector.broadcast %gt3A_1180 : f32 to vector<16xf32>
        %gt3A_1182 = arith.cmpf ogt, %gather3A_1178, %gt3A_1181 : vector<16xf32>
        %sub3A_1183 = arith.subf %select_n3A_1098, %gather3A_1168 : vector<16xf32>
        %abs3A_1184 = math.absf %sub3A_1183 : vector<16xf32>
        %mul3A_1185 = arith.mulf %gather3A_1173, %get3A_251 : vector<16xf32>
        %mul3A_1186 = arith.mulf %sub3A_1179, %get3A_265 : vector<16xf32>
        %add3A_1187 = arith.addf %mul3A_1185, %mul3A_1186 : vector<16xf32>
        %exp3A_1188 = math.exp %add3A_1187 : vector<16xf32>
        %mul3A_1189 = arith.mulf %gather3A_1173, %get3A_265 : vector<16xf32>
        %mul3A_1190 = arith.mulf %sub3A_1179, %get3A_251 : vector<16xf32>
        %add3A_1191 = arith.addf %mul3A_1189, %mul3A_1190 : vector<16xf32>
        %exp3A_1192 = math.exp %add3A_1191 : vector<16xf32>
        %mul3A_1193 = arith.mulf %select_n3A_1098, %exp3A_1188 : vector<16xf32>
        %add3A_1194 = arith.addf %mul3A_1193, %exp3A_1192 : vector<16xf32>
        %mul3A_1195 = arith.mulf %select_n3A_1098, %exp3A_1192 : vector<16xf32>
        %sub3A_1196 = arith.subf %add3A_1194, %mul3A_1195 : vector<16xf32>
        %sub3A_1197 = arith.constant 1.000000e+00 : f32
        %sub3A_1198 = vector.broadcast %sub3A_1197 : f32 to vector<16xf32>
        %sub3A_1199 = arith.subf %sub3A_1198, %sub3A_1196 : vector<16xf32>
        %jit3A_1200 = arith.constant 1.000000e+00 : f32
        %broadcast_in_dim3A_1201 = vector.broadcast %jit3A_1200 : f32 to vector<16xf32>
        %select_n3A_1202 = arith.select %gt3A_1182, %sub3A_1199, %broadcast_in_dim3A_1201 : vector<16xi1>, vector<16xf32>
        %mul3A_1203 = arith.mulf %abs3A_1184, %get3A_279 : vector<16xf32>
        %min3A_1204 = arith.constant 1.000000e+00 : f32
        %min3A_1205 = vector.broadcast %min3A_1204 : f32 to vector<16xf32>
        %min3A_1206 = arith.minimumf %mul3A_1203, %min3A_1205 : vector<16xf32>
        %mul3A_1207 = arith.mulf %min3A_1206, %sub3A_1199 : vector<16xf32>
        %sub3A_1208 = arith.constant 1.000000e+00 : f32
        %sub3A_1209 = vector.broadcast %sub3A_1208 : f32 to vector<16xf32>
        %sub3A_1210 = arith.subf %sub3A_1209, %mul3A_1207 : vector<16xf32>
        %mul3A_1211 = arith.mulf %mul3A_1193, %sub3A_1210 : vector<16xf32>
        %mul3A_1212 = arith.mulf %mul3A_1211, %select_n3A_1202 : vector<16xf32>
        %sub3A_1213 = arith.subf %select_n3A_1098, %mul3A_1193 : vector<16xf32>
        %sub3A_1214 = arith.constant 1.000000e+00 : f32
        %sub3A_1215 = vector.broadcast %sub3A_1214 : f32 to vector<16xf32>
        %sub3A_1216 = arith.subf %sub3A_1215, %sub3A_1210 : vector<16xf32>
        %mul3A_1217 = arith.mulf %sub3A_1213, %sub3A_1216 : vector<16xf32>
        %mul3A_1218 = arith.mulf %mul3A_1217, %sub3A_1196 : vector<16xf32>
        %add3A_1219 = arith.addf %mul3A_1212, %mul3A_1218 : vector<16xf32>
        %mul3A_1220 = arith.mulf %sub3A_1196, %select_n3A_1202 : vector<16xf32>
        %div3A_1221 = arith.divf %add3A_1219, %mul3A_1220 : vector<16xf32>
        %select_n3A_1222 = arith.select %gt3A_1182, %div3A_1221, %select_n3A_1098 : vector<16xi1>, vector<16xf32>
        %add3A_1223 = arith.constant 7 : i32
        %add3A_1224 = vector.broadcast %add3A_1223 : i32 to vector<16xi32>
        %add3A_1225 = arith.addi %add3A_300, %add3A_1224 : vector<16xi32>
        %gather3A_1226 = arith.constant 0 : i32
        %gather3A_1227 = arith.constant 0 : i32
        %gather3A_1228 = tpu.memref_slice %arg10[%rem3A_128, %gather3A_1226, %gather3A_1227] : memref<2x3584x16xf32, #tpu.memory_space<vmem>> -> memref<1x3584x16xf32, #tpu.memory_space<vmem>>
        %gather3A_1229 = tpu.memref_squeeze %gather3A_1228 : memref<1x3584x16xf32, #tpu.memory_space<vmem>> -> memref<3584x16xf32, #tpu.memory_space<vmem>>
        %gather3A_1230 = tpu.vector_load_idx %gather3A_1229[%add3A_1225, %broadcast_in_dim3A_4] : memref<3584x16xf32, #tpu.memory_space<vmem>>[vector<16xi32>, vector<16xi32>], vector<16xf32>,
        %gather3A_1231 = arith.constant 0 : i32
        %gather3A_1232 = arith.constant 0 : i32
        %gather3A_1233 = tpu.memref_slice %arg10[%rem3A_128, %gather3A_1231, %gather3A_1232] : memref<2x3584x16xf32, #tpu.memory_space<vmem>> -> memref<1x3584x16xf32, #tpu.memory_space<vmem>>
        %gather3A_1234 = tpu.memref_squeeze %gather3A_1233 : memref<1x3584x16xf32, #tpu.memory_space<vmem>> -> memref<3584x16xf32, #tpu.memory_space<vmem>>
        %gather3A_1235 = tpu.vector_load_idx %gather3A_1234[%add3A_1225, %broadcast_in_dim3A_6] : memref<3584x16xf32, #tpu.memory_space<vmem>>[vector<16xi32>, vector<16xi32>], vector<16xf32>,
        %gather3A_1236 = arith.constant 0 : i32
        %gather3A_1237 = arith.constant 0 : i32
        %gather3A_1238 = tpu.memref_slice %arg10[%rem3A_128, %gather3A_1236, %gather3A_1237] : memref<2x3584x16xf32, #tpu.memory_space<vmem>> -> memref<1x3584x16xf32, #tpu.memory_space<vmem>>
        %gather3A_1239 = tpu.memref_squeeze %gather3A_1238 : memref<1x3584x16xf32, #tpu.memory_space<vmem>> -> memref<3584x16xf32, #tpu.memory_space<vmem>>
        %gather3A_1240 = tpu.vector_load_idx %gather3A_1239[%add3A_1225, %broadcast_in_dim3A_8] : memref<3584x16xf32, #tpu.memory_space<vmem>>[vector<16xi32>, vector<16xi32>], vector<16xf32>,
        %sub3A_1241 = arith.subf %gather3A_1240, %gather3A_1235 : vector<16xf32>
        %gt3A_1242 = arith.constant 0.000000e+00 : f32
        %gt3A_1243 = vector.broadcast %gt3A_1242 : f32 to vector<16xf32>
        %gt3A_1244 = arith.cmpf ogt, %gather3A_1240, %gt3A_1243 : vector<16xf32>
        %sub3A_1245 = arith.subf %select_n3A_1160, %gather3A_1230 : vector<16xf32>
        %abs3A_1246 = math.absf %sub3A_1245 : vector<16xf32>
        %mul3A_1247 = arith.mulf %gather3A_1235, %get3A_258 : vector<16xf32>
        %mul3A_1248 = arith.mulf %sub3A_1241, %get3A_272 : vector<16xf32>
        %add3A_1249 = arith.addf %mul3A_1247, %mul3A_1248 : vector<16xf32>
        %exp3A_1250 = math.exp %add3A_1249 : vector<16xf32>
        %mul3A_1251 = arith.mulf %gather3A_1235, %get3A_272 : vector<16xf32>
        %mul3A_1252 = arith.mulf %sub3A_1241, %get3A_258 : vector<16xf32>
        %add3A_1253 = arith.addf %mul3A_1251, %mul3A_1252 : vector<16xf32>
        %exp3A_1254 = math.exp %add3A_1253 : vector<16xf32>
        %mul3A_1255 = arith.mulf %select_n3A_1160, %exp3A_1250 : vector<16xf32>
        %add3A_1256 = arith.addf %mul3A_1255, %exp3A_1254 : vector<16xf32>
        %mul3A_1257 = arith.mulf %select_n3A_1160, %exp3A_1254 : vector<16xf32>
        %sub3A_1258 = arith.subf %add3A_1256, %mul3A_1257 : vector<16xf32>
        %sub3A_1259 = arith.constant 1.000000e+00 : f32
        %sub3A_1260 = vector.broadcast %sub3A_1259 : f32 to vector<16xf32>
        %sub3A_1261 = arith.subf %sub3A_1260, %sub3A_1258 : vector<16xf32>
        %jit3A_1262 = arith.constant 1.000000e+00 : f32
        %broadcast_in_dim3A_1263 = vector.broadcast %jit3A_1262 : f32 to vector<16xf32>
        %select_n3A_1264 = arith.select %gt3A_1244, %sub3A_1261, %broadcast_in_dim3A_1263 : vector<16xi1>, vector<16xf32>
        %mul3A_1265 = arith.mulf %abs3A_1246, %get3A_286 : vector<16xf32>
        %min3A_1266 = arith.constant 1.000000e+00 : f32
        %min3A_1267 = vector.broadcast %min3A_1266 : f32 to vector<16xf32>
        %min3A_1268 = arith.minimumf %mul3A_1265, %min3A_1267 : vector<16xf32>
        %mul3A_1269 = arith.mulf %min3A_1268, %sub3A_1261 : vector<16xf32>
        %sub3A_1270 = arith.constant 1.000000e+00 : f32
        %sub3A_1271 = vector.broadcast %sub3A_1270 : f32 to vector<16xf32>
        %sub3A_1272 = arith.subf %sub3A_1271, %mul3A_1269 : vector<16xf32>
        %mul3A_1273 = arith.mulf %mul3A_1255, %sub3A_1272 : vector<16xf32>
        %mul3A_1274 = arith.mulf %mul3A_1273, %select_n3A_1264 : vector<16xf32>
        %sub3A_1275 = arith.subf %select_n3A_1160, %mul3A_1255 : vector<16xf32>
        %sub3A_1276 = arith.constant 1.000000e+00 : f32
        %sub3A_1277 = vector.broadcast %sub3A_1276 : f32 to vector<16xf32>
        %sub3A_1278 = arith.subf %sub3A_1277, %sub3A_1272 : vector<16xf32>
        %mul3A_1279 = arith.mulf %sub3A_1275, %sub3A_1278 : vector<16xf32>
        %mul3A_1280 = arith.mulf %mul3A_1279, %sub3A_1258 : vector<16xf32>
        %add3A_1281 = arith.addf %mul3A_1274, %mul3A_1280 : vector<16xf32>
        %mul3A_1282 = arith.mulf %sub3A_1258, %select_n3A_1264 : vector<16xf32>
        %div3A_1283 = arith.divf %add3A_1281, %mul3A_1282 : vector<16xf32>
        %select_n3A_1284 = arith.select %gt3A_1244, %div3A_1283, %select_n3A_1160 : vector<16xi1>, vector<16xf32>
        %add3A_1285 = arith.constant 8 : i32
        %add3A_1286 = vector.broadcast %add3A_1285 : i32 to vector<16xi32>
        %add3A_1287 = arith.addi %add3A_293, %add3A_1286 : vector<16xi32>
        %gather3A_1288 = arith.constant 0 : i32
        %gather3A_1289 = arith.constant 0 : i32
        %gather3A_1290 = tpu.memref_slice %arg10[%rem3A_128, %gather3A_1288, %gather3A_1289] : memref<2x3584x16xf32, #tpu.memory_space<vmem>> -> memref<1x3584x16xf32, #tpu.memory_space<vmem>>
        %gather3A_1291 = tpu.memref_squeeze %gather3A_1290 : memref<1x3584x16xf32, #tpu.memory_space<vmem>> -> memref<3584x16xf32, #tpu.memory_space<vmem>>
        %gather3A_1292 = tpu.vector_load_idx %gather3A_1291[%add3A_1287, %broadcast_in_dim3A_4] : memref<3584x16xf32, #tpu.memory_space<vmem>>[vector<16xi32>, vector<16xi32>], vector<16xf32>,
        %gather3A_1293 = arith.constant 0 : i32
        %gather3A_1294 = arith.constant 0 : i32
        %gather3A_1295 = tpu.memref_slice %arg10[%rem3A_128, %gather3A_1293, %gather3A_1294] : memref<2x3584x16xf32, #tpu.memory_space<vmem>> -> memref<1x3584x16xf32, #tpu.memory_space<vmem>>
        %gather3A_1296 = tpu.memref_squeeze %gather3A_1295 : memref<1x3584x16xf32, #tpu.memory_space<vmem>> -> memref<3584x16xf32, #tpu.memory_space<vmem>>
        %gather3A_1297 = tpu.vector_load_idx %gather3A_1296[%add3A_1287, %broadcast_in_dim3A_6] : memref<3584x16xf32, #tpu.memory_space<vmem>>[vector<16xi32>, vector<16xi32>], vector<16xf32>,
        %gather3A_1298 = arith.constant 0 : i32
        %gather3A_1299 = arith.constant 0 : i32
        %gather3A_1300 = tpu.memref_slice %arg10[%rem3A_128, %gather3A_1298, %gather3A_1299] : memref<2x3584x16xf32, #tpu.memory_space<vmem>> -> memref<1x3584x16xf32, #tpu.memory_space<vmem>>
        %gather3A_1301 = tpu.memref_squeeze %gather3A_1300 : memref<1x3584x16xf32, #tpu.memory_space<vmem>> -> memref<3584x16xf32, #tpu.memory_space<vmem>>
        %gather3A_1302 = tpu.vector_load_idx %gather3A_1301[%add3A_1287, %broadcast_in_dim3A_8] : memref<3584x16xf32, #tpu.memory_space<vmem>>[vector<16xi32>, vector<16xi32>], vector<16xf32>,
        %sub3A_1303 = arith.subf %gather3A_1302, %gather3A_1297 : vector<16xf32>
        %gt3A_1304 = arith.constant 0.000000e+00 : f32
        %gt3A_1305 = vector.broadcast %gt3A_1304 : f32 to vector<16xf32>
        %gt3A_1306 = arith.cmpf ogt, %gather3A_1302, %gt3A_1305 : vector<16xf32>
        %sub3A_1307 = arith.subf %select_n3A_1222, %gather3A_1292 : vector<16xf32>
        %abs3A_1308 = math.absf %sub3A_1307 : vector<16xf32>
        %mul3A_1309 = arith.mulf %gather3A_1297, %get3A_251 : vector<16xf32>
        %mul3A_1310 = arith.mulf %sub3A_1303, %get3A_265 : vector<16xf32>
        %add3A_1311 = arith.addf %mul3A_1309, %mul3A_1310 : vector<16xf32>
        %exp3A_1312 = math.exp %add3A_1311 : vector<16xf32>
        %mul3A_1313 = arith.mulf %gather3A_1297, %get3A_265 : vector<16xf32>
        %mul3A_1314 = arith.mulf %sub3A_1303, %get3A_251 : vector<16xf32>
        %add3A_1315 = arith.addf %mul3A_1313, %mul3A_1314 : vector<16xf32>
        %exp3A_1316 = math.exp %add3A_1315 : vector<16xf32>
        %mul3A_1317 = arith.mulf %select_n3A_1222, %exp3A_1312 : vector<16xf32>
        %add3A_1318 = arith.addf %mul3A_1317, %exp3A_1316 : vector<16xf32>
        %mul3A_1319 = arith.mulf %select_n3A_1222, %exp3A_1316 : vector<16xf32>
        %sub3A_1320 = arith.subf %add3A_1318, %mul3A_1319 : vector<16xf32>
        %sub3A_1321 = arith.constant 1.000000e+00 : f32
        %sub3A_1322 = vector.broadcast %sub3A_1321 : f32 to vector<16xf32>
        %sub3A_1323 = arith.subf %sub3A_1322, %sub3A_1320 : vector<16xf32>
        %jit3A_1324 = arith.constant 1.000000e+00 : f32
        %broadcast_in_dim3A_1325 = vector.broadcast %jit3A_1324 : f32 to vector<16xf32>
        %select_n3A_1326 = arith.select %gt3A_1306, %sub3A_1323, %broadcast_in_dim3A_1325 : vector<16xi1>, vector<16xf32>
        %mul3A_1327 = arith.mulf %abs3A_1308, %get3A_279 : vector<16xf32>
        %min3A_1328 = arith.constant 1.000000e+00 : f32
        %min3A_1329 = vector.broadcast %min3A_1328 : f32 to vector<16xf32>
        %min3A_1330 = arith.minimumf %mul3A_1327, %min3A_1329 : vector<16xf32>
        %mul3A_1331 = arith.mulf %min3A_1330, %sub3A_1323 : vector<16xf32>
        %sub3A_1332 = arith.constant 1.000000e+00 : f32
        %sub3A_1333 = vector.broadcast %sub3A_1332 : f32 to vector<16xf32>
        %sub3A_1334 = arith.subf %sub3A_1333, %mul3A_1331 : vector<16xf32>
        %mul3A_1335 = arith.mulf %mul3A_1317, %sub3A_1334 : vector<16xf32>
        %mul3A_1336 = arith.mulf %mul3A_1335, %select_n3A_1326 : vector<16xf32>
        %sub3A_1337 = arith.subf %select_n3A_1222, %mul3A_1317 : vector<16xf32>
        %sub3A_1338 = arith.constant 1.000000e+00 : f32
        %sub3A_1339 = vector.broadcast %sub3A_1338 : f32 to vector<16xf32>
        %sub3A_1340 = arith.subf %sub3A_1339, %sub3A_1334 : vector<16xf32>
        %mul3A_1341 = arith.mulf %sub3A_1337, %sub3A_1340 : vector<16xf32>
        %mul3A_1342 = arith.mulf %mul3A_1341, %sub3A_1320 : vector<16xf32>
        %add3A_1343 = arith.addf %mul3A_1336, %mul3A_1342 : vector<16xf32>
        %mul3A_1344 = arith.mulf %sub3A_1320, %select_n3A_1326 : vector<16xf32>
        %div3A_1345 = arith.divf %add3A_1343, %mul3A_1344 : vector<16xf32>
        %select_n3A_1346 = arith.select %gt3A_1306, %div3A_1345, %select_n3A_1222 : vector<16xi1>, vector<16xf32>
        %add3A_1347 = arith.constant 8 : i32
        %add3A_1348 = vector.broadcast %add3A_1347 : i32 to vector<16xi32>
        %add3A_1349 = arith.addi %add3A_300, %add3A_1348 : vector<16xi32>
        %gather3A_1350 = arith.constant 0 : i32
        %gather3A_1351 = arith.constant 0 : i32
        %gather3A_1352 = tpu.memref_slice %arg10[%rem3A_128, %gather3A_1350, %gather3A_1351] : memref<2x3584x16xf32, #tpu.memory_space<vmem>> -> memref<1x3584x16xf32, #tpu.memory_space<vmem>>
        %gather3A_1353 = tpu.memref_squeeze %gather3A_1352 : memref<1x3584x16xf32, #tpu.memory_space<vmem>> -> memref<3584x16xf32, #tpu.memory_space<vmem>>
        %gather3A_1354 = tpu.vector_load_idx %gather3A_1353[%add3A_1349, %broadcast_in_dim3A_4] : memref<3584x16xf32, #tpu.memory_space<vmem>>[vector<16xi32>, vector<16xi32>], vector<16xf32>,
        %gather3A_1355 = arith.constant 0 : i32
        %gather3A_1356 = arith.constant 0 : i32
        %gather3A_1357 = tpu.memref_slice %arg10[%rem3A_128, %gather3A_1355, %gather3A_1356] : memref<2x3584x16xf32, #tpu.memory_space<vmem>> -> memref<1x3584x16xf32, #tpu.memory_space<vmem>>
        %gather3A_1358 = tpu.memref_squeeze %gather3A_1357 : memref<1x3584x16xf32, #tpu.memory_space<vmem>> -> memref<3584x16xf32, #tpu.memory_space<vmem>>
        %gather3A_1359 = tpu.vector_load_idx %gather3A_1358[%add3A_1349, %broadcast_in_dim3A_6] : memref<3584x16xf32, #tpu.memory_space<vmem>>[vector<16xi32>, vector<16xi32>], vector<16xf32>,
        %gather3A_1360 = arith.constant 0 : i32
        %gather3A_1361 = arith.constant 0 : i32
        %gather3A_1362 = tpu.memref_slice %arg10[%rem3A_128, %gather3A_1360, %gather3A_1361] : memref<2x3584x16xf32, #tpu.memory_space<vmem>> -> memref<1x3584x16xf32, #tpu.memory_space<vmem>>
        %gather3A_1363 = tpu.memref_squeeze %gather3A_1362 : memref<1x3584x16xf32, #tpu.memory_space<vmem>> -> memref<3584x16xf32, #tpu.memory_space<vmem>>
        %gather3A_1364 = tpu.vector_load_idx %gather3A_1363[%add3A_1349, %broadcast_in_dim3A_8] : memref<3584x16xf32, #tpu.memory_space<vmem>>[vector<16xi32>, vector<16xi32>], vector<16xf32>,
        %sub3A_1365 = arith.subf %gather3A_1364, %gather3A_1359 : vector<16xf32>
        %gt3A_1366 = arith.constant 0.000000e+00 : f32
        %gt3A_1367 = vector.broadcast %gt3A_1366 : f32 to vector<16xf32>
        %gt3A_1368 = arith.cmpf ogt, %gather3A_1364, %gt3A_1367 : vector<16xf32>
        %sub3A_1369 = arith.subf %select_n3A_1284, %gather3A_1354 : vector<16xf32>
        %abs3A_1370 = math.absf %sub3A_1369 : vector<16xf32>
        %mul3A_1371 = arith.mulf %gather3A_1359, %get3A_258 : vector<16xf32>
        %mul3A_1372 = arith.mulf %sub3A_1365, %get3A_272 : vector<16xf32>
        %add3A_1373 = arith.addf %mul3A_1371, %mul3A_1372 : vector<16xf32>
        %exp3A_1374 = math.exp %add3A_1373 : vector<16xf32>
        %mul3A_1375 = arith.mulf %gather3A_1359, %get3A_272 : vector<16xf32>
        %mul3A_1376 = arith.mulf %sub3A_1365, %get3A_258 : vector<16xf32>
        %add3A_1377 = arith.addf %mul3A_1375, %mul3A_1376 : vector<16xf32>
        %exp3A_1378 = math.exp %add3A_1377 : vector<16xf32>
        %mul3A_1379 = arith.mulf %select_n3A_1284, %exp3A_1374 : vector<16xf32>
        %add3A_1380 = arith.addf %mul3A_1379, %exp3A_1378 : vector<16xf32>
        %mul3A_1381 = arith.mulf %select_n3A_1284, %exp3A_1378 : vector<16xf32>
        %sub3A_1382 = arith.subf %add3A_1380, %mul3A_1381 : vector<16xf32>
        %sub3A_1383 = arith.constant 1.000000e+00 : f32
        %sub3A_1384 = vector.broadcast %sub3A_1383 : f32 to vector<16xf32>
        %sub3A_1385 = arith.subf %sub3A_1384, %sub3A_1382 : vector<16xf32>
        %jit3A_1386 = arith.constant 1.000000e+00 : f32
        %broadcast_in_dim3A_1387 = vector.broadcast %jit3A_1386 : f32 to vector<16xf32>
        %select_n3A_1388 = arith.select %gt3A_1368, %sub3A_1385, %broadcast_in_dim3A_1387 : vector<16xi1>, vector<16xf32>
        %mul3A_1389 = arith.mulf %abs3A_1370, %get3A_286 : vector<16xf32>
        %min3A_1390 = arith.constant 1.000000e+00 : f32
        %min3A_1391 = vector.broadcast %min3A_1390 : f32 to vector<16xf32>
        %min3A_1392 = arith.minimumf %mul3A_1389, %min3A_1391 : vector<16xf32>
        %mul3A_1393 = arith.mulf %min3A_1392, %sub3A_1385 : vector<16xf32>
        %sub3A_1394 = arith.constant 1.000000e+00 : f32
        %sub3A_1395 = vector.broadcast %sub3A_1394 : f32 to vector<16xf32>
        %sub3A_1396 = arith.subf %sub3A_1395, %mul3A_1393 : vector<16xf32>
        %mul3A_1397 = arith.mulf %mul3A_1379, %sub3A_1396 : vector<16xf32>
        %mul3A_1398 = arith.mulf %mul3A_1397, %select_n3A_1388 : vector<16xf32>
        %sub3A_1399 = arith.subf %select_n3A_1284, %mul3A_1379 : vector<16xf32>
        %sub3A_1400 = arith.constant 1.000000e+00 : f32
        %sub3A_1401 = vector.broadcast %sub3A_1400 : f32 to vector<16xf32>
        %sub3A_1402 = arith.subf %sub3A_1401, %sub3A_1396 : vector<16xf32>
        %mul3A_1403 = arith.mulf %sub3A_1399, %sub3A_1402 : vector<16xf32>
        %mul3A_1404 = arith.mulf %mul3A_1403, %sub3A_1382 : vector<16xf32>
        %add3A_1405 = arith.addf %mul3A_1398, %mul3A_1404 : vector<16xf32>
        %mul3A_1406 = arith.mulf %sub3A_1382, %select_n3A_1388 : vector<16xf32>
        %div3A_1407 = arith.divf %add3A_1405, %mul3A_1406 : vector<16xf32>
        %select_n3A_1408 = arith.select %gt3A_1368, %div3A_1407, %select_n3A_1284 : vector<16xi1>, vector<16xf32>
        %add3A_1409 = arith.constant 9 : i32
        %add3A_1410 = vector.broadcast %add3A_1409 : i32 to vector<16xi32>
        %add3A_1411 = arith.addi %add3A_293, %add3A_1410 : vector<16xi32>
        %gather3A_1412 = arith.constant 0 : i32
        %gather3A_1413 = arith.constant 0 : i32
        %gather3A_1414 = tpu.memref_slice %arg10[%rem3A_128, %gather3A_1412, %gather3A_1413] : memref<2x3584x16xf32, #tpu.memory_space<vmem>> -> memref<1x3584x16xf32, #tpu.memory_space<vmem>>
        %gather3A_1415 = tpu.memref_squeeze %gather3A_1414 : memref<1x3584x16xf32, #tpu.memory_space<vmem>> -> memref<3584x16xf32, #tpu.memory_space<vmem>>
        %gather3A_1416 = tpu.vector_load_idx %gather3A_1415[%add3A_1411, %broadcast_in_dim3A_4] : memref<3584x16xf32, #tpu.memory_space<vmem>>[vector<16xi32>, vector<16xi32>], vector<16xf32>,
        %gather3A_1417 = arith.constant 0 : i32
        %gather3A_1418 = arith.constant 0 : i32
        %gather3A_1419 = tpu.memref_slice %arg10[%rem3A_128, %gather3A_1417, %gather3A_1418] : memref<2x3584x16xf32, #tpu.memory_space<vmem>> -> memref<1x3584x16xf32, #tpu.memory_space<vmem>>
        %gather3A_1420 = tpu.memref_squeeze %gather3A_1419 : memref<1x3584x16xf32, #tpu.memory_space<vmem>> -> memref<3584x16xf32, #tpu.memory_space<vmem>>
        %gather3A_1421 = tpu.vector_load_idx %gather3A_1420[%add3A_1411, %broadcast_in_dim3A_6] : memref<3584x16xf32, #tpu.memory_space<vmem>>[vector<16xi32>, vector<16xi32>], vector<16xf32>,
        %gather3A_1422 = arith.constant 0 : i32
        %gather3A_1423 = arith.constant 0 : i32
        %gather3A_1424 = tpu.memref_slice %arg10[%rem3A_128, %gather3A_1422, %gather3A_1423] : memref<2x3584x16xf32, #tpu.memory_space<vmem>> -> memref<1x3584x16xf32, #tpu.memory_space<vmem>>
        %gather3A_1425 = tpu.memref_squeeze %gather3A_1424 : memref<1x3584x16xf32, #tpu.memory_space<vmem>> -> memref<3584x16xf32, #tpu.memory_space<vmem>>
        %gather3A_1426 = tpu.vector_load_idx %gather3A_1425[%add3A_1411, %broadcast_in_dim3A_8] : memref<3584x16xf32, #tpu.memory_space<vmem>>[vector<16xi32>, vector<16xi32>], vector<16xf32>,
        %sub3A_1427 = arith.subf %gather3A_1426, %gather3A_1421 : vector<16xf32>
        %gt3A_1428 = arith.constant 0.000000e+00 : f32
        %gt3A_1429 = vector.broadcast %gt3A_1428 : f32 to vector<16xf32>
        %gt3A_1430 = arith.cmpf ogt, %gather3A_1426, %gt3A_1429 : vector<16xf32>
        %sub3A_1431 = arith.subf %select_n3A_1346, %gather3A_1416 : vector<16xf32>
        %abs3A_1432 = math.absf %sub3A_1431 : vector<16xf32>
        %mul3A_1433 = arith.mulf %gather3A_1421, %get3A_251 : vector<16xf32>
        %mul3A_1434 = arith.mulf %sub3A_1427, %get3A_265 : vector<16xf32>
        %add3A_1435 = arith.addf %mul3A_1433, %mul3A_1434 : vector<16xf32>
        %exp3A_1436 = math.exp %add3A_1435 : vector<16xf32>
        %mul3A_1437 = arith.mulf %gather3A_1421, %get3A_265 : vector<16xf32>
        %mul3A_1438 = arith.mulf %sub3A_1427, %get3A_251 : vector<16xf32>
        %add3A_1439 = arith.addf %mul3A_1437, %mul3A_1438 : vector<16xf32>
        %exp3A_1440 = math.exp %add3A_1439 : vector<16xf32>
        %mul3A_1441 = arith.mulf %select_n3A_1346, %exp3A_1436 : vector<16xf32>
        %add3A_1442 = arith.addf %mul3A_1441, %exp3A_1440 : vector<16xf32>
        %mul3A_1443 = arith.mulf %select_n3A_1346, %exp3A_1440 : vector<16xf32>
        %sub3A_1444 = arith.subf %add3A_1442, %mul3A_1443 : vector<16xf32>
        %sub3A_1445 = arith.constant 1.000000e+00 : f32
        %sub3A_1446 = vector.broadcast %sub3A_1445 : f32 to vector<16xf32>
        %sub3A_1447 = arith.subf %sub3A_1446, %sub3A_1444 : vector<16xf32>
        %jit3A_1448 = arith.constant 1.000000e+00 : f32
        %broadcast_in_dim3A_1449 = vector.broadcast %jit3A_1448 : f32 to vector<16xf32>
        %select_n3A_1450 = arith.select %gt3A_1430, %sub3A_1447, %broadcast_in_dim3A_1449 : vector<16xi1>, vector<16xf32>
        %mul3A_1451 = arith.mulf %abs3A_1432, %get3A_279 : vector<16xf32>
        %min3A_1452 = arith.constant 1.000000e+00 : f32
        %min3A_1453 = vector.broadcast %min3A_1452 : f32 to vector<16xf32>
        %min3A_1454 = arith.minimumf %mul3A_1451, %min3A_1453 : vector<16xf32>
        %mul3A_1455 = arith.mulf %min3A_1454, %sub3A_1447 : vector<16xf32>
        %sub3A_1456 = arith.constant 1.000000e+00 : f32
        %sub3A_1457 = vector.broadcast %sub3A_1456 : f32 to vector<16xf32>
        %sub3A_1458 = arith.subf %sub3A_1457, %mul3A_1455 : vector<16xf32>
        %mul3A_1459 = arith.mulf %mul3A_1441, %sub3A_1458 : vector<16xf32>
        %mul3A_1460 = arith.mulf %mul3A_1459, %select_n3A_1450 : vector<16xf32>
        %sub3A_1461 = arith.subf %select_n3A_1346, %mul3A_1441 : vector<16xf32>
        %sub3A_1462 = arith.constant 1.000000e+00 : f32
        %sub3A_1463 = vector.broadcast %sub3A_1462 : f32 to vector<16xf32>
        %sub3A_1464 = arith.subf %sub3A_1463, %sub3A_1458 : vector<16xf32>
        %mul3A_1465 = arith.mulf %sub3A_1461, %sub3A_1464 : vector<16xf32>
        %mul3A_1466 = arith.mulf %mul3A_1465, %sub3A_1444 : vector<16xf32>
        %add3A_1467 = arith.addf %mul3A_1460, %mul3A_1466 : vector<16xf32>
        %mul3A_1468 = arith.mulf %sub3A_1444, %select_n3A_1450 : vector<16xf32>
        %div3A_1469 = arith.divf %add3A_1467, %mul3A_1468 : vector<16xf32>
        %select_n3A_1470 = arith.select %gt3A_1430, %div3A_1469, %select_n3A_1346 : vector<16xi1>, vector<16xf32>
        %add3A_1471 = arith.constant 9 : i32
        %add3A_1472 = vector.broadcast %add3A_1471 : i32 to vector<16xi32>
        %add3A_1473 = arith.addi %add3A_300, %add3A_1472 : vector<16xi32>
        %gather3A_1474 = arith.constant 0 : i32
        %gather3A_1475 = arith.constant 0 : i32
        %gather3A_1476 = tpu.memref_slice %arg10[%rem3A_128, %gather3A_1474, %gather3A_1475] : memref<2x3584x16xf32, #tpu.memory_space<vmem>> -> memref<1x3584x16xf32, #tpu.memory_space<vmem>>
        %gather3A_1477 = tpu.memref_squeeze %gather3A_1476 : memref<1x3584x16xf32, #tpu.memory_space<vmem>> -> memref<3584x16xf32, #tpu.memory_space<vmem>>
        %gather3A_1478 = tpu.vector_load_idx %gather3A_1477[%add3A_1473, %broadcast_in_dim3A_4] : memref<3584x16xf32, #tpu.memory_space<vmem>>[vector<16xi32>, vector<16xi32>], vector<16xf32>,
        %gather3A_1479 = arith.constant 0 : i32
        %gather3A_1480 = arith.constant 0 : i32
        %gather3A_1481 = tpu.memref_slice %arg10[%rem3A_128, %gather3A_1479, %gather3A_1480] : memref<2x3584x16xf32, #tpu.memory_space<vmem>> -> memref<1x3584x16xf32, #tpu.memory_space<vmem>>
        %gather3A_1482 = tpu.memref_squeeze %gather3A_1481 : memref<1x3584x16xf32, #tpu.memory_space<vmem>> -> memref<3584x16xf32, #tpu.memory_space<vmem>>
        %gather3A_1483 = tpu.vector_load_idx %gather3A_1482[%add3A_1473, %broadcast_in_dim3A_6] : memref<3584x16xf32, #tpu.memory_space<vmem>>[vector<16xi32>, vector<16xi32>], vector<16xf32>,
        %gather3A_1484 = arith.constant 0 : i32
        %gather3A_1485 = arith.constant 0 : i32
        %gather3A_1486 = tpu.memref_slice %arg10[%rem3A_128, %gather3A_1484, %gather3A_1485] : memref<2x3584x16xf32, #tpu.memory_space<vmem>> -> memref<1x3584x16xf32, #tpu.memory_space<vmem>>
        %gather3A_1487 = tpu.memref_squeeze %gather3A_1486 : memref<1x3584x16xf32, #tpu.memory_space<vmem>> -> memref<3584x16xf32, #tpu.memory_space<vmem>>
        %gather3A_1488 = tpu.vector_load_idx %gather3A_1487[%add3A_1473, %broadcast_in_dim3A_8] : memref<3584x16xf32, #tpu.memory_space<vmem>>[vector<16xi32>, vector<16xi32>], vector<16xf32>,
        %sub3A_1489 = arith.subf %gather3A_1488, %gather3A_1483 : vector<16xf32>
        %gt3A_1490 = arith.constant 0.000000e+00 : f32
        %gt3A_1491 = vector.broadcast %gt3A_1490 : f32 to vector<16xf32>
        %gt3A_1492 = arith.cmpf ogt, %gather3A_1488, %gt3A_1491 : vector<16xf32>
        %sub3A_1493 = arith.subf %select_n3A_1408, %gather3A_1478 : vector<16xf32>
        %abs3A_1494 = math.absf %sub3A_1493 : vector<16xf32>
        %mul3A_1495 = arith.mulf %gather3A_1483, %get3A_258 : vector<16xf32>
        %mul3A_1496 = arith.mulf %sub3A_1489, %get3A_272 : vector<16xf32>
        %add3A_1497 = arith.addf %mul3A_1495, %mul3A_1496 : vector<16xf32>
        %exp3A_1498 = math.exp %add3A_1497 : vector<16xf32>
        %mul3A_1499 = arith.mulf %gather3A_1483, %get3A_272 : vector<16xf32>
        %mul3A_1500 = arith.mulf %sub3A_1489, %get3A_258 : vector<16xf32>
        %add3A_1501 = arith.addf %mul3A_1499, %mul3A_1500 : vector<16xf32>
        %exp3A_1502 = math.exp %add3A_1501 : vector<16xf32>
        %mul3A_1503 = arith.mulf %select_n3A_1408, %exp3A_1498 : vector<16xf32>
        %add3A_1504 = arith.addf %mul3A_1503, %exp3A_1502 : vector<16xf32>
        %mul3A_1505 = arith.mulf %select_n3A_1408, %exp3A_1502 : vector<16xf32>
        %sub3A_1506 = arith.subf %add3A_1504, %mul3A_1505 : vector<16xf32>
        %sub3A_1507 = arith.constant 1.000000e+00 : f32
        %sub3A_1508 = vector.broadcast %sub3A_1507 : f32 to vector<16xf32>
        %sub3A_1509 = arith.subf %sub3A_1508, %sub3A_1506 : vector<16xf32>
        %jit3A_1510 = arith.constant 1.000000e+00 : f32
        %broadcast_in_dim3A_1511 = vector.broadcast %jit3A_1510 : f32 to vector<16xf32>
        %select_n3A_1512 = arith.select %gt3A_1492, %sub3A_1509, %broadcast_in_dim3A_1511 : vector<16xi1>, vector<16xf32>
        %mul3A_1513 = arith.mulf %abs3A_1494, %get3A_286 : vector<16xf32>
        %min3A_1514 = arith.constant 1.000000e+00 : f32
        %min3A_1515 = vector.broadcast %min3A_1514 : f32 to vector<16xf32>
        %min3A_1516 = arith.minimumf %mul3A_1513, %min3A_1515 : vector<16xf32>
        %mul3A_1517 = arith.mulf %min3A_1516, %sub3A_1509 : vector<16xf32>
        %sub3A_1518 = arith.constant 1.000000e+00 : f32
        %sub3A_1519 = vector.broadcast %sub3A_1518 : f32 to vector<16xf32>
        %sub3A_1520 = arith.subf %sub3A_1519, %mul3A_1517 : vector<16xf32>
        %mul3A_1521 = arith.mulf %mul3A_1503, %sub3A_1520 : vector<16xf32>
        %mul3A_1522 = arith.mulf %mul3A_1521, %select_n3A_1512 : vector<16xf32>
        %sub3A_1523 = arith.subf %select_n3A_1408, %mul3A_1503 : vector<16xf32>
        %sub3A_1524 = arith.constant 1.000000e+00 : f32
        %sub3A_1525 = vector.broadcast %sub3A_1524 : f32 to vector<16xf32>
        %sub3A_1526 = arith.subf %sub3A_1525, %sub3A_1520 : vector<16xf32>
        %mul3A_1527 = arith.mulf %sub3A_1523, %sub3A_1526 : vector<16xf32>
        %mul3A_1528 = arith.mulf %mul3A_1527, %sub3A_1506 : vector<16xf32>
        %add3A_1529 = arith.addf %mul3A_1522, %mul3A_1528 : vector<16xf32>
        %mul3A_1530 = arith.mulf %sub3A_1506, %select_n3A_1512 : vector<16xf32>
        %div3A_1531 = arith.divf %add3A_1529, %mul3A_1530 : vector<16xf32>
        %select_n3A_1532 = arith.select %gt3A_1492, %div3A_1531, %select_n3A_1408 : vector<16xi1>, vector<16xf32>
        %add3A_1533 = arith.constant 10 : i32
        %add3A_1534 = vector.broadcast %add3A_1533 : i32 to vector<16xi32>
        %add3A_1535 = arith.addi %add3A_293, %add3A_1534 : vector<16xi32>
        %gather3A_1536 = arith.constant 0 : i32
        %gather3A_1537 = arith.constant 0 : i32
        %gather3A_1538 = tpu.memref_slice %arg10[%rem3A_128, %gather3A_1536, %gather3A_1537] : memref<2x3584x16xf32, #tpu.memory_space<vmem>> -> memref<1x3584x16xf32, #tpu.memory_space<vmem>>
        %gather3A_1539 = tpu.memref_squeeze %gather3A_1538 : memref<1x3584x16xf32, #tpu.memory_space<vmem>> -> memref<3584x16xf32, #tpu.memory_space<vmem>>
        %gather3A_1540 = tpu.vector_load_idx %gather3A_1539[%add3A_1535, %broadcast_in_dim3A_4] : memref<3584x16xf32, #tpu.memory_space<vmem>>[vector<16xi32>, vector<16xi32>], vector<16xf32>,
        %gather3A_1541 = arith.constant 0 : i32
        %gather3A_1542 = arith.constant 0 : i32
        %gather3A_1543 = tpu.memref_slice %arg10[%rem3A_128, %gather3A_1541, %gather3A_1542] : memref<2x3584x16xf32, #tpu.memory_space<vmem>> -> memref<1x3584x16xf32, #tpu.memory_space<vmem>>
        %gather3A_1544 = tpu.memref_squeeze %gather3A_1543 : memref<1x3584x16xf32, #tpu.memory_space<vmem>> -> memref<3584x16xf32, #tpu.memory_space<vmem>>
        %gather3A_1545 = tpu.vector_load_idx %gather3A_1544[%add3A_1535, %broadcast_in_dim3A_6] : memref<3584x16xf32, #tpu.memory_space<vmem>>[vector<16xi32>, vector<16xi32>], vector<16xf32>,
        %gather3A_1546 = arith.constant 0 : i32
        %gather3A_1547 = arith.constant 0 : i32
        %gather3A_1548 = tpu.memref_slice %arg10[%rem3A_128, %gather3A_1546, %gather3A_1547] : memref<2x3584x16xf32, #tpu.memory_space<vmem>> -> memref<1x3584x16xf32, #tpu.memory_space<vmem>>
        %gather3A_1549 = tpu.memref_squeeze %gather3A_1548 : memref<1x3584x16xf32, #tpu.memory_space<vmem>> -> memref<3584x16xf32, #tpu.memory_space<vmem>>
        %gather3A_1550 = tpu.vector_load_idx %gather3A_1549[%add3A_1535, %broadcast_in_dim3A_8] : memref<3584x16xf32, #tpu.memory_space<vmem>>[vector<16xi32>, vector<16xi32>], vector<16xf32>,
        %sub3A_1551 = arith.subf %gather3A_1550, %gather3A_1545 : vector<16xf32>
        %gt3A_1552 = arith.constant 0.000000e+00 : f32
        %gt3A_1553 = vector.broadcast %gt3A_1552 : f32 to vector<16xf32>
        %gt3A_1554 = arith.cmpf ogt, %gather3A_1550, %gt3A_1553 : vector<16xf32>
        %sub3A_1555 = arith.subf %select_n3A_1470, %gather3A_1540 : vector<16xf32>
        %abs3A_1556 = math.absf %sub3A_1555 : vector<16xf32>
        %mul3A_1557 = arith.mulf %gather3A_1545, %get3A_251 : vector<16xf32>
        %mul3A_1558 = arith.mulf %sub3A_1551, %get3A_265 : vector<16xf32>
        %add3A_1559 = arith.addf %mul3A_1557, %mul3A_1558 : vector<16xf32>
        %exp3A_1560 = math.exp %add3A_1559 : vector<16xf32>
        %mul3A_1561 = arith.mulf %gather3A_1545, %get3A_265 : vector<16xf32>
        %mul3A_1562 = arith.mulf %sub3A_1551, %get3A_251 : vector<16xf32>
        %add3A_1563 = arith.addf %mul3A_1561, %mul3A_1562 : vector<16xf32>
        %exp3A_1564 = math.exp %add3A_1563 : vector<16xf32>
        %mul3A_1565 = arith.mulf %select_n3A_1470, %exp3A_1560 : vector<16xf32>
        %add3A_1566 = arith.addf %mul3A_1565, %exp3A_1564 : vector<16xf32>
        %mul3A_1567 = arith.mulf %select_n3A_1470, %exp3A_1564 : vector<16xf32>
        %sub3A_1568 = arith.subf %add3A_1566, %mul3A_1567 : vector<16xf32>
        %sub3A_1569 = arith.constant 1.000000e+00 : f32
        %sub3A_1570 = vector.broadcast %sub3A_1569 : f32 to vector<16xf32>
        %sub3A_1571 = arith.subf %sub3A_1570, %sub3A_1568 : vector<16xf32>
        %jit3A_1572 = arith.constant 1.000000e+00 : f32
        %broadcast_in_dim3A_1573 = vector.broadcast %jit3A_1572 : f32 to vector<16xf32>
        %select_n3A_1574 = arith.select %gt3A_1554, %sub3A_1571, %broadcast_in_dim3A_1573 : vector<16xi1>, vector<16xf32>
        %mul3A_1575 = arith.mulf %abs3A_1556, %get3A_279 : vector<16xf32>
        %min3A_1576 = arith.constant 1.000000e+00 : f32
        %min3A_1577 = vector.broadcast %min3A_1576 : f32 to vector<16xf32>
        %min3A_1578 = arith.minimumf %mul3A_1575, %min3A_1577 : vector<16xf32>
        %mul3A_1579 = arith.mulf %min3A_1578, %sub3A_1571 : vector<16xf32>
        %sub3A_1580 = arith.constant 1.000000e+00 : f32
        %sub3A_1581 = vector.broadcast %sub3A_1580 : f32 to vector<16xf32>
        %sub3A_1582 = arith.subf %sub3A_1581, %mul3A_1579 : vector<16xf32>
        %mul3A_1583 = arith.mulf %mul3A_1565, %sub3A_1582 : vector<16xf32>
        %mul3A_1584 = arith.mulf %mul3A_1583, %select_n3A_1574 : vector<16xf32>
        %sub3A_1585 = arith.subf %select_n3A_1470, %mul3A_1565 : vector<16xf32>
        %sub3A_1586 = arith.constant 1.000000e+00 : f32
        %sub3A_1587 = vector.broadcast %sub3A_1586 : f32 to vector<16xf32>
        %sub3A_1588 = arith.subf %sub3A_1587, %sub3A_1582 : vector<16xf32>
        %mul3A_1589 = arith.mulf %sub3A_1585, %sub3A_1588 : vector<16xf32>
        %mul3A_1590 = arith.mulf %mul3A_1589, %sub3A_1568 : vector<16xf32>
        %add3A_1591 = arith.addf %mul3A_1584, %mul3A_1590 : vector<16xf32>
        %mul3A_1592 = arith.mulf %sub3A_1568, %select_n3A_1574 : vector<16xf32>
        %div3A_1593 = arith.divf %add3A_1591, %mul3A_1592 : vector<16xf32>
        %select_n3A_1594 = arith.select %gt3A_1554, %div3A_1593, %select_n3A_1470 : vector<16xi1>, vector<16xf32>
        %add3A_1595 = arith.constant 10 : i32
        %add3A_1596 = vector.broadcast %add3A_1595 : i32 to vector<16xi32>
        %add3A_1597 = arith.addi %add3A_300, %add3A_1596 : vector<16xi32>
        %gather3A_1598 = arith.constant 0 : i32
        %gather3A_1599 = arith.constant 0 : i32
        %gather3A_1600 = tpu.memref_slice %arg10[%rem3A_128, %gather3A_1598, %gather3A_1599] : memref<2x3584x16xf32, #tpu.memory_space<vmem>> -> memref<1x3584x16xf32, #tpu.memory_space<vmem>>
        %gather3A_1601 = tpu.memref_squeeze %gather3A_1600 : memref<1x3584x16xf32, #tpu.memory_space<vmem>> -> memref<3584x16xf32, #tpu.memory_space<vmem>>
        %gather3A_1602 = tpu.vector_load_idx %gather3A_1601[%add3A_1597, %broadcast_in_dim3A_4] : memref<3584x16xf32, #tpu.memory_space<vmem>>[vector<16xi32>, vector<16xi32>], vector<16xf32>,
        %gather3A_1603 = arith.constant 0 : i32
        %gather3A_1604 = arith.constant 0 : i32
        %gather3A_1605 = tpu.memref_slice %arg10[%rem3A_128, %gather3A_1603, %gather3A_1604] : memref<2x3584x16xf32, #tpu.memory_space<vmem>> -> memref<1x3584x16xf32, #tpu.memory_space<vmem>>
        %gather3A_1606 = tpu.memref_squeeze %gather3A_1605 : memref<1x3584x16xf32, #tpu.memory_space<vmem>> -> memref<3584x16xf32, #tpu.memory_space<vmem>>
        %gather3A_1607 = tpu.vector_load_idx %gather3A_1606[%add3A_1597, %broadcast_in_dim3A_6] : memref<3584x16xf32, #tpu.memory_space<vmem>>[vector<16xi32>, vector<16xi32>], vector<16xf32>,
        %gather3A_1608 = arith.constant 0 : i32
        %gather3A_1609 = arith.constant 0 : i32
        %gather3A_1610 = tpu.memref_slice %arg10[%rem3A_128, %gather3A_1608, %gather3A_1609] : memref<2x3584x16xf32, #tpu.memory_space<vmem>> -> memref<1x3584x16xf32, #tpu.memory_space<vmem>>
        %gather3A_1611 = tpu.memref_squeeze %gather3A_1610 : memref<1x3584x16xf32, #tpu.memory_space<vmem>> -> memref<3584x16xf32, #tpu.memory_space<vmem>>
        %gather3A_1612 = tpu.vector_load_idx %gather3A_1611[%add3A_1597, %broadcast_in_dim3A_8] : memref<3584x16xf32, #tpu.memory_space<vmem>>[vector<16xi32>, vector<16xi32>], vector<16xf32>,
        %sub3A_1613 = arith.subf %gather3A_1612, %gather3A_1607 : vector<16xf32>
        %gt3A_1614 = arith.constant 0.000000e+00 : f32
        %gt3A_1615 = vector.broadcast %gt3A_1614 : f32 to vector<16xf32>
        %gt3A_1616 = arith.cmpf ogt, %gather3A_1612, %gt3A_1615 : vector<16xf32>
        %sub3A_1617 = arith.subf %select_n3A_1532, %gather3A_1602 : vector<16xf32>
        %abs3A_1618 = math.absf %sub3A_1617 : vector<16xf32>
        %mul3A_1619 = arith.mulf %gather3A_1607, %get3A_258 : vector<16xf32>
        %mul3A_1620 = arith.mulf %sub3A_1613, %get3A_272 : vector<16xf32>
        %add3A_1621 = arith.addf %mul3A_1619, %mul3A_1620 : vector<16xf32>
        %exp3A_1622 = math.exp %add3A_1621 : vector<16xf32>
        %mul3A_1623 = arith.mulf %gather3A_1607, %get3A_272 : vector<16xf32>
        %mul3A_1624 = arith.mulf %sub3A_1613, %get3A_258 : vector<16xf32>
        %add3A_1625 = arith.addf %mul3A_1623, %mul3A_1624 : vector<16xf32>
        %exp3A_1626 = math.exp %add3A_1625 : vector<16xf32>
        %mul3A_1627 = arith.mulf %select_n3A_1532, %exp3A_1622 : vector<16xf32>
        %add3A_1628 = arith.addf %mul3A_1627, %exp3A_1626 : vector<16xf32>
        %mul3A_1629 = arith.mulf %select_n3A_1532, %exp3A_1626 : vector<16xf32>
        %sub3A_1630 = arith.subf %add3A_1628, %mul3A_1629 : vector<16xf32>
        %sub3A_1631 = arith.constant 1.000000e+00 : f32
        %sub3A_1632 = vector.broadcast %sub3A_1631 : f32 to vector<16xf32>
        %sub3A_1633 = arith.subf %sub3A_1632, %sub3A_1630 : vector<16xf32>
        %jit3A_1634 = arith.constant 1.000000e+00 : f32
        %broadcast_in_dim3A_1635 = vector.broadcast %jit3A_1634 : f32 to vector<16xf32>
        %select_n3A_1636 = arith.select %gt3A_1616, %sub3A_1633, %broadcast_in_dim3A_1635 : vector<16xi1>, vector<16xf32>
        %mul3A_1637 = arith.mulf %abs3A_1618, %get3A_286 : vector<16xf32>
        %min3A_1638 = arith.constant 1.000000e+00 : f32
        %min3A_1639 = vector.broadcast %min3A_1638 : f32 to vector<16xf32>
        %min3A_1640 = arith.minimumf %mul3A_1637, %min3A_1639 : vector<16xf32>
        %mul3A_1641 = arith.mulf %min3A_1640, %sub3A_1633 : vector<16xf32>
        %sub3A_1642 = arith.constant 1.000000e+00 : f32
        %sub3A_1643 = vector.broadcast %sub3A_1642 : f32 to vector<16xf32>
        %sub3A_1644 = arith.subf %sub3A_1643, %mul3A_1641 : vector<16xf32>
        %mul3A_1645 = arith.mulf %mul3A_1627, %sub3A_1644 : vector<16xf32>
        %mul3A_1646 = arith.mulf %mul3A_1645, %select_n3A_1636 : vector<16xf32>
        %sub3A_1647 = arith.subf %select_n3A_1532, %mul3A_1627 : vector<16xf32>
        %sub3A_1648 = arith.constant 1.000000e+00 : f32
        %sub3A_1649 = vector.broadcast %sub3A_1648 : f32 to vector<16xf32>
        %sub3A_1650 = arith.subf %sub3A_1649, %sub3A_1644 : vector<16xf32>
        %mul3A_1651 = arith.mulf %sub3A_1647, %sub3A_1650 : vector<16xf32>
        %mul3A_1652 = arith.mulf %mul3A_1651, %sub3A_1630 : vector<16xf32>
        %add3A_1653 = arith.addf %mul3A_1646, %mul3A_1652 : vector<16xf32>
        %mul3A_1654 = arith.mulf %sub3A_1630, %select_n3A_1636 : vector<16xf32>
        %div3A_1655 = arith.divf %add3A_1653, %mul3A_1654 : vector<16xf32>
        %select_n3A_1656 = arith.select %gt3A_1616, %div3A_1655, %select_n3A_1532 : vector<16xi1>, vector<16xf32>
        %add3A_1657 = arith.constant 11 : i32
        %add3A_1658 = vector.broadcast %add3A_1657 : i32 to vector<16xi32>
        %add3A_1659 = arith.addi %add3A_293, %add3A_1658 : vector<16xi32>
        %gather3A_1660 = arith.constant 0 : i32
        %gather3A_1661 = arith.constant 0 : i32
        %gather3A_1662 = tpu.memref_slice %arg10[%rem3A_128, %gather3A_1660, %gather3A_1661] : memref<2x3584x16xf32, #tpu.memory_space<vmem>> -> memref<1x3584x16xf32, #tpu.memory_space<vmem>>
        %gather3A_1663 = tpu.memref_squeeze %gather3A_1662 : memref<1x3584x16xf32, #tpu.memory_space<vmem>> -> memref<3584x16xf32, #tpu.memory_space<vmem>>
        %gather3A_1664 = tpu.vector_load_idx %gather3A_1663[%add3A_1659, %broadcast_in_dim3A_4] : memref<3584x16xf32, #tpu.memory_space<vmem>>[vector<16xi32>, vector<16xi32>], vector<16xf32>,
        %gather3A_1665 = arith.constant 0 : i32
        %gather3A_1666 = arith.constant 0 : i32
        %gather3A_1667 = tpu.memref_slice %arg10[%rem3A_128, %gather3A_1665, %gather3A_1666] : memref<2x3584x16xf32, #tpu.memory_space<vmem>> -> memref<1x3584x16xf32, #tpu.memory_space<vmem>>
        %gather3A_1668 = tpu.memref_squeeze %gather3A_1667 : memref<1x3584x16xf32, #tpu.memory_space<vmem>> -> memref<3584x16xf32, #tpu.memory_space<vmem>>
        %gather3A_1669 = tpu.vector_load_idx %gather3A_1668[%add3A_1659, %broadcast_in_dim3A_6] : memref<3584x16xf32, #tpu.memory_space<vmem>>[vector<16xi32>, vector<16xi32>], vector<16xf32>,
        %gather3A_1670 = arith.constant 0 : i32
        %gather3A_1671 = arith.constant 0 : i32
        %gather3A_1672 = tpu.memref_slice %arg10[%rem3A_128, %gather3A_1670, %gather3A_1671] : memref<2x3584x16xf32, #tpu.memory_space<vmem>> -> memref<1x3584x16xf32, #tpu.memory_space<vmem>>
        %gather3A_1673 = tpu.memref_squeeze %gather3A_1672 : memref<1x3584x16xf32, #tpu.memory_space<vmem>> -> memref<3584x16xf32, #tpu.memory_space<vmem>>
        %gather3A_1674 = tpu.vector_load_idx %gather3A_1673[%add3A_1659, %broadcast_in_dim3A_8] : memref<3584x16xf32, #tpu.memory_space<vmem>>[vector<16xi32>, vector<16xi32>], vector<16xf32>,
        %sub3A_1675 = arith.subf %gather3A_1674, %gather3A_1669 : vector<16xf32>
        %gt3A_1676 = arith.constant 0.000000e+00 : f32
        %gt3A_1677 = vector.broadcast %gt3A_1676 : f32 to vector<16xf32>
        %gt3A_1678 = arith.cmpf ogt, %gather3A_1674, %gt3A_1677 : vector<16xf32>
        %sub3A_1679 = arith.subf %select_n3A_1594, %gather3A_1664 : vector<16xf32>
        %abs3A_1680 = math.absf %sub3A_1679 : vector<16xf32>
        %mul3A_1681 = arith.mulf %gather3A_1669, %get3A_251 : vector<16xf32>
        %mul3A_1682 = arith.mulf %sub3A_1675, %get3A_265 : vector<16xf32>
        %add3A_1683 = arith.addf %mul3A_1681, %mul3A_1682 : vector<16xf32>
        %exp3A_1684 = math.exp %add3A_1683 : vector<16xf32>
        %mul3A_1685 = arith.mulf %gather3A_1669, %get3A_265 : vector<16xf32>
        %mul3A_1686 = arith.mulf %sub3A_1675, %get3A_251 : vector<16xf32>
        %add3A_1687 = arith.addf %mul3A_1685, %mul3A_1686 : vector<16xf32>
        %exp3A_1688 = math.exp %add3A_1687 : vector<16xf32>
        %mul3A_1689 = arith.mulf %select_n3A_1594, %exp3A_1684 : vector<16xf32>
        %add3A_1690 = arith.addf %mul3A_1689, %exp3A_1688 : vector<16xf32>
        %mul3A_1691 = arith.mulf %select_n3A_1594, %exp3A_1688 : vector<16xf32>
        %sub3A_1692 = arith.subf %add3A_1690, %mul3A_1691 : vector<16xf32>
        %sub3A_1693 = arith.constant 1.000000e+00 : f32
        %sub3A_1694 = vector.broadcast %sub3A_1693 : f32 to vector<16xf32>
        %sub3A_1695 = arith.subf %sub3A_1694, %sub3A_1692 : vector<16xf32>
        %jit3A_1696 = arith.constant 1.000000e+00 : f32
        %broadcast_in_dim3A_1697 = vector.broadcast %jit3A_1696 : f32 to vector<16xf32>
        %select_n3A_1698 = arith.select %gt3A_1678, %sub3A_1695, %broadcast_in_dim3A_1697 : vector<16xi1>, vector<16xf32>
        %mul3A_1699 = arith.mulf %abs3A_1680, %get3A_279 : vector<16xf32>
        %min3A_1700 = arith.constant 1.000000e+00 : f32
        %min3A_1701 = vector.broadcast %min3A_1700 : f32 to vector<16xf32>
        %min3A_1702 = arith.minimumf %mul3A_1699, %min3A_1701 : vector<16xf32>
        %mul3A_1703 = arith.mulf %min3A_1702, %sub3A_1695 : vector<16xf32>
        %sub3A_1704 = arith.constant 1.000000e+00 : f32
        %sub3A_1705 = vector.broadcast %sub3A_1704 : f32 to vector<16xf32>
        %sub3A_1706 = arith.subf %sub3A_1705, %mul3A_1703 : vector<16xf32>
        %mul3A_1707 = arith.mulf %mul3A_1689, %sub3A_1706 : vector<16xf32>
        %mul3A_1708 = arith.mulf %mul3A_1707, %select_n3A_1698 : vector<16xf32>
        %sub3A_1709 = arith.subf %select_n3A_1594, %mul3A_1689 : vector<16xf32>
        %sub3A_1710 = arith.constant 1.000000e+00 : f32
        %sub3A_1711 = vector.broadcast %sub3A_1710 : f32 to vector<16xf32>
        %sub3A_1712 = arith.subf %sub3A_1711, %sub3A_1706 : vector<16xf32>
        %mul3A_1713 = arith.mulf %sub3A_1709, %sub3A_1712 : vector<16xf32>
        %mul3A_1714 = arith.mulf %mul3A_1713, %sub3A_1692 : vector<16xf32>
        %add3A_1715 = arith.addf %mul3A_1708, %mul3A_1714 : vector<16xf32>
        %mul3A_1716 = arith.mulf %sub3A_1692, %select_n3A_1698 : vector<16xf32>
        %div3A_1717 = arith.divf %add3A_1715, %mul3A_1716 : vector<16xf32>
        %select_n3A_1718 = arith.select %gt3A_1678, %div3A_1717, %select_n3A_1594 : vector<16xi1>, vector<16xf32>
        %add3A_1719 = arith.constant 11 : i32
        %add3A_1720 = vector.broadcast %add3A_1719 : i32 to vector<16xi32>
        %add3A_1721 = arith.addi %add3A_300, %add3A_1720 : vector<16xi32>
        %gather3A_1722 = arith.constant 0 : i32
        %gather3A_1723 = arith.constant 0 : i32
        %gather3A_1724 = tpu.memref_slice %arg10[%rem3A_128, %gather3A_1722, %gather3A_1723] : memref<2x3584x16xf32, #tpu.memory_space<vmem>> -> memref<1x3584x16xf32, #tpu.memory_space<vmem>>
        %gather3A_1725 = tpu.memref_squeeze %gather3A_1724 : memref<1x3584x16xf32, #tpu.memory_space<vmem>> -> memref<3584x16xf32, #tpu.memory_space<vmem>>
        %gather3A_1726 = tpu.vector_load_idx %gather3A_1725[%add3A_1721, %broadcast_in_dim3A_4] : memref<3584x16xf32, #tpu.memory_space<vmem>>[vector<16xi32>, vector<16xi32>], vector<16xf32>,
        %gather3A_1727 = arith.constant 0 : i32
        %gather3A_1728 = arith.constant 0 : i32
        %gather3A_1729 = tpu.memref_slice %arg10[%rem3A_128, %gather3A_1727, %gather3A_1728] : memref<2x3584x16xf32, #tpu.memory_space<vmem>> -> memref<1x3584x16xf32, #tpu.memory_space<vmem>>
        %gather3A_1730 = tpu.memref_squeeze %gather3A_1729 : memref<1x3584x16xf32, #tpu.memory_space<vmem>> -> memref<3584x16xf32, #tpu.memory_space<vmem>>
        %gather3A_1731 = tpu.vector_load_idx %gather3A_1730[%add3A_1721, %broadcast_in_dim3A_6] : memref<3584x16xf32, #tpu.memory_space<vmem>>[vector<16xi32>, vector<16xi32>], vector<16xf32>,
        %gather3A_1732 = arith.constant 0 : i32
        %gather3A_1733 = arith.constant 0 : i32
        %gather3A_1734 = tpu.memref_slice %arg10[%rem3A_128, %gather3A_1732, %gather3A_1733] : memref<2x3584x16xf32, #tpu.memory_space<vmem>> -> memref<1x3584x16xf32, #tpu.memory_space<vmem>>
        %gather3A_1735 = tpu.memref_squeeze %gather3A_1734 : memref<1x3584x16xf32, #tpu.memory_space<vmem>> -> memref<3584x16xf32, #tpu.memory_space<vmem>>
        %gather3A_1736 = tpu.vector_load_idx %gather3A_1735[%add3A_1721, %broadcast_in_dim3A_8] : memref<3584x16xf32, #tpu.memory_space<vmem>>[vector<16xi32>, vector<16xi32>], vector<16xf32>,
        %sub3A_1737 = arith.subf %gather3A_1736, %gather3A_1731 : vector<16xf32>
        %gt3A_1738 = arith.constant 0.000000e+00 : f32
        %gt3A_1739 = vector.broadcast %gt3A_1738 : f32 to vector<16xf32>
        %gt3A_1740 = arith.cmpf ogt, %gather3A_1736, %gt3A_1739 : vector<16xf32>
        %sub3A_1741 = arith.subf %select_n3A_1656, %gather3A_1726 : vector<16xf32>
        %abs3A_1742 = math.absf %sub3A_1741 : vector<16xf32>
        %mul3A_1743 = arith.mulf %gather3A_1731, %get3A_258 : vector<16xf32>
        %mul3A_1744 = arith.mulf %sub3A_1737, %get3A_272 : vector<16xf32>
        %add3A_1745 = arith.addf %mul3A_1743, %mul3A_1744 : vector<16xf32>
        %exp3A_1746 = math.exp %add3A_1745 : vector<16xf32>
        %mul3A_1747 = arith.mulf %gather3A_1731, %get3A_272 : vector<16xf32>
        %mul3A_1748 = arith.mulf %sub3A_1737, %get3A_258 : vector<16xf32>
        %add3A_1749 = arith.addf %mul3A_1747, %mul3A_1748 : vector<16xf32>
        %exp3A_1750 = math.exp %add3A_1749 : vector<16xf32>
        %mul3A_1751 = arith.mulf %select_n3A_1656, %exp3A_1746 : vector<16xf32>
        %add3A_1752 = arith.addf %mul3A_1751, %exp3A_1750 : vector<16xf32>
        %mul3A_1753 = arith.mulf %select_n3A_1656, %exp3A_1750 : vector<16xf32>
        %sub3A_1754 = arith.subf %add3A_1752, %mul3A_1753 : vector<16xf32>
        %sub3A_1755 = arith.constant 1.000000e+00 : f32
        %sub3A_1756 = vector.broadcast %sub3A_1755 : f32 to vector<16xf32>
        %sub3A_1757 = arith.subf %sub3A_1756, %sub3A_1754 : vector<16xf32>
        %jit3A_1758 = arith.constant 1.000000e+00 : f32
        %broadcast_in_dim3A_1759 = vector.broadcast %jit3A_1758 : f32 to vector<16xf32>
        %select_n3A_1760 = arith.select %gt3A_1740, %sub3A_1757, %broadcast_in_dim3A_1759 : vector<16xi1>, vector<16xf32>
        %mul3A_1761 = arith.mulf %abs3A_1742, %get3A_286 : vector<16xf32>
        %min3A_1762 = arith.constant 1.000000e+00 : f32
        %min3A_1763 = vector.broadcast %min3A_1762 : f32 to vector<16xf32>
        %min3A_1764 = arith.minimumf %mul3A_1761, %min3A_1763 : vector<16xf32>
        %mul3A_1765 = arith.mulf %min3A_1764, %sub3A_1757 : vector<16xf32>
        %sub3A_1766 = arith.constant 1.000000e+00 : f32
        %sub3A_1767 = vector.broadcast %sub3A_1766 : f32 to vector<16xf32>
        %sub3A_1768 = arith.subf %sub3A_1767, %mul3A_1765 : vector<16xf32>
        %mul3A_1769 = arith.mulf %mul3A_1751, %sub3A_1768 : vector<16xf32>
        %mul3A_1770 = arith.mulf %mul3A_1769, %select_n3A_1760 : vector<16xf32>
        %sub3A_1771 = arith.subf %select_n3A_1656, %mul3A_1751 : vector<16xf32>
        %sub3A_1772 = arith.constant 1.000000e+00 : f32
        %sub3A_1773 = vector.broadcast %sub3A_1772 : f32 to vector<16xf32>
        %sub3A_1774 = arith.subf %sub3A_1773, %sub3A_1768 : vector<16xf32>
        %mul3A_1775 = arith.mulf %sub3A_1771, %sub3A_1774 : vector<16xf32>
        %mul3A_1776 = arith.mulf %mul3A_1775, %sub3A_1754 : vector<16xf32>
        %add3A_1777 = arith.addf %mul3A_1770, %mul3A_1776 : vector<16xf32>
        %mul3A_1778 = arith.mulf %sub3A_1754, %select_n3A_1760 : vector<16xf32>
        %div3A_1779 = arith.divf %add3A_1777, %mul3A_1778 : vector<16xf32>
        %select_n3A_1780 = arith.select %gt3A_1740, %div3A_1779, %select_n3A_1656 : vector<16xi1>, vector<16xf32>
        %add3A_1781 = arith.constant 12 : i32
        %add3A_1782 = vector.broadcast %add3A_1781 : i32 to vector<16xi32>
        %add3A_1783 = arith.addi %add3A_293, %add3A_1782 : vector<16xi32>
        %gather3A_1784 = arith.constant 0 : i32
        %gather3A_1785 = arith.constant 0 : i32
        %gather3A_1786 = tpu.memref_slice %arg10[%rem3A_128, %gather3A_1784, %gather3A_1785] : memref<2x3584x16xf32, #tpu.memory_space<vmem>> -> memref<1x3584x16xf32, #tpu.memory_space<vmem>>
        %gather3A_1787 = tpu.memref_squeeze %gather3A_1786 : memref<1x3584x16xf32, #tpu.memory_space<vmem>> -> memref<3584x16xf32, #tpu.memory_space<vmem>>
        %gather3A_1788 = tpu.vector_load_idx %gather3A_1787[%add3A_1783, %broadcast_in_dim3A_4] : memref<3584x16xf32, #tpu.memory_space<vmem>>[vector<16xi32>, vector<16xi32>], vector<16xf32>,
        %gather3A_1789 = arith.constant 0 : i32
        %gather3A_1790 = arith.constant 0 : i32
        %gather3A_1791 = tpu.memref_slice %arg10[%rem3A_128, %gather3A_1789, %gather3A_1790] : memref<2x3584x16xf32, #tpu.memory_space<vmem>> -> memref<1x3584x16xf32, #tpu.memory_space<vmem>>
        %gather3A_1792 = tpu.memref_squeeze %gather3A_1791 : memref<1x3584x16xf32, #tpu.memory_space<vmem>> -> memref<3584x16xf32, #tpu.memory_space<vmem>>
        %gather3A_1793 = tpu.vector_load_idx %gather3A_1792[%add3A_1783, %broadcast_in_dim3A_6] : memref<3584x16xf32, #tpu.memory_space<vmem>>[vector<16xi32>, vector<16xi32>], vector<16xf32>,
        %gather3A_1794 = arith.constant 0 : i32
        %gather3A_1795 = arith.constant 0 : i32
        %gather3A_1796 = tpu.memref_slice %arg10[%rem3A_128, %gather3A_1794, %gather3A_1795] : memref<2x3584x16xf32, #tpu.memory_space<vmem>> -> memref<1x3584x16xf32, #tpu.memory_space<vmem>>
        %gather3A_1797 = tpu.memref_squeeze %gather3A_1796 : memref<1x3584x16xf32, #tpu.memory_space<vmem>> -> memref<3584x16xf32, #tpu.memory_space<vmem>>
        %gather3A_1798 = tpu.vector_load_idx %gather3A_1797[%add3A_1783, %broadcast_in_dim3A_8] : memref<3584x16xf32, #tpu.memory_space<vmem>>[vector<16xi32>, vector<16xi32>], vector<16xf32>,
        %sub3A_1799 = arith.subf %gather3A_1798, %gather3A_1793 : vector<16xf32>
        %gt3A_1800 = arith.constant 0.000000e+00 : f32
        %gt3A_1801 = vector.broadcast %gt3A_1800 : f32 to vector<16xf32>
        %gt3A_1802 = arith.cmpf ogt, %gather3A_1798, %gt3A_1801 : vector<16xf32>
        %sub3A_1803 = arith.subf %select_n3A_1718, %gather3A_1788 : vector<16xf32>
        %abs3A_1804 = math.absf %sub3A_1803 : vector<16xf32>
        %mul3A_1805 = arith.mulf %gather3A_1793, %get3A_251 : vector<16xf32>
        %mul3A_1806 = arith.mulf %sub3A_1799, %get3A_265 : vector<16xf32>
        %add3A_1807 = arith.addf %mul3A_1805, %mul3A_1806 : vector<16xf32>
        %exp3A_1808 = math.exp %add3A_1807 : vector<16xf32>
        %mul3A_1809 = arith.mulf %gather3A_1793, %get3A_265 : vector<16xf32>
        %mul3A_1810 = arith.mulf %sub3A_1799, %get3A_251 : vector<16xf32>
        %add3A_1811 = arith.addf %mul3A_1809, %mul3A_1810 : vector<16xf32>
        %exp3A_1812 = math.exp %add3A_1811 : vector<16xf32>
        %mul3A_1813 = arith.mulf %select_n3A_1718, %exp3A_1808 : vector<16xf32>
        %add3A_1814 = arith.addf %mul3A_1813, %exp3A_1812 : vector<16xf32>
        %mul3A_1815 = arith.mulf %select_n3A_1718, %exp3A_1812 : vector<16xf32>
        %sub3A_1816 = arith.subf %add3A_1814, %mul3A_1815 : vector<16xf32>
        %sub3A_1817 = arith.constant 1.000000e+00 : f32
        %sub3A_1818 = vector.broadcast %sub3A_1817 : f32 to vector<16xf32>
        %sub3A_1819 = arith.subf %sub3A_1818, %sub3A_1816 : vector<16xf32>
        %jit3A_1820 = arith.constant 1.000000e+00 : f32
        %broadcast_in_dim3A_1821 = vector.broadcast %jit3A_1820 : f32 to vector<16xf32>
        %select_n3A_1822 = arith.select %gt3A_1802, %sub3A_1819, %broadcast_in_dim3A_1821 : vector<16xi1>, vector<16xf32>
        %mul3A_1823 = arith.mulf %abs3A_1804, %get3A_279 : vector<16xf32>
        %min3A_1824 = arith.constant 1.000000e+00 : f32
        %min3A_1825 = vector.broadcast %min3A_1824 : f32 to vector<16xf32>
        %min3A_1826 = arith.minimumf %mul3A_1823, %min3A_1825 : vector<16xf32>
        %mul3A_1827 = arith.mulf %min3A_1826, %sub3A_1819 : vector<16xf32>
        %sub3A_1828 = arith.constant 1.000000e+00 : f32
        %sub3A_1829 = vector.broadcast %sub3A_1828 : f32 to vector<16xf32>
        %sub3A_1830 = arith.subf %sub3A_1829, %mul3A_1827 : vector<16xf32>
        %mul3A_1831 = arith.mulf %mul3A_1813, %sub3A_1830 : vector<16xf32>
        %mul3A_1832 = arith.mulf %mul3A_1831, %select_n3A_1822 : vector<16xf32>
        %sub3A_1833 = arith.subf %select_n3A_1718, %mul3A_1813 : vector<16xf32>
        %sub3A_1834 = arith.constant 1.000000e+00 : f32
        %sub3A_1835 = vector.broadcast %sub3A_1834 : f32 to vector<16xf32>
        %sub3A_1836 = arith.subf %sub3A_1835, %sub3A_1830 : vector<16xf32>
        %mul3A_1837 = arith.mulf %sub3A_1833, %sub3A_1836 : vector<16xf32>
        %mul3A_1838 = arith.mulf %mul3A_1837, %sub3A_1816 : vector<16xf32>
        %add3A_1839 = arith.addf %mul3A_1832, %mul3A_1838 : vector<16xf32>
        %mul3A_1840 = arith.mulf %sub3A_1816, %select_n3A_1822 : vector<16xf32>
        %div3A_1841 = arith.divf %add3A_1839, %mul3A_1840 : vector<16xf32>
        %select_n3A_1842 = arith.select %gt3A_1802, %div3A_1841, %select_n3A_1718 : vector<16xi1>, vector<16xf32>
        %add3A_1843 = arith.constant 12 : i32
        %add3A_1844 = vector.broadcast %add3A_1843 : i32 to vector<16xi32>
        %add3A_1845 = arith.addi %add3A_300, %add3A_1844 : vector<16xi32>
        %gather3A_1846 = arith.constant 0 : i32
        %gather3A_1847 = arith.constant 0 : i32
        %gather3A_1848 = tpu.memref_slice %arg10[%rem3A_128, %gather3A_1846, %gather3A_1847] : memref<2x3584x16xf32, #tpu.memory_space<vmem>> -> memref<1x3584x16xf32, #tpu.memory_space<vmem>>
        %gather3A_1849 = tpu.memref_squeeze %gather3A_1848 : memref<1x3584x16xf32, #tpu.memory_space<vmem>> -> memref<3584x16xf32, #tpu.memory_space<vmem>>
        %gather3A_1850 = tpu.vector_load_idx %gather3A_1849[%add3A_1845, %broadcast_in_dim3A_4] : memref<3584x16xf32, #tpu.memory_space<vmem>>[vector<16xi32>, vector<16xi32>], vector<16xf32>,
        %gather3A_1851 = arith.constant 0 : i32
        %gather3A_1852 = arith.constant 0 : i32
        %gather3A_1853 = tpu.memref_slice %arg10[%rem3A_128, %gather3A_1851, %gather3A_1852] : memref<2x3584x16xf32, #tpu.memory_space<vmem>> -> memref<1x3584x16xf32, #tpu.memory_space<vmem>>
        %gather3A_1854 = tpu.memref_squeeze %gather3A_1853 : memref<1x3584x16xf32, #tpu.memory_space<vmem>> -> memref<3584x16xf32, #tpu.memory_space<vmem>>
        %gather3A_1855 = tpu.vector_load_idx %gather3A_1854[%add3A_1845, %broadcast_in_dim3A_6] : memref<3584x16xf32, #tpu.memory_space<vmem>>[vector<16xi32>, vector<16xi32>], vector<16xf32>,
        %gather3A_1856 = arith.constant 0 : i32
        %gather3A_1857 = arith.constant 0 : i32
        %gather3A_1858 = tpu.memref_slice %arg10[%rem3A_128, %gather3A_1856, %gather3A_1857] : memref<2x3584x16xf32, #tpu.memory_space<vmem>> -> memref<1x3584x16xf32, #tpu.memory_space<vmem>>
        %gather3A_1859 = tpu.memref_squeeze %gather3A_1858 : memref<1x3584x16xf32, #tpu.memory_space<vmem>> -> memref<3584x16xf32, #tpu.memory_space<vmem>>
        %gather3A_1860 = tpu.vector_load_idx %gather3A_1859[%add3A_1845, %broadcast_in_dim3A_8] : memref<3584x16xf32, #tpu.memory_space<vmem>>[vector<16xi32>, vector<16xi32>], vector<16xf32>,
        %sub3A_1861 = arith.subf %gather3A_1860, %gather3A_1855 : vector<16xf32>
        %gt3A_1862 = arith.constant 0.000000e+00 : f32
        %gt3A_1863 = vector.broadcast %gt3A_1862 : f32 to vector<16xf32>
        %gt3A_1864 = arith.cmpf ogt, %gather3A_1860, %gt3A_1863 : vector<16xf32>
        %sub3A_1865 = arith.subf %select_n3A_1780, %gather3A_1850 : vector<16xf32>
        %abs3A_1866 = math.absf %sub3A_1865 : vector<16xf32>
        %mul3A_1867 = arith.mulf %gather3A_1855, %get3A_258 : vector<16xf32>
        %mul3A_1868 = arith.mulf %sub3A_1861, %get3A_272 : vector<16xf32>
        %add3A_1869 = arith.addf %mul3A_1867, %mul3A_1868 : vector<16xf32>
        %exp3A_1870 = math.exp %add3A_1869 : vector<16xf32>
        %mul3A_1871 = arith.mulf %gather3A_1855, %get3A_272 : vector<16xf32>
        %mul3A_1872 = arith.mulf %sub3A_1861, %get3A_258 : vector<16xf32>
        %add3A_1873 = arith.addf %mul3A_1871, %mul3A_1872 : vector<16xf32>
        %exp3A_1874 = math.exp %add3A_1873 : vector<16xf32>
        %mul3A_1875 = arith.mulf %select_n3A_1780, %exp3A_1870 : vector<16xf32>
        %add3A_1876 = arith.addf %mul3A_1875, %exp3A_1874 : vector<16xf32>
        %mul3A_1877 = arith.mulf %select_n3A_1780, %exp3A_1874 : vector<16xf32>
        %sub3A_1878 = arith.subf %add3A_1876, %mul3A_1877 : vector<16xf32>
        %sub3A_1879 = arith.constant 1.000000e+00 : f32
        %sub3A_1880 = vector.broadcast %sub3A_1879 : f32 to vector<16xf32>
        %sub3A_1881 = arith.subf %sub3A_1880, %sub3A_1878 : vector<16xf32>
        %jit3A_1882 = arith.constant 1.000000e+00 : f32
        %broadcast_in_dim3A_1883 = vector.broadcast %jit3A_1882 : f32 to vector<16xf32>
        %select_n3A_1884 = arith.select %gt3A_1864, %sub3A_1881, %broadcast_in_dim3A_1883 : vector<16xi1>, vector<16xf32>
        %mul3A_1885 = arith.mulf %abs3A_1866, %get3A_286 : vector<16xf32>
        %min3A_1886 = arith.constant 1.000000e+00 : f32
        %min3A_1887 = vector.broadcast %min3A_1886 : f32 to vector<16xf32>
        %min3A_1888 = arith.minimumf %mul3A_1885, %min3A_1887 : vector<16xf32>
        %mul3A_1889 = arith.mulf %min3A_1888, %sub3A_1881 : vector<16xf32>
        %sub3A_1890 = arith.constant 1.000000e+00 : f32
        %sub3A_1891 = vector.broadcast %sub3A_1890 : f32 to vector<16xf32>
        %sub3A_1892 = arith.subf %sub3A_1891, %mul3A_1889 : vector<16xf32>
        %mul3A_1893 = arith.mulf %mul3A_1875, %sub3A_1892 : vector<16xf32>
        %mul3A_1894 = arith.mulf %mul3A_1893, %select_n3A_1884 : vector<16xf32>
        %sub3A_1895 = arith.subf %select_n3A_1780, %mul3A_1875 : vector<16xf32>
        %sub3A_1896 = arith.constant 1.000000e+00 : f32
        %sub3A_1897 = vector.broadcast %sub3A_1896 : f32 to vector<16xf32>
        %sub3A_1898 = arith.subf %sub3A_1897, %sub3A_1892 : vector<16xf32>
        %mul3A_1899 = arith.mulf %sub3A_1895, %sub3A_1898 : vector<16xf32>
        %mul3A_1900 = arith.mulf %mul3A_1899, %sub3A_1878 : vector<16xf32>
        %add3A_1901 = arith.addf %mul3A_1894, %mul3A_1900 : vector<16xf32>
        %mul3A_1902 = arith.mulf %sub3A_1878, %select_n3A_1884 : vector<16xf32>
        %div3A_1903 = arith.divf %add3A_1901, %mul3A_1902 : vector<16xf32>
        %select_n3A_1904 = arith.select %gt3A_1864, %div3A_1903, %select_n3A_1780 : vector<16xi1>, vector<16xf32>
        %add3A_1905 = arith.constant 13 : i32
        %add3A_1906 = vector.broadcast %add3A_1905 : i32 to vector<16xi32>
        %add3A_1907 = arith.addi %add3A_293, %add3A_1906 : vector<16xi32>
        %gather3A_1908 = arith.constant 0 : i32
        %gather3A_1909 = arith.constant 0 : i32
        %gather3A_1910 = tpu.memref_slice %arg10[%rem3A_128, %gather3A_1908, %gather3A_1909] : memref<2x3584x16xf32, #tpu.memory_space<vmem>> -> memref<1x3584x16xf32, #tpu.memory_space<vmem>>
        %gather3A_1911 = tpu.memref_squeeze %gather3A_1910 : memref<1x3584x16xf32, #tpu.memory_space<vmem>> -> memref<3584x16xf32, #tpu.memory_space<vmem>>
        %gather3A_1912 = tpu.vector_load_idx %gather3A_1911[%add3A_1907, %broadcast_in_dim3A_4] : memref<3584x16xf32, #tpu.memory_space<vmem>>[vector<16xi32>, vector<16xi32>], vector<16xf32>,
        %gather3A_1913 = arith.constant 0 : i32
        %gather3A_1914 = arith.constant 0 : i32
        %gather3A_1915 = tpu.memref_slice %arg10[%rem3A_128, %gather3A_1913, %gather3A_1914] : memref<2x3584x16xf32, #tpu.memory_space<vmem>> -> memref<1x3584x16xf32, #tpu.memory_space<vmem>>
        %gather3A_1916 = tpu.memref_squeeze %gather3A_1915 : memref<1x3584x16xf32, #tpu.memory_space<vmem>> -> memref<3584x16xf32, #tpu.memory_space<vmem>>
        %gather3A_1917 = tpu.vector_load_idx %gather3A_1916[%add3A_1907, %broadcast_in_dim3A_6] : memref<3584x16xf32, #tpu.memory_space<vmem>>[vector<16xi32>, vector<16xi32>], vector<16xf32>,
        %gather3A_1918 = arith.constant 0 : i32
        %gather3A_1919 = arith.constant 0 : i32
        %gather3A_1920 = tpu.memref_slice %arg10[%rem3A_128, %gather3A_1918, %gather3A_1919] : memref<2x3584x16xf32, #tpu.memory_space<vmem>> -> memref<1x3584x16xf32, #tpu.memory_space<vmem>>
        %gather3A_1921 = tpu.memref_squeeze %gather3A_1920 : memref<1x3584x16xf32, #tpu.memory_space<vmem>> -> memref<3584x16xf32, #tpu.memory_space<vmem>>
        %gather3A_1922 = tpu.vector_load_idx %gather3A_1921[%add3A_1907, %broadcast_in_dim3A_8] : memref<3584x16xf32, #tpu.memory_space<vmem>>[vector<16xi32>, vector<16xi32>], vector<16xf32>,
        %sub3A_1923 = arith.subf %gather3A_1922, %gather3A_1917 : vector<16xf32>
        %gt3A_1924 = arith.constant 0.000000e+00 : f32
        %gt3A_1925 = vector.broadcast %gt3A_1924 : f32 to vector<16xf32>
        %gt3A_1926 = arith.cmpf ogt, %gather3A_1922, %gt3A_1925 : vector<16xf32>
        %sub3A_1927 = arith.subf %select_n3A_1842, %gather3A_1912 : vector<16xf32>
        %abs3A_1928 = math.absf %sub3A_1927 : vector<16xf32>
        %mul3A_1929 = arith.mulf %gather3A_1917, %get3A_251 : vector<16xf32>
        %mul3A_1930 = arith.mulf %sub3A_1923, %get3A_265 : vector<16xf32>
        %add3A_1931 = arith.addf %mul3A_1929, %mul3A_1930 : vector<16xf32>
        %exp3A_1932 = math.exp %add3A_1931 : vector<16xf32>
        %mul3A_1933 = arith.mulf %gather3A_1917, %get3A_265 : vector<16xf32>
        %mul3A_1934 = arith.mulf %sub3A_1923, %get3A_251 : vector<16xf32>
        %add3A_1935 = arith.addf %mul3A_1933, %mul3A_1934 : vector<16xf32>
        %exp3A_1936 = math.exp %add3A_1935 : vector<16xf32>
        %mul3A_1937 = arith.mulf %select_n3A_1842, %exp3A_1932 : vector<16xf32>
        %add3A_1938 = arith.addf %mul3A_1937, %exp3A_1936 : vector<16xf32>
        %mul3A_1939 = arith.mulf %select_n3A_1842, %exp3A_1936 : vector<16xf32>
        %sub3A_1940 = arith.subf %add3A_1938, %mul3A_1939 : vector<16xf32>
        %sub3A_1941 = arith.constant 1.000000e+00 : f32
        %sub3A_1942 = vector.broadcast %sub3A_1941 : f32 to vector<16xf32>
        %sub3A_1943 = arith.subf %sub3A_1942, %sub3A_1940 : vector<16xf32>
        %jit3A_1944 = arith.constant 1.000000e+00 : f32
        %broadcast_in_dim3A_1945 = vector.broadcast %jit3A_1944 : f32 to vector<16xf32>
        %select_n3A_1946 = arith.select %gt3A_1926, %sub3A_1943, %broadcast_in_dim3A_1945 : vector<16xi1>, vector<16xf32>
        %mul3A_1947 = arith.mulf %abs3A_1928, %get3A_279 : vector<16xf32>
        %min3A_1948 = arith.constant 1.000000e+00 : f32
        %min3A_1949 = vector.broadcast %min3A_1948 : f32 to vector<16xf32>
        %min3A_1950 = arith.minimumf %mul3A_1947, %min3A_1949 : vector<16xf32>
        %mul3A_1951 = arith.mulf %min3A_1950, %sub3A_1943 : vector<16xf32>
        %sub3A_1952 = arith.constant 1.000000e+00 : f32
        %sub3A_1953 = vector.broadcast %sub3A_1952 : f32 to vector<16xf32>
        %sub3A_1954 = arith.subf %sub3A_1953, %mul3A_1951 : vector<16xf32>
        %mul3A_1955 = arith.mulf %mul3A_1937, %sub3A_1954 : vector<16xf32>
        %mul3A_1956 = arith.mulf %mul3A_1955, %select_n3A_1946 : vector<16xf32>
        %sub3A_1957 = arith.subf %select_n3A_1842, %mul3A_1937 : vector<16xf32>
        %sub3A_1958 = arith.constant 1.000000e+00 : f32
        %sub3A_1959 = vector.broadcast %sub3A_1958 : f32 to vector<16xf32>
        %sub3A_1960 = arith.subf %sub3A_1959, %sub3A_1954 : vector<16xf32>
        %mul3A_1961 = arith.mulf %sub3A_1957, %sub3A_1960 : vector<16xf32>
        %mul3A_1962 = arith.mulf %mul3A_1961, %sub3A_1940 : vector<16xf32>
        %add3A_1963 = arith.addf %mul3A_1956, %mul3A_1962 : vector<16xf32>
        %mul3A_1964 = arith.mulf %sub3A_1940, %select_n3A_1946 : vector<16xf32>
        %div3A_1965 = arith.divf %add3A_1963, %mul3A_1964 : vector<16xf32>
        %select_n3A_1966 = arith.select %gt3A_1926, %div3A_1965, %select_n3A_1842 : vector<16xi1>, vector<16xf32>
        %add3A_1967 = arith.constant 13 : i32
        %add3A_1968 = vector.broadcast %add3A_1967 : i32 to vector<16xi32>
        %add3A_1969 = arith.addi %add3A_300, %add3A_1968 : vector<16xi32>
        %gather3A_1970 = arith.constant 0 : i32
        %gather3A_1971 = arith.constant 0 : i32
        %gather3A_1972 = tpu.memref_slice %arg10[%rem3A_128, %gather3A_1970, %gather3A_1971] : memref<2x3584x16xf32, #tpu.memory_space<vmem>> -> memref<1x3584x16xf32, #tpu.memory_space<vmem>>
        %gather3A_1973 = tpu.memref_squeeze %gather3A_1972 : memref<1x3584x16xf32, #tpu.memory_space<vmem>> -> memref<3584x16xf32, #tpu.memory_space<vmem>>
        %gather3A_1974 = tpu.vector_load_idx %gather3A_1973[%add3A_1969, %broadcast_in_dim3A_4] : memref<3584x16xf32, #tpu.memory_space<vmem>>[vector<16xi32>, vector<16xi32>], vector<16xf32>,
        %gather3A_1975 = arith.constant 0 : i32
        %gather3A_1976 = arith.constant 0 : i32
        %gather3A_1977 = tpu.memref_slice %arg10[%rem3A_128, %gather3A_1975, %gather3A_1976] : memref<2x3584x16xf32, #tpu.memory_space<vmem>> -> memref<1x3584x16xf32, #tpu.memory_space<vmem>>
        %gather3A_1978 = tpu.memref_squeeze %gather3A_1977 : memref<1x3584x16xf32, #tpu.memory_space<vmem>> -> memref<3584x16xf32, #tpu.memory_space<vmem>>
        %gather3A_1979 = tpu.vector_load_idx %gather3A_1978[%add3A_1969, %broadcast_in_dim3A_6] : memref<3584x16xf32, #tpu.memory_space<vmem>>[vector<16xi32>, vector<16xi32>], vector<16xf32>,
        %gather3A_1980 = arith.constant 0 : i32
        %gather3A_1981 = arith.constant 0 : i32
        %gather3A_1982 = tpu.memref_slice %arg10[%rem3A_128, %gather3A_1980, %gather3A_1981] : memref<2x3584x16xf32, #tpu.memory_space<vmem>> -> memref<1x3584x16xf32, #tpu.memory_space<vmem>>
        %gather3A_1983 = tpu.memref_squeeze %gather3A_1982 : memref<1x3584x16xf32, #tpu.memory_space<vmem>> -> memref<3584x16xf32, #tpu.memory_space<vmem>>
        %gather3A_1984 = tpu.vector_load_idx %gather3A_1983[%add3A_1969, %broadcast_in_dim3A_8] : memref<3584x16xf32, #tpu.memory_space<vmem>>[vector<16xi32>, vector<16xi32>], vector<16xf32>,
        %sub3A_1985 = arith.subf %gather3A_1984, %gather3A_1979 : vector<16xf32>
        %gt3A_1986 = arith.constant 0.000000e+00 : f32
        %gt3A_1987 = vector.broadcast %gt3A_1986 : f32 to vector<16xf32>
        %gt3A_1988 = arith.cmpf ogt, %gather3A_1984, %gt3A_1987 : vector<16xf32>
        %sub3A_1989 = arith.subf %select_n3A_1904, %gather3A_1974 : vector<16xf32>
        %abs3A_1990 = math.absf %sub3A_1989 : vector<16xf32>
        %mul3A_1991 = arith.mulf %gather3A_1979, %get3A_258 : vector<16xf32>
        %mul3A_1992 = arith.mulf %sub3A_1985, %get3A_272 : vector<16xf32>
        %add3A_1993 = arith.addf %mul3A_1991, %mul3A_1992 : vector<16xf32>
        %exp3A_1994 = math.exp %add3A_1993 : vector<16xf32>
        %mul3A_1995 = arith.mulf %gather3A_1979, %get3A_272 : vector<16xf32>
        %mul3A_1996 = arith.mulf %sub3A_1985, %get3A_258 : vector<16xf32>
        %add3A_1997 = arith.addf %mul3A_1995, %mul3A_1996 : vector<16xf32>
        %exp3A_1998 = math.exp %add3A_1997 : vector<16xf32>
        %mul3A_1999 = arith.mulf %select_n3A_1904, %exp3A_1994 : vector<16xf32>
        %add3A_2000 = arith.addf %mul3A_1999, %exp3A_1998 : vector<16xf32>
        %mul3A_2001 = arith.mulf %select_n3A_1904, %exp3A_1998 : vector<16xf32>
        %sub3A_2002 = arith.subf %add3A_2000, %mul3A_2001 : vector<16xf32>
        %sub3A_2003 = arith.constant 1.000000e+00 : f32
        %sub3A_2004 = vector.broadcast %sub3A_2003 : f32 to vector<16xf32>
        %sub3A_2005 = arith.subf %sub3A_2004, %sub3A_2002 : vector<16xf32>
        %jit3A_2006 = arith.constant 1.000000e+00 : f32
        %broadcast_in_dim3A_2007 = vector.broadcast %jit3A_2006 : f32 to vector<16xf32>
        %select_n3A_2008 = arith.select %gt3A_1988, %sub3A_2005, %broadcast_in_dim3A_2007 : vector<16xi1>, vector<16xf32>
        %mul3A_2009 = arith.mulf %abs3A_1990, %get3A_286 : vector<16xf32>
        %min3A_2010 = arith.constant 1.000000e+00 : f32
        %min3A_2011 = vector.broadcast %min3A_2010 : f32 to vector<16xf32>
        %min3A_2012 = arith.minimumf %mul3A_2009, %min3A_2011 : vector<16xf32>
        %mul3A_2013 = arith.mulf %min3A_2012, %sub3A_2005 : vector<16xf32>
        %sub3A_2014 = arith.constant 1.000000e+00 : f32
        %sub3A_2015 = vector.broadcast %sub3A_2014 : f32 to vector<16xf32>
        %sub3A_2016 = arith.subf %sub3A_2015, %mul3A_2013 : vector<16xf32>
        %mul3A_2017 = arith.mulf %mul3A_1999, %sub3A_2016 : vector<16xf32>
        %mul3A_2018 = arith.mulf %mul3A_2017, %select_n3A_2008 : vector<16xf32>
        %sub3A_2019 = arith.subf %select_n3A_1904, %mul3A_1999 : vector<16xf32>
        %sub3A_2020 = arith.constant 1.000000e+00 : f32
        %sub3A_2021 = vector.broadcast %sub3A_2020 : f32 to vector<16xf32>
        %sub3A_2022 = arith.subf %sub3A_2021, %sub3A_2016 : vector<16xf32>
        %mul3A_2023 = arith.mulf %sub3A_2019, %sub3A_2022 : vector<16xf32>
        %mul3A_2024 = arith.mulf %mul3A_2023, %sub3A_2002 : vector<16xf32>
        %add3A_2025 = arith.addf %mul3A_2018, %mul3A_2024 : vector<16xf32>
        %mul3A_2026 = arith.mulf %sub3A_2002, %select_n3A_2008 : vector<16xf32>
        %div3A_2027 = arith.divf %add3A_2025, %mul3A_2026 : vector<16xf32>
        %select_n3A_2028 = arith.select %gt3A_1988, %div3A_2027, %select_n3A_1904 : vector<16xi1>, vector<16xf32>
        %add3A_2029 = arith.constant 14 : i32
        %add3A_2030 = vector.broadcast %add3A_2029 : i32 to vector<16xi32>
        %add3A_2031 = arith.addi %add3A_293, %add3A_2030 : vector<16xi32>
        %gather3A_2032 = arith.constant 0 : i32
        %gather3A_2033 = arith.constant 0 : i32
        %gather3A_2034 = tpu.memref_slice %arg10[%rem3A_128, %gather3A_2032, %gather3A_2033] : memref<2x3584x16xf32, #tpu.memory_space<vmem>> -> memref<1x3584x16xf32, #tpu.memory_space<vmem>>
        %gather3A_2035 = tpu.memref_squeeze %gather3A_2034 : memref<1x3584x16xf32, #tpu.memory_space<vmem>> -> memref<3584x16xf32, #tpu.memory_space<vmem>>
        %gather3A_2036 = tpu.vector_load_idx %gather3A_2035[%add3A_2031, %broadcast_in_dim3A_4] : memref<3584x16xf32, #tpu.memory_space<vmem>>[vector<16xi32>, vector<16xi32>], vector<16xf32>,
        %gather3A_2037 = arith.constant 0 : i32
        %gather3A_2038 = arith.constant 0 : i32
        %gather3A_2039 = tpu.memref_slice %arg10[%rem3A_128, %gather3A_2037, %gather3A_2038] : memref<2x3584x16xf32, #tpu.memory_space<vmem>> -> memref<1x3584x16xf32, #tpu.memory_space<vmem>>
        %gather3A_2040 = tpu.memref_squeeze %gather3A_2039 : memref<1x3584x16xf32, #tpu.memory_space<vmem>> -> memref<3584x16xf32, #tpu.memory_space<vmem>>
        %gather3A_2041 = tpu.vector_load_idx %gather3A_2040[%add3A_2031, %broadcast_in_dim3A_6] : memref<3584x16xf32, #tpu.memory_space<vmem>>[vector<16xi32>, vector<16xi32>], vector<16xf32>,
        %gather3A_2042 = arith.constant 0 : i32
        %gather3A_2043 = arith.constant 0 : i32
        %gather3A_2044 = tpu.memref_slice %arg10[%rem3A_128, %gather3A_2042, %gather3A_2043] : memref<2x3584x16xf32, #tpu.memory_space<vmem>> -> memref<1x3584x16xf32, #tpu.memory_space<vmem>>
        %gather3A_2045 = tpu.memref_squeeze %gather3A_2044 : memref<1x3584x16xf32, #tpu.memory_space<vmem>> -> memref<3584x16xf32, #tpu.memory_space<vmem>>
        %gather3A_2046 = tpu.vector_load_idx %gather3A_2045[%add3A_2031, %broadcast_in_dim3A_8] : memref<3584x16xf32, #tpu.memory_space<vmem>>[vector<16xi32>, vector<16xi32>], vector<16xf32>,
        %sub3A_2047 = arith.subf %gather3A_2046, %gather3A_2041 : vector<16xf32>
        %gt3A_2048 = arith.constant 0.000000e+00 : f32
        %gt3A_2049 = vector.broadcast %gt3A_2048 : f32 to vector<16xf32>
        %gt3A_2050 = arith.cmpf ogt, %gather3A_2046, %gt3A_2049 : vector<16xf32>
        %sub3A_2051 = arith.subf %select_n3A_1966, %gather3A_2036 : vector<16xf32>
        %abs3A_2052 = math.absf %sub3A_2051 : vector<16xf32>
        %mul3A_2053 = arith.mulf %gather3A_2041, %get3A_251 : vector<16xf32>
        %mul3A_2054 = arith.mulf %sub3A_2047, %get3A_265 : vector<16xf32>
        %add3A_2055 = arith.addf %mul3A_2053, %mul3A_2054 : vector<16xf32>
        %exp3A_2056 = math.exp %add3A_2055 : vector<16xf32>
        %mul3A_2057 = arith.mulf %gather3A_2041, %get3A_265 : vector<16xf32>
        %mul3A_2058 = arith.mulf %sub3A_2047, %get3A_251 : vector<16xf32>
        %add3A_2059 = arith.addf %mul3A_2057, %mul3A_2058 : vector<16xf32>
        %exp3A_2060 = math.exp %add3A_2059 : vector<16xf32>
        %mul3A_2061 = arith.mulf %select_n3A_1966, %exp3A_2056 : vector<16xf32>
        %add3A_2062 = arith.addf %mul3A_2061, %exp3A_2060 : vector<16xf32>
        %mul3A_2063 = arith.mulf %select_n3A_1966, %exp3A_2060 : vector<16xf32>
        %sub3A_2064 = arith.subf %add3A_2062, %mul3A_2063 : vector<16xf32>
        %sub3A_2065 = arith.constant 1.000000e+00 : f32
        %sub3A_2066 = vector.broadcast %sub3A_2065 : f32 to vector<16xf32>
        %sub3A_2067 = arith.subf %sub3A_2066, %sub3A_2064 : vector<16xf32>
        %jit3A_2068 = arith.constant 1.000000e+00 : f32
        %broadcast_in_dim3A_2069 = vector.broadcast %jit3A_2068 : f32 to vector<16xf32>
        %select_n3A_2070 = arith.select %gt3A_2050, %sub3A_2067, %broadcast_in_dim3A_2069 : vector<16xi1>, vector<16xf32>
        %mul3A_2071 = arith.mulf %abs3A_2052, %get3A_279 : vector<16xf32>
        %min3A_2072 = arith.constant 1.000000e+00 : f32
        %min3A_2073 = vector.broadcast %min3A_2072 : f32 to vector<16xf32>
        %min3A_2074 = arith.minimumf %mul3A_2071, %min3A_2073 : vector<16xf32>
        %mul3A_2075 = arith.mulf %min3A_2074, %sub3A_2067 : vector<16xf32>
        %sub3A_2076 = arith.constant 1.000000e+00 : f32
        %sub3A_2077 = vector.broadcast %sub3A_2076 : f32 to vector<16xf32>
        %sub3A_2078 = arith.subf %sub3A_2077, %mul3A_2075 : vector<16xf32>
        %mul3A_2079 = arith.mulf %mul3A_2061, %sub3A_2078 : vector<16xf32>
        %mul3A_2080 = arith.mulf %mul3A_2079, %select_n3A_2070 : vector<16xf32>
        %sub3A_2081 = arith.subf %select_n3A_1966, %mul3A_2061 : vector<16xf32>
        %sub3A_2082 = arith.constant 1.000000e+00 : f32
        %sub3A_2083 = vector.broadcast %sub3A_2082 : f32 to vector<16xf32>
        %sub3A_2084 = arith.subf %sub3A_2083, %sub3A_2078 : vector<16xf32>
        %mul3A_2085 = arith.mulf %sub3A_2081, %sub3A_2084 : vector<16xf32>
        %mul3A_2086 = arith.mulf %mul3A_2085, %sub3A_2064 : vector<16xf32>
        %add3A_2087 = arith.addf %mul3A_2080, %mul3A_2086 : vector<16xf32>
        %mul3A_2088 = arith.mulf %sub3A_2064, %select_n3A_2070 : vector<16xf32>
        %div3A_2089 = arith.divf %add3A_2087, %mul3A_2088 : vector<16xf32>
        %select_n3A_2090 = arith.select %gt3A_2050, %div3A_2089, %select_n3A_1966 : vector<16xi1>, vector<16xf32>
        %add3A_2091 = arith.constant 14 : i32
        %add3A_2092 = vector.broadcast %add3A_2091 : i32 to vector<16xi32>
        %add3A_2093 = arith.addi %add3A_300, %add3A_2092 : vector<16xi32>
        %gather3A_2094 = arith.constant 0 : i32
        %gather3A_2095 = arith.constant 0 : i32
        %gather3A_2096 = tpu.memref_slice %arg10[%rem3A_128, %gather3A_2094, %gather3A_2095] : memref<2x3584x16xf32, #tpu.memory_space<vmem>> -> memref<1x3584x16xf32, #tpu.memory_space<vmem>>
        %gather3A_2097 = tpu.memref_squeeze %gather3A_2096 : memref<1x3584x16xf32, #tpu.memory_space<vmem>> -> memref<3584x16xf32, #tpu.memory_space<vmem>>
        %gather3A_2098 = tpu.vector_load_idx %gather3A_2097[%add3A_2093, %broadcast_in_dim3A_4] : memref<3584x16xf32, #tpu.memory_space<vmem>>[vector<16xi32>, vector<16xi32>], vector<16xf32>,
        %gather3A_2099 = arith.constant 0 : i32
        %gather3A_2100 = arith.constant 0 : i32
        %gather3A_2101 = tpu.memref_slice %arg10[%rem3A_128, %gather3A_2099, %gather3A_2100] : memref<2x3584x16xf32, #tpu.memory_space<vmem>> -> memref<1x3584x16xf32, #tpu.memory_space<vmem>>
        %gather3A_2102 = tpu.memref_squeeze %gather3A_2101 : memref<1x3584x16xf32, #tpu.memory_space<vmem>> -> memref<3584x16xf32, #tpu.memory_space<vmem>>
        %gather3A_2103 = tpu.vector_load_idx %gather3A_2102[%add3A_2093, %broadcast_in_dim3A_6] : memref<3584x16xf32, #tpu.memory_space<vmem>>[vector<16xi32>, vector<16xi32>], vector<16xf32>,
        %gather3A_2104 = arith.constant 0 : i32
        %gather3A_2105 = arith.constant 0 : i32
        %gather3A_2106 = tpu.memref_slice %arg10[%rem3A_128, %gather3A_2104, %gather3A_2105] : memref<2x3584x16xf32, #tpu.memory_space<vmem>> -> memref<1x3584x16xf32, #tpu.memory_space<vmem>>
        %gather3A_2107 = tpu.memref_squeeze %gather3A_2106 : memref<1x3584x16xf32, #tpu.memory_space<vmem>> -> memref<3584x16xf32, #tpu.memory_space<vmem>>
        %gather3A_2108 = tpu.vector_load_idx %gather3A_2107[%add3A_2093, %broadcast_in_dim3A_8] : memref<3584x16xf32, #tpu.memory_space<vmem>>[vector<16xi32>, vector<16xi32>], vector<16xf32>,
        %sub3A_2109 = arith.subf %gather3A_2108, %gather3A_2103 : vector<16xf32>
        %gt3A_2110 = arith.constant 0.000000e+00 : f32
        %gt3A_2111 = vector.broadcast %gt3A_2110 : f32 to vector<16xf32>
        %gt3A_2112 = arith.cmpf ogt, %gather3A_2108, %gt3A_2111 : vector<16xf32>
        %sub3A_2113 = arith.subf %select_n3A_2028, %gather3A_2098 : vector<16xf32>
        %abs3A_2114 = math.absf %sub3A_2113 : vector<16xf32>
        %mul3A_2115 = arith.mulf %gather3A_2103, %get3A_258 : vector<16xf32>
        %mul3A_2116 = arith.mulf %sub3A_2109, %get3A_272 : vector<16xf32>
        %add3A_2117 = arith.addf %mul3A_2115, %mul3A_2116 : vector<16xf32>
        %exp3A_2118 = math.exp %add3A_2117 : vector<16xf32>
        %mul3A_2119 = arith.mulf %gather3A_2103, %get3A_272 : vector<16xf32>
        %mul3A_2120 = arith.mulf %sub3A_2109, %get3A_258 : vector<16xf32>
        %add3A_2121 = arith.addf %mul3A_2119, %mul3A_2120 : vector<16xf32>
        %exp3A_2122 = math.exp %add3A_2121 : vector<16xf32>
        %mul3A_2123 = arith.mulf %select_n3A_2028, %exp3A_2118 : vector<16xf32>
        %add3A_2124 = arith.addf %mul3A_2123, %exp3A_2122 : vector<16xf32>
        %mul3A_2125 = arith.mulf %select_n3A_2028, %exp3A_2122 : vector<16xf32>
        %sub3A_2126 = arith.subf %add3A_2124, %mul3A_2125 : vector<16xf32>
        %sub3A_2127 = arith.constant 1.000000e+00 : f32
        %sub3A_2128 = vector.broadcast %sub3A_2127 : f32 to vector<16xf32>
        %sub3A_2129 = arith.subf %sub3A_2128, %sub3A_2126 : vector<16xf32>
        %jit3A_2130 = arith.constant 1.000000e+00 : f32
        %broadcast_in_dim3A_2131 = vector.broadcast %jit3A_2130 : f32 to vector<16xf32>
        %select_n3A_2132 = arith.select %gt3A_2112, %sub3A_2129, %broadcast_in_dim3A_2131 : vector<16xi1>, vector<16xf32>
        %mul3A_2133 = arith.mulf %abs3A_2114, %get3A_286 : vector<16xf32>
        %min3A_2134 = arith.constant 1.000000e+00 : f32
        %min3A_2135 = vector.broadcast %min3A_2134 : f32 to vector<16xf32>
        %min3A_2136 = arith.minimumf %mul3A_2133, %min3A_2135 : vector<16xf32>
        %mul3A_2137 = arith.mulf %min3A_2136, %sub3A_2129 : vector<16xf32>
        %sub3A_2138 = arith.constant 1.000000e+00 : f32
        %sub3A_2139 = vector.broadcast %sub3A_2138 : f32 to vector<16xf32>
        %sub3A_2140 = arith.subf %sub3A_2139, %mul3A_2137 : vector<16xf32>
        %mul3A_2141 = arith.mulf %mul3A_2123, %sub3A_2140 : vector<16xf32>
        %mul3A_2142 = arith.mulf %mul3A_2141, %select_n3A_2132 : vector<16xf32>
        %sub3A_2143 = arith.subf %select_n3A_2028, %mul3A_2123 : vector<16xf32>
        %sub3A_2144 = arith.constant 1.000000e+00 : f32
        %sub3A_2145 = vector.broadcast %sub3A_2144 : f32 to vector<16xf32>
        %sub3A_2146 = arith.subf %sub3A_2145, %sub3A_2140 : vector<16xf32>
        %mul3A_2147 = arith.mulf %sub3A_2143, %sub3A_2146 : vector<16xf32>
        %mul3A_2148 = arith.mulf %mul3A_2147, %sub3A_2126 : vector<16xf32>
        %add3A_2149 = arith.addf %mul3A_2142, %mul3A_2148 : vector<16xf32>
        %mul3A_2150 = arith.mulf %sub3A_2126, %select_n3A_2132 : vector<16xf32>
        %div3A_2151 = arith.divf %add3A_2149, %mul3A_2150 : vector<16xf32>
        %select_n3A_2152 = arith.select %gt3A_2112, %div3A_2151, %select_n3A_2028 : vector<16xi1>, vector<16xf32>
        %add3A_2153 = arith.constant 15 : i32
        %add3A_2154 = vector.broadcast %add3A_2153 : i32 to vector<16xi32>
        %add3A_2155 = arith.addi %add3A_293, %add3A_2154 : vector<16xi32>
        %gather3A_2156 = arith.constant 0 : i32
        %gather3A_2157 = arith.constant 0 : i32
        %gather3A_2158 = tpu.memref_slice %arg10[%rem3A_128, %gather3A_2156, %gather3A_2157] : memref<2x3584x16xf32, #tpu.memory_space<vmem>> -> memref<1x3584x16xf32, #tpu.memory_space<vmem>>
        %gather3A_2159 = tpu.memref_squeeze %gather3A_2158 : memref<1x3584x16xf32, #tpu.memory_space<vmem>> -> memref<3584x16xf32, #tpu.memory_space<vmem>>
        %gather3A_2160 = tpu.vector_load_idx %gather3A_2159[%add3A_2155, %broadcast_in_dim3A_4] : memref<3584x16xf32, #tpu.memory_space<vmem>>[vector<16xi32>, vector<16xi32>], vector<16xf32>,
        %gather3A_2161 = arith.constant 0 : i32
        %gather3A_2162 = arith.constant 0 : i32
        %gather3A_2163 = tpu.memref_slice %arg10[%rem3A_128, %gather3A_2161, %gather3A_2162] : memref<2x3584x16xf32, #tpu.memory_space<vmem>> -> memref<1x3584x16xf32, #tpu.memory_space<vmem>>
        %gather3A_2164 = tpu.memref_squeeze %gather3A_2163 : memref<1x3584x16xf32, #tpu.memory_space<vmem>> -> memref<3584x16xf32, #tpu.memory_space<vmem>>
        %gather3A_2165 = tpu.vector_load_idx %gather3A_2164[%add3A_2155, %broadcast_in_dim3A_6] : memref<3584x16xf32, #tpu.memory_space<vmem>>[vector<16xi32>, vector<16xi32>], vector<16xf32>,
        %gather3A_2166 = arith.constant 0 : i32
        %gather3A_2167 = arith.constant 0 : i32
        %gather3A_2168 = tpu.memref_slice %arg10[%rem3A_128, %gather3A_2166, %gather3A_2167] : memref<2x3584x16xf32, #tpu.memory_space<vmem>> -> memref<1x3584x16xf32, #tpu.memory_space<vmem>>
        %gather3A_2169 = tpu.memref_squeeze %gather3A_2168 : memref<1x3584x16xf32, #tpu.memory_space<vmem>> -> memref<3584x16xf32, #tpu.memory_space<vmem>>
        %gather3A_2170 = tpu.vector_load_idx %gather3A_2169[%add3A_2155, %broadcast_in_dim3A_8] : memref<3584x16xf32, #tpu.memory_space<vmem>>[vector<16xi32>, vector<16xi32>], vector<16xf32>,
        %sub3A_2171 = arith.subf %gather3A_2170, %gather3A_2165 : vector<16xf32>
        %gt3A_2172 = arith.constant 0.000000e+00 : f32
        %gt3A_2173 = vector.broadcast %gt3A_2172 : f32 to vector<16xf32>
        %gt3A_2174 = arith.cmpf ogt, %gather3A_2170, %gt3A_2173 : vector<16xf32>
        %sub3A_2175 = arith.subf %select_n3A_2090, %gather3A_2160 : vector<16xf32>
        %abs3A_2176 = math.absf %sub3A_2175 : vector<16xf32>
        %mul3A_2177 = arith.mulf %gather3A_2165, %get3A_251 : vector<16xf32>
        %mul3A_2178 = arith.mulf %sub3A_2171, %get3A_265 : vector<16xf32>
        %add3A_2179 = arith.addf %mul3A_2177, %mul3A_2178 : vector<16xf32>
        %exp3A_2180 = math.exp %add3A_2179 : vector<16xf32>
        %mul3A_2181 = arith.mulf %gather3A_2165, %get3A_265 : vector<16xf32>
        %mul3A_2182 = arith.mulf %sub3A_2171, %get3A_251 : vector<16xf32>
        %add3A_2183 = arith.addf %mul3A_2181, %mul3A_2182 : vector<16xf32>
        %exp3A_2184 = math.exp %add3A_2183 : vector<16xf32>
        %mul3A_2185 = arith.mulf %select_n3A_2090, %exp3A_2180 : vector<16xf32>
        %add3A_2186 = arith.addf %mul3A_2185, %exp3A_2184 : vector<16xf32>
        %mul3A_2187 = arith.mulf %select_n3A_2090, %exp3A_2184 : vector<16xf32>
        %sub3A_2188 = arith.subf %add3A_2186, %mul3A_2187 : vector<16xf32>
        %sub3A_2189 = arith.constant 1.000000e+00 : f32
        %sub3A_2190 = vector.broadcast %sub3A_2189 : f32 to vector<16xf32>
        %sub3A_2191 = arith.subf %sub3A_2190, %sub3A_2188 : vector<16xf32>
        %jit3A_2192 = arith.constant 1.000000e+00 : f32
        %broadcast_in_dim3A_2193 = vector.broadcast %jit3A_2192 : f32 to vector<16xf32>
        %select_n3A_2194 = arith.select %gt3A_2174, %sub3A_2191, %broadcast_in_dim3A_2193 : vector<16xi1>, vector<16xf32>
        %mul3A_2195 = arith.mulf %abs3A_2176, %get3A_279 : vector<16xf32>
        %min3A_2196 = arith.constant 1.000000e+00 : f32
        %min3A_2197 = vector.broadcast %min3A_2196 : f32 to vector<16xf32>
        %min3A_2198 = arith.minimumf %mul3A_2195, %min3A_2197 : vector<16xf32>
        %mul3A_2199 = arith.mulf %min3A_2198, %sub3A_2191 : vector<16xf32>
        %sub3A_2200 = arith.constant 1.000000e+00 : f32
        %sub3A_2201 = vector.broadcast %sub3A_2200 : f32 to vector<16xf32>
        %sub3A_2202 = arith.subf %sub3A_2201, %mul3A_2199 : vector<16xf32>
        %mul3A_2203 = arith.mulf %mul3A_2185, %sub3A_2202 : vector<16xf32>
        %mul3A_2204 = arith.mulf %mul3A_2203, %select_n3A_2194 : vector<16xf32>
        %sub3A_2205 = arith.subf %select_n3A_2090, %mul3A_2185 : vector<16xf32>
        %sub3A_2206 = arith.constant 1.000000e+00 : f32
        %sub3A_2207 = vector.broadcast %sub3A_2206 : f32 to vector<16xf32>
        %sub3A_2208 = arith.subf %sub3A_2207, %sub3A_2202 : vector<16xf32>
        %mul3A_2209 = arith.mulf %sub3A_2205, %sub3A_2208 : vector<16xf32>
        %mul3A_2210 = arith.mulf %mul3A_2209, %sub3A_2188 : vector<16xf32>
        %add3A_2211 = arith.addf %mul3A_2204, %mul3A_2210 : vector<16xf32>
        %mul3A_2212 = arith.mulf %sub3A_2188, %select_n3A_2194 : vector<16xf32>
        %div3A_2213 = arith.divf %add3A_2211, %mul3A_2212 : vector<16xf32>
        %select_n3A_2214 = arith.select %gt3A_2174, %div3A_2213, %select_n3A_2090 : vector<16xi1>, vector<16xf32>
        %add3A_2215 = arith.constant 15 : i32
        %add3A_2216 = vector.broadcast %add3A_2215 : i32 to vector<16xi32>
        %add3A_2217 = arith.addi %add3A_300, %add3A_2216 : vector<16xi32>
        %gather3A_2218 = arith.constant 0 : i32
        %gather3A_2219 = arith.constant 0 : i32
        %gather3A_2220 = tpu.memref_slice %arg10[%rem3A_128, %gather3A_2218, %gather3A_2219] : memref<2x3584x16xf32, #tpu.memory_space<vmem>> -> memref<1x3584x16xf32, #tpu.memory_space<vmem>>
        %gather3A_2221 = tpu.memref_squeeze %gather3A_2220 : memref<1x3584x16xf32, #tpu.memory_space<vmem>> -> memref<3584x16xf32, #tpu.memory_space<vmem>>
        %gather3A_2222 = tpu.vector_load_idx %gather3A_2221[%add3A_2217, %broadcast_in_dim3A_4] : memref<3584x16xf32, #tpu.memory_space<vmem>>[vector<16xi32>, vector<16xi32>], vector<16xf32>,
        %gather3A_2223 = arith.constant 0 : i32
        %gather3A_2224 = arith.constant 0 : i32
        %gather3A_2225 = tpu.memref_slice %arg10[%rem3A_128, %gather3A_2223, %gather3A_2224] : memref<2x3584x16xf32, #tpu.memory_space<vmem>> -> memref<1x3584x16xf32, #tpu.memory_space<vmem>>
        %gather3A_2226 = tpu.memref_squeeze %gather3A_2225 : memref<1x3584x16xf32, #tpu.memory_space<vmem>> -> memref<3584x16xf32, #tpu.memory_space<vmem>>
        %gather3A_2227 = tpu.vector_load_idx %gather3A_2226[%add3A_2217, %broadcast_in_dim3A_6] : memref<3584x16xf32, #tpu.memory_space<vmem>>[vector<16xi32>, vector<16xi32>], vector<16xf32>,
        %gather3A_2228 = arith.constant 0 : i32
        %gather3A_2229 = arith.constant 0 : i32
        %gather3A_2230 = tpu.memref_slice %arg10[%rem3A_128, %gather3A_2228, %gather3A_2229] : memref<2x3584x16xf32, #tpu.memory_space<vmem>> -> memref<1x3584x16xf32, #tpu.memory_space<vmem>>
        %gather3A_2231 = tpu.memref_squeeze %gather3A_2230 : memref<1x3584x16xf32, #tpu.memory_space<vmem>> -> memref<3584x16xf32, #tpu.memory_space<vmem>>
        %gather3A_2232 = tpu.vector_load_idx %gather3A_2231[%add3A_2217, %broadcast_in_dim3A_8] : memref<3584x16xf32, #tpu.memory_space<vmem>>[vector<16xi32>, vector<16xi32>], vector<16xf32>,
        %sub3A_2233 = arith.subf %gather3A_2232, %gather3A_2227 : vector<16xf32>
        %gt3A_2234 = arith.constant 0.000000e+00 : f32
        %gt3A_2235 = vector.broadcast %gt3A_2234 : f32 to vector<16xf32>
        %gt3A_2236 = arith.cmpf ogt, %gather3A_2232, %gt3A_2235 : vector<16xf32>
        %sub3A_2237 = arith.subf %select_n3A_2152, %gather3A_2222 : vector<16xf32>
        %abs3A_2238 = math.absf %sub3A_2237 : vector<16xf32>
        %mul3A_2239 = arith.mulf %gather3A_2227, %get3A_258 : vector<16xf32>
        %mul3A_2240 = arith.mulf %sub3A_2233, %get3A_272 : vector<16xf32>
        %add3A_2241 = arith.addf %mul3A_2239, %mul3A_2240 : vector<16xf32>
        %exp3A_2242 = math.exp %add3A_2241 : vector<16xf32>
        %mul3A_2243 = arith.mulf %gather3A_2227, %get3A_272 : vector<16xf32>
        %mul3A_2244 = arith.mulf %sub3A_2233, %get3A_258 : vector<16xf32>
        %add3A_2245 = arith.addf %mul3A_2243, %mul3A_2244 : vector<16xf32>
        %exp3A_2246 = math.exp %add3A_2245 : vector<16xf32>
        %mul3A_2247 = arith.mulf %select_n3A_2152, %exp3A_2242 : vector<16xf32>
        %add3A_2248 = arith.addf %mul3A_2247, %exp3A_2246 : vector<16xf32>
        %mul3A_2249 = arith.mulf %select_n3A_2152, %exp3A_2246 : vector<16xf32>
        %sub3A_2250 = arith.subf %add3A_2248, %mul3A_2249 : vector<16xf32>
        %sub3A_2251 = arith.constant 1.000000e+00 : f32
        %sub3A_2252 = vector.broadcast %sub3A_2251 : f32 to vector<16xf32>
        %sub3A_2253 = arith.subf %sub3A_2252, %sub3A_2250 : vector<16xf32>
        %jit3A_2254 = arith.constant 1.000000e+00 : f32
        %broadcast_in_dim3A_2255 = vector.broadcast %jit3A_2254 : f32 to vector<16xf32>
        %select_n3A_2256 = arith.select %gt3A_2236, %sub3A_2253, %broadcast_in_dim3A_2255 : vector<16xi1>, vector<16xf32>
        %mul3A_2257 = arith.mulf %abs3A_2238, %get3A_286 : vector<16xf32>
        %min3A_2258 = arith.constant 1.000000e+00 : f32
        %min3A_2259 = vector.broadcast %min3A_2258 : f32 to vector<16xf32>
        %min3A_2260 = arith.minimumf %mul3A_2257, %min3A_2259 : vector<16xf32>
        %mul3A_2261 = arith.mulf %min3A_2260, %sub3A_2253 : vector<16xf32>
        %sub3A_2262 = arith.constant 1.000000e+00 : f32
        %sub3A_2263 = vector.broadcast %sub3A_2262 : f32 to vector<16xf32>
        %sub3A_2264 = arith.subf %sub3A_2263, %mul3A_2261 : vector<16xf32>
        %mul3A_2265 = arith.mulf %mul3A_2247, %sub3A_2264 : vector<16xf32>
        %mul3A_2266 = arith.mulf %mul3A_2265, %select_n3A_2256 : vector<16xf32>
        %sub3A_2267 = arith.subf %select_n3A_2152, %mul3A_2247 : vector<16xf32>
        %sub3A_2268 = arith.constant 1.000000e+00 : f32
        %sub3A_2269 = vector.broadcast %sub3A_2268 : f32 to vector<16xf32>
        %sub3A_2270 = arith.subf %sub3A_2269, %sub3A_2264 : vector<16xf32>
        %mul3A_2271 = arith.mulf %sub3A_2267, %sub3A_2270 : vector<16xf32>
        %mul3A_2272 = arith.mulf %mul3A_2271, %sub3A_2250 : vector<16xf32>
        %add3A_2273 = arith.addf %mul3A_2266, %mul3A_2272 : vector<16xf32>
        %mul3A_2274 = arith.mulf %sub3A_2250, %select_n3A_2256 : vector<16xf32>
        %div3A_2275 = arith.divf %add3A_2273, %mul3A_2274 : vector<16xf32>
        %select_n3A_2276 = arith.select %gt3A_2236, %div3A_2275, %select_n3A_2152 : vector<16xi1>, vector<16xf32>
        %mul3A_2277 = arith.constant 16 : i32
        %mul3A_2278 = arith.muli %mul3A_227, %mul3A_2277 : i32
        %swap3A = arith.constant 0 : i32
        %swap3A_2279 = tpu.memref_slice %arg15[%rem3A_128, %swap3A] : memref<2x224xf32, #tpu.memory_space<vmem>> -> memref<1x224xf32, #tpu.memory_space<vmem>>
        %swap3A_2280 = tpu.memref_squeeze %swap3A_2279 : memref<1x224xf32, #tpu.memory_space<vmem>> -> memref<224xf32, #tpu.memory_space<vmem>>
        %swap3A_2281 = arith.index_cast %mul3A_2278 : i32 to index
        %swap3A_2282 = tpu.vector_load %swap3A_2280[%swap3A_2281] {strides = array<i32>} : memref<224xf32, #tpu.memory_space<vmem>>, vector<16xf32>,
        tpu.vector_store %swap3A_2280[%swap3A_2281], %select_n3A_2214 {strides = array<i32>} : memref<224xf32, #tpu.memory_space<vmem>>, vector<16xf32>,
        %mul3A_2283 = arith.constant 16 : i32
        %mul3A_2284 = arith.muli %add3A_231, %mul3A_2283 : i32
        %swap3A_2285 = arith.constant 0 : i32
        %swap3A_2286 = tpu.memref_slice %arg15[%rem3A_128, %swap3A_2285] : memref<2x224xf32, #tpu.memory_space<vmem>> -> memref<1x224xf32, #tpu.memory_space<vmem>>
        %swap3A_2287 = tpu.memref_squeeze %swap3A_2286 : memref<1x224xf32, #tpu.memory_space<vmem>> -> memref<224xf32, #tpu.memory_space<vmem>>
        %swap3A_2288 = arith.index_cast %mul3A_2284 : i32 to index
        %swap3A_2289 = tpu.vector_load %swap3A_2287[%swap3A_2288] {strides = array<i32>} : memref<224xf32, #tpu.memory_space<vmem>>, vector<16xf32>,
        tpu.vector_store %swap3A_2287[%swap3A_2288], %select_n3A_2276 {strides = array<i32>} : memref<224xf32, #tpu.memory_space<vmem>>, vector<16xf32>,
        %scan3A_2290 = arith.constant 0 : i32
        scf.yield %scan3A_2290 : i32
      }
      %scan3A_209 = arith.constant 7 : i32
      %mul3A_210 = arith.constant 224 : i32
      %mul3A_211 = arith.muli %scan3A_126, %mul3A_210 : i32
      %add3A_212 = arith.addi %min3A_3, %mul3A_211 : i32
      %dma_start3A_213 = arith.constant 0 : i32
      %dma_start3A_214 = tpu.memref_slice %arg15[%rem3A_128, %dma_start3A_213] : memref<2x224xf32, #tpu.memory_space<vmem>> -> memref<1x224xf32, #tpu.memory_space<vmem>>
      %dma_start3A_215 = tpu.memref_squeeze %dma_start3A_214 : memref<1x224xf32, #tpu.memory_space<vmem>> -> memref<224xf32, #tpu.memory_space<vmem>>
      %dma_start3A_216 = tpu.memref_slice %arg8[%add3A_212] : memref<100000xf32, #tpu.memory_space<hbm>> -> memref<224xf32, #tpu.memory_space<hbm>>
      %dma_start3A_217 = tpu.memref_slice %arg19[%rem3A_128] : memref<2x!tpu.dma_semaphore, #tpu.memory_space<semaphore_mem>> -> memref<1x!tpu.dma_semaphore, #tpu.memory_space<semaphore_mem>>
      %dma_start3A_218 = tpu.memref_squeeze %dma_start3A_217 : memref<1x!tpu.dma_semaphore, #tpu.memory_space<semaphore_mem>> -> memref<!tpu.dma_semaphore, #tpu.memory_space<semaphore_mem>>
      %dma_start3A_219 = tpu.memref_slice %arg8[%add3A_212] : memref<100000xf32, #tpu.memory_space<hbm>> -> memref<224xf32, #tpu.memory_space<hbm>>
      %dma_start3A_220 = arith.constant 0 : i32
      %dma_start3A_221 = tpu.memref_slice %arg15[%rem3A_128, %dma_start3A_220] : memref<2x224xf32, #tpu.memory_space<vmem>> -> memref<1x224xf32, #tpu.memory_space<vmem>>
      %dma_start3A_222 = tpu.memref_squeeze %dma_start3A_221 : memref<1x224xf32, #tpu.memory_space<vmem>> -> memref<224xf32, #tpu.memory_space<vmem>>
      tpu.enqueue_dma source(%dma_start3A_222 : memref<224xf32, #tpu.memory_space<vmem>>) target(%dma_start3A_219 : memref<224xf32, #tpu.memory_space<hbm>>) target_semaphore(%dma_start3A_218 : memref<!tpu.dma_semaphore, #tpu.memory_space<semaphore_mem>>)
      %scan3A_223 = arith.constant 0 : i32
      scf.yield %scan3A_223 : i32
    }
    %scan3A_98 = arith.constant 14 : i32
    %add3A_99 = arith.constant 2688 : i32
    %add3A_100 = arith.addi %min3A_3, %add3A_99 : i32
    %dma_wait3A = arith.constant 0 : i32
    %dma_wait3A_101 = arith.constant 0 : i32
    %dma_wait3A_102 = arith.constant 0 : i32
    %dma_wait3A_103 = tpu.memref_slice %arg15[%dma_wait3A, %dma_wait3A_102] : memref<2x224xf32, #tpu.memory_space<vmem>> -> memref<1x224xf32, #tpu.memory_space<vmem>>
    %dma_wait3A_104 = tpu.memref_squeeze %dma_wait3A_103 : memref<1x224xf32, #tpu.memory_space<vmem>> -> memref<224xf32, #tpu.memory_space<vmem>>
    %dma_wait3A_105 = tpu.memref_slice %arg8[%add3A_100] : memref<100000xf32, #tpu.memory_space<hbm>> -> memref<224xf32, #tpu.memory_space<hbm>>
    %dma_wait3A_106 = tpu.memref_slice %arg19[%dma_wait3A_101] : memref<2x!tpu.dma_semaphore, #tpu.memory_space<semaphore_mem>> -> memref<1x!tpu.dma_semaphore, #tpu.memory_space<semaphore_mem>>
    %dma_wait3A_107 = tpu.memref_squeeze %dma_wait3A_106 : memref<1x!tpu.dma_semaphore, #tpu.memory_space<semaphore_mem>> -> memref<!tpu.dma_semaphore, #tpu.memory_space<semaphore_mem>>
    %dma_wait3A_108 = tpu.memref_slice %arg8[%add3A_100] : memref<100000xf32, #tpu.memory_space<hbm>> -> memref<224xf32, #tpu.memory_space<hbm>>
    %dma_wait3A_109 = arith.constant 0 : i32
    %dma_wait3A_110 = tpu.memref_slice %arg15[%dma_wait3A, %dma_wait3A_109] : memref<2x224xf32, #tpu.memory_space<vmem>> -> memref<1x224xf32, #tpu.memory_space<vmem>>
    %dma_wait3A_111 = tpu.memref_squeeze %dma_wait3A_110 : memref<1x224xf32, #tpu.memory_space<vmem>> -> memref<224xf32, #tpu.memory_space<vmem>>
    tpu.wait_dma2 semaphore(%dma_wait3A_107 : memref<!tpu.dma_semaphore, #tpu.memory_space<semaphore_mem>>) src(%dma_wait3A_111 : memref<224xf32, #tpu.memory_space<vmem>>) dst(%dma_wait3A_108 : memref<224xf32, #tpu.memory_space<hbm>>)
    %add3A_112 = arith.constant 2912 : i32
    %add3A_113 = arith.addi %min3A_3, %add3A_112 : i32
    %dma_wait3A_114 = arith.constant 1 : i32
    %dma_wait3A_115 = arith.constant 1 : i32
    %dma_wait3A_116 = arith.constant 0 : i32
    %dma_wait3A_117 = tpu.memref_slice %arg15[%dma_wait3A_114, %dma_wait3A_116] : memref<2x224xf32, #tpu.memory_space<vmem>> -> memref<1x224xf32, #tpu.memory_space<vmem>>
    %dma_wait3A_118 = tpu.memref_squeeze %dma_wait3A_117 : memref<1x224xf32, #tpu.memory_space<vmem>> -> memref<224xf32, #tpu.memory_space<vmem>>
    %dma_wait3A_119 = tpu.memref_slice %arg8[%add3A_113] : memref<100000xf32, #tpu.memory_space<hbm>> -> memref<224xf32, #tpu.memory_space<hbm>>
    %dma_wait3A_120 = tpu.memref_slice %arg19[%dma_wait3A_115] : memref<2x!tpu.dma_semaphore, #tpu.memory_space<semaphore_mem>> -> memref<1x!tpu.dma_semaphore, #tpu.memory_space<semaphore_mem>>
    %dma_wait3A_121 = tpu.memref_squeeze %dma_wait3A_120 : memref<1x!tpu.dma_semaphore, #tpu.memory_space<semaphore_mem>> -> memref<!tpu.dma_semaphore, #tpu.memory_space<semaphore_mem>>
    %dma_wait3A_122 = tpu.memref_slice %arg8[%add3A_113] : memref<100000xf32, #tpu.memory_space<hbm>> -> memref<224xf32, #tpu.memory_space<hbm>>
    %dma_wait3A_123 = arith.constant 0 : i32
    %dma_wait3A_124 = tpu.memref_slice %arg15[%dma_wait3A_114, %dma_wait3A_123] : memref<2x224xf32, #tpu.memory_space<vmem>> -> memref<1x224xf32, #tpu.memory_space<vmem>>
    %dma_wait3A_125 = tpu.memref_squeeze %dma_wait3A_124 : memref<1x224xf32, #tpu.memory_space<vmem>> -> memref<224xf32, #tpu.memory_space<vmem>>
    tpu.wait_dma2 semaphore(%dma_wait3A_121 : memref<!tpu.dma_semaphore, #tpu.memory_space<semaphore_mem>>) src(%dma_wait3A_125 : memref<224xf32, #tpu.memory_space<vmem>>) dst(%dma_wait3A_122 : memref<224xf32, #tpu.memory_space<hbm>>)
    return
  }
}

module attributes {stable_mosaic.version = 14 : i64} {
  func.func @_log_tables_kernel(%arg0: memref<625x160xf32, #tpu.memory_space<vmem>>, %arg1: memref<625x160xf32, #tpu.memory_space<vmem>>, %arg2: memref<625x160xf32, #tpu.memory_space<vmem>>) attributes {dimension_semantics = [], scalar_prefetch = 0 : i64, scratch_operands = 0 : i64, tpu.core_type = #tpu.core_type<tc>} {
    %get3A = arith.constant 0 : index
    %get3A_0 = arith.constant 0 : index
    %get3A_1 = vector.load %arg0[%get3A, %get3A_0] : memref<625x160xf32, #tpu.memory_space<vmem>>, vector<625x160xf32>
    %log3A = math.log %get3A_1 : vector<625x160xf32>
    %swap3A = arith.constant 0 : index
    %swap3A_2 = arith.constant 0 : index
    %swap3A_3 = vector.load %arg1[%swap3A, %swap3A_2] : memref<625x160xf32, #tpu.memory_space<vmem>>, vector<625x160xf32>
    tpu.vector_store %arg1[%swap3A, %swap3A_2], %log3A {strides = array<i32>} : memref<625x160xf32, #tpu.memory_space<vmem>>, vector<625x160xf32>,
    %sub3A = arith.constant 1.000000e+00 : f32
    %sub3A_4 = vector.broadcast %sub3A : f32 to vector<625x160xf32>
    %sub3A_5 = arith.subf %sub3A_4, %get3A_1 : vector<625x160xf32>
    %log3A_6 = math.log %sub3A_5 : vector<625x160xf32>
    %swap3A_7 = arith.constant 0 : index
    %swap3A_8 = arith.constant 0 : index
    %swap3A_9 = vector.load %arg2[%swap3A_7, %swap3A_8] : memref<625x160xf32, #tpu.memory_space<vmem>>, vector<625x160xf32>
    tpu.vector_store %arg2[%swap3A_7, %swap3A_8], %log3A_6 {strides = array<i32>} : memref<625x160xf32, #tpu.memory_space<vmem>>, vector<625x160xf32>,
    return
  }
}

</mosaic_0001>

<sc_bundles>
// kernel: kernel.4.cloned.1.call-start
scs
__scs_entry_jumppad:
0x0: {  	(pc) =	sbr.rel $0x88, $3  }
0x1: {  	(tag) =	ssettag $0x0;
	lr =	simm.s32 $0x1  }
0x2: {  	[smem:$0x3F9C] =	sst lr;
	_ =	strace $0xD0000000  }
0x3: {  	_ = 	snop  }
0x4: {  	_ = 	snop  }
0x5: {  	_ = 	snop  }
0x6: {  	_ = 	snop  }
0x7: {  	_ = 	snop  }
__scs_overlays_trampoline_lowered:
0x8: {  	[smem:$0x3FAB] =	sst s0  }
0x9: {  	[smem:$0x3FAC] =	sst s1  }
0xa: {  	[smem:$0x3FAD] =	sst s2  }
0xb: {  	[smem:$0x3FAE] =	sst s3  }
0xc: {  	[smem:$0x3FAF] =	sst s4  }
0xd: {  	[smem:$0x3FB0] =	sst s5  }
0xe: {  	[smem:$0x3FB1] =	sst s6  }
0xf: {  	[smem:$0x3FB2] =	sst s7  }
0x10: {  	[smem:$0x3FB3] =	sst s8  }
0x11: {  	[smem:$0x3FB4] =	sst s9;
	s0 =	simm.s32 @!p0 $0x0  }
0x12: {  	s1 =	sld [smem:$0x3F9A];
	s0 =	simm.s32 @p0 $0x1  }
0x13: {  	[smem:$0x3FB5] =	sst s0;
	s0 =	simm.s32 @!p1 $0x0  }
0x14: {  	s2 =	sld [smem:$0x3F99];
	s0 =	simm.s32 @p1 $0x1  }
0x15: {  	[smem:$0x3FB6] =	sst s0;
	s0 =	simm.s32 @!p2 $0x0  }
0x16: {  	s3 =	sld [smem:$0x3FDB];
	s0 =	simm.s32 @p2 $0x1  }
0x17: {  	s4 =	simm.s32 $0x1BF5;
	[smem:$0x3FB8] =	sst s0  }
0x18: {  	s0 =	sld [smem:$0x3F9B];
	_ =	swait.ge [sflag:s4], $0x0  }
0x19: {  	s7 =	sld [smem:$0x3F9C]  }
0x1a: {  	s8 =	sadd.s32 $0xFFFFE003, lr  }
0x1b: {  	s9 =	sadd.s32 $0xFFFFFEF7, lr;
	s5 =	simm.s32 $0xFFFFFFFF;
	p2 =	slt.u32 s8, $0xFFFFF086  }
0x1c: {  	p1 =	slt.u32 s9, $0xF7A;
	s5 =	simm.s32 @!p2 $0x0  }
0x1d: {  	s5 =	simm.s32 @p1 $0x1;
	p0 =	seq.s32 s7, s2  }
0x1e: {  	s7 =	smul.u32 @!p0 $0xF7A, s2;
	p2 =	seq.s32 @!p0 s5, $0x0  }
0x1f: {  	s9 =	smul.u32 $0xF7A, s1;
	s8 =	simm.s32 @!p0 $0x1BF5;
	p2 =	por !p2, p0  }
0x20: {  	[sflag:s8] =	ssyncset.s32 @!p0 $0xFFFFF086;
	s6 =	sadd.s32 @!p0 s3, s7;
	s7 =	simm.s32 @!p0 $0x108  }
0x21: {  	s3 =	sadd.s32 s3, s9;
	s6 =	sadd.s32 @!p0 $0x88, s6;
	s7 =	simm.s32 @p2 $0x1082  }
0x22: {  	[simem:s7], [sflag:s8] =	dma.local @!p0 [hbm:s6], $0xF7A  }
0x23: {  	s9 =	sor.u32 $0xD0000000, s2;
	s6 =	simm.s32 $0x108;
	_ =	swait.ge @!p0 [sflag:s8], $0x0  }
0x24: {  	s3 =	sadd.s32 $0x88, s3;
	s6 =	simm.s32 @!p1 $0x1082;
	[sflag:s4] =	ssyncset.s32 $0xFFFFF086  }
0x25: {  	[simem:s6], [sflag:s4] =	dma.local [hbm:s3], $0xF7A  }
0x26: {  	[smem:$0x3F9C] =	sst s1;
	(tag) =	ssettag s2;
	_ =	strace s9  }
0x27: {  	s1 =	sld [smem:$0x3FAC]  }
0x28: {  	s2 =	sld [smem:$0x3FAD]  }
0x29: {  	s4 =	sld [smem:$0x3FAF]  }
0x2a: {  	p0 =	seq.s32 s5, $0x0;
	s5 =	sld [smem:$0x3FB0]  }
0x2b: {  	s6 =	sld [smem:$0x3FB1]  }
0x2c: {  	s7 =	sld [smem:$0x3FB2]  }
0x2d: {  	s3 =	simm.s32 $0x108;
	s8 =	sld [smem:$0x3FB3]  }
0x2e: {  	s3 =	simm.s32 @!p0 $0x1082;
	s9 =	sld [smem:$0x3FB4]  }
0x2f: {  	lr =	sadd.s32 s0, s3;
	s0 =	sld [smem:$0x3FAB]  }
0x30: {  	s3 =	sld [smem:$0x3FAE]  }
0x31: {  	[smem:$0x3FB7] =	sst s10  }
0x32: {  	s10 =	sld [smem:$0x3FB5];
	_ =	sdelay $0x3  }
0x33: {  	p0 =	seq.s32 s10, $0x1;
	s10 =	sld [smem:$0x3FB7];
	_ =	sdelay $0x3  }
0x34: {  	[smem:$0x3FB7] =	sst s10  }
0x35: {  	s10 =	sld [smem:$0x3FB6];
	_ =	sdelay $0x3  }
0x36: {  	p1 =	seq.s32 s10, $0x1;
	s10 =	sld [smem:$0x3FB7];
	_ =	sdelay $0x3  }
0x37: {  	[smem:$0x3FB7] =	sst s10  }
0x38: {  	s10 =	sld [smem:$0x3FB8]  }
0x39: {  	_ = 	snop;
	(pc) =	sbr.ind lr, $3  }
0x3a: {  	_ = 	snop  }
0x3b: {  	_ = 	snop  }
0x3c: {  	p2 =	seq.s32 s10, $0x1;
	s10 =	sld [smem:$0x3FB7]  }
0x3d: {  	_ =	shalt  }
0x3e: {  	_ =	shalt  }
0x3f: {  	_ =	shalt  }
0x40: {  	_ =	shalt  }
0x41: {  	_ =	shalt  }
0x42: {  	_ =	shalt  }
0x43: {  	_ =	shalt  }
0x44: {  	_ =	shalt  }
0x45: {  	_ =	shalt  }
0x46: {  	_ =	shalt  }
0x47: {  	_ =	shalt  }
0x48: {  	_ =	shalt  }
0x49: {  	_ =	shalt  }
0x4a: {  	_ =	shalt  }
0x4b: {  	_ =	shalt  }
0x4c: {  	_ =	shalt  }
0x4d: {  	_ =	shalt  }
0x4e: {  	_ =	shalt  }
0x4f: {  	_ =	shalt  }
0x50: {  	_ =	shalt  }
0x51: {  	_ =	shalt  }
0x52: {  	_ =	shalt  }
0x53: {  	_ =	shalt  }
0x54: {  	_ =	shalt  }
0x55: {  	_ =	shalt  }
0x56: {  	_ =	shalt  }
0x57: {  	_ =	shalt  }
0x58: {  	_ =	shalt  }
0x59: {  	_ =	shalt  }
0x5a: {  	_ =	shalt  }
0x5b: {  	_ =	shalt  }
0x5c: {  	_ =	shalt  }
0x5d: {  	_ =	shalt  }
0x5e: {  	_ =	shalt  }
0x5f: {  	_ =	shalt  }
0x60: {  	_ =	shalt  }
0x61: {  	_ =	shalt  }
0x62: {  	_ =	shalt  }
0x63: {  	_ =	shalt  }
0x64: {  	_ =	shalt  }
0x65: {  	_ =	shalt  }
0x66: {  	_ =	shalt  }
0x67: {  	_ =	shalt  }
0x68: {  	_ =	shalt  }
0x69: {  	_ =	shalt  }
0x6a: {  	_ =	shalt  }
0x6b: {  	_ =	shalt  }
0x6c: {  	_ =	shalt  }
0x6d: {  	_ =	shalt  }
0x6e: {  	_ =	shalt  }
0x6f: {  	_ =	shalt  }
0x70: {  	_ =	shalt  }
0x71: {  	_ =	shalt  }
0x72: {  	_ =	shalt  }
0x73: {  	_ =	shalt  }
0x74: {  	_ =	shalt  }
0x75: {  	_ =	shalt  }
0x76: {  	_ =	shalt  }
0x77: {  	_ =	shalt  }
0x78: {  	_ =	shalt  }
0x79: {  	_ =	shalt  }
0x7a: {  	_ =	shalt  }
0x7b: {  	_ =	shalt  }
0x7c: {  	_ =	shalt  }
0x7d: {  	_ =	shalt  }
0x7e: {  	_ =	shalt  }
0x7f: {  	_ =	shalt  }
0x80: {  	_ =	shalt  }
0x81: {  	_ =	shalt  }
0x82: {  	_ =	shalt  }
0x83: {  	_ =	shalt  }
0x84: {  	_ =	shalt  }
0x85: {  	_ =	shalt  }
0x86: {  	_ =	shalt  }
0x87: {  	_ =	shalt  }
.Lfunc_end0:
.L_simem_size_0:
called_computation_lowered:
.L_overlay_start_0:
0x88: {  	s2 =	sld [smem:$0x3FD9]  }
0x89: {  	s3 =	sld [smem:$0x3FFE];
	_ =	sdelay $0x1  }
0x8a: {  	s1 =	srdreg.scid  }
0x8b: {  	s0 =	sand.u32 $0x1, s1  }
0x8c: {  	s17 =	sshll.u32 s0, $0xA;
	s2 =	sadd.s32 s3, s2  }
0x8d: {  	s2 =	sadd.s32 s2, s17  }
0x8e: {  	[smem:$0x3FC3] =	sst s2  }
0x8f: {  	_ = 	snop  }
0x90: {  	s2 =	sld [smem:$0x3FC9]  }
0x91: {  	s18 =	sld [smem:$0x3FC6]  }
0x92: {  	s4 =	sld [smem:$0x3FD0];
	(tm) =	ssettm $0x1  }
0x93: {  	s5 =	sld [smem:$0x3FFB];
	_ =	sdelay $0x3  }
0x94: {  	_ =	strace s5  }
0x95: {  	s5 =	sld [smem:$0x3FFC];
	_ =	sdelay $0x3  }
0x96: {  	_ =	strace s5  }
0x97: {  	s5 =	sld [smem:$0x3FFD];
	_ =	sdelay $0x3  }
0x98: {  	_ =	strace s5  }
0x99: {  	_ =	strace $0x8FFFFFFF  }
0x9a: {  	s19 =	sld [smem:$0x3FDB];
	_ =	sdelay $0x1  }
0x9b: {  	s6 =	simm.s32 $_scs_section_size  }
0x9c: {  	s7 =	simm.s32 $_size__tile_overlayer_lowered;
	s8 =	simm.s32 $_tile_overlayer_lowered  }
0x9d: {  	s22 =	simm.s32 $0x1BFF;
	s21 =	sshll.u32 s8, $0x1;
	s5 =	sadd.s32 s6, s19  }
0x9e: {  	s9 =	simm.s32 $0x0;
	s20 =	sshll.u32 s7, $0x1;
	s7 =	sadd.s32 s21, s5  }
0x9f: {  	[timem:s9], [sflag:s22] =	dma.local [hbm:s7], s20  }
0xa0: {  	_ =	swait.ge [sflag:s22], s20  }
0xa1: {  	s6 =	ssub.s32 $0x0, s20;
	[sflag:s22] =	ssyncset.done $0x0  }
0xa2: {  	[sflag:s22] =	ssyncadd.s32 s6;
	_ =	sdelay $0x1  }
0xa3: {  	s23 =	simm.s32 $0x1B8B  }
0xa4: {  	_ =	swait.ge [sflag:s23], $0x1  }
0xa5: {  	[sflag:s23] =	ssyncset.done $0x0  }
0xa6: {  	s25 =	simm.s32 $0x1B8E;
	s24 =	sld [smem:$0x3FFE];
	[sflag:s23] =	ssyncadd.s32 $0xFFFFFFFF  }
0xa7: {  	s26 =	simm.s32 $execute0_lowered;
	[smem:$0x3FD2] =	sst s25  }
0xa8: {  	s7 =	sshll.u32 s26, $0x1;
	_ =	strace $0x80000046;
	[dreg:$0x1] =	wrdreg $0xFFFFFFFF  }
0xa9: {  	s28 =	simm.s32 $_size_execute0_lowered;
	s5 =	sadd.s32 s5, s7;
	[dreg:$0x0] =	wrdreg $0x0  }
0xaa: {  	s7 =	sshll.u32 s28, $0x1;
	[dreg:$0x2] =	wrdreg s5  }
0xab: {  	[dreg:$0x3] =	wrdreg s7  }
0xac: {  	[dreg:$0x4] =	wrdreg $0xC0  }
0xad: {  	_ =	task [dreg:s9], $0x5FFFF  }
0xae: {  	[dreg:$0x1] =	wrdreg $0xFFFFFFFF  }
0xaf: {  	[dreg:$0x0] =	wrdreg $0x60  }
0xb0: {  	[dreg:$0x2] =	wrdreg s24  }
0xb1: {  	[dreg:$0x3] =	wrdreg s2  }
0xb2: {  	[dreg:$0x4] =	wrdreg s18  }
0xb3: {  	[dreg:$0x5] =	wrdreg s4  }
0xb4: {  	[dreg:$0x6] =	wrdreg $0x9  }
0xb5: {  	_ =	task.clear_ibuf [dreg:s9], $0x7FFFF;
	_ =	strace $0x90000046  }
0xb6: {  	s29 =	simm.s32 $0x9;
	_ =	strace $0x80000048  }
0xb7: {  	_ =	swait.ge [sflag:s29], $0x1  }
0xb8: {  	[sflag:s29] =	ssyncadd.s32 $0xFFFFFFFF  }
0xb9: {  	_ =	strace $0x90000048  }
0xba: {  	_ =	sfence  }
0xbb: {  	s30 =	sld [smem:$0x0];
	_ =	sdelay $0x2  }
0xbc: {  	s31 =	sshll.u32 s1, $0xD;
	s1 =	sshrl.u32 s1, $0x2  }
0xbd: {  	s3 =	sand.u32 $0x4000, s31;
	s1 =	sadd.s32 s1, s30  }
0xbe: {  	s0 =	sor.u32 s3, s0;
	s1 =	sshll.u32 s1, $0x11  }
0xbf: {  	s0 =	sor.u32 s1, s0  }
0xc0: {  	s0 =	sadd.s32 $0x8F2B, s0  }
0xc1: {  	[sflag:s0] =	ssyncadd.remote.s32 $0x1  }
0xc2: {  	_ =	sfence.sel $0xFFFF  }
0xc3: {  	[dreg:$0x0] =	wrdreg $0xFFFFFFFF;
	(pc) =	sbr.abs _section_cstart, $3  }
0xc4: {  	[dreg:$0x1] =	wrdreg $0xFFFFFFFF  }
0xc5: {  	_ =	task.clear_ibuf [dreg:s9], $0x2FFFF;
	_ =	strace $0x9FFFFFFF  }
0xc6: {  	(tm) =	ssettm $0x7FFFFFFF  }
0xc7: {  	_ =	shalt  }
tec
execute0_lowered:
.L_overlay_start_1:
0x0: {  	(tag) =	ssettag $0x1  }
0x1: {  	s0 =	rddreg [dreg:$0x0]  }
0x2: {  	s1 =	rddreg [dreg:$0x1]  }
0x3: {  	s2 =	rddreg [dreg:$0x2]  }
0x4: {  	s4 =	rddreg [dreg:$0x3]  }
0x5: {  	s5 =	simm.s32 $0x0;
	s3 =	srdreg.scid;
	s6 =	stileid.u32  }
0x6: {  	s19 =	simm.s32 $0x9;
	s28 =	simm.s32 $0x8;
	s29 =	simm.s32 $0x0  }
0x7: {  	[smem:$0x7FF] =	sst s5;
	s3 =	sand.u32 $0x1, s3;
	s6 =	sshll.u32 s6, $0x1  }
0x8: {  	v0 =	vlaneseq.u32;
	s8 =	sadd.s32 $0x1000, s0;
	s7 =	sor.u32 s3, s6;
	s3 =	ssub.s32 $0x2, s3  }
0x9: {  	s9 =	sadd.s32 $0x4200, s0;
	v0 =	vmul.u32 $0x100, v0;
	s10 =	smul.u32 $0xC40, s7;
	s25 =	sshrl.u32 s3, $0x1  }
0xa: {  	s6 =	sadd.s32 $0x187A00, s0;
	s7 =	sadd.s32 $0x1B8800, s0;
	s0 =	ssub.s32 s3, s25  }
0xb: {  	_ =	strace $0x80000047;
	v1 =	vor.u32 $0xF0, v0;
	v2 =	vor.u32 $0xE0, v0;
	v3 =	vor.u32 $0xD0, v0;
	s10 =	smin.u32 s10, $0x17A60;
	s18 =	smax.u32 s0, $0x1  }
0xc: {  	v4 =	vor.u32 $0xC0, v0;
	v5 =	vor.u32 $0xB0, v0;
	v6 =	vor.u32 $0xA0, v0;
	s26 =	sshll.u32 s10, $0x1;
	s15 =	sshrl.u32 s10, $0x3;
	s17 =	sadd.s32 $0x1C0, s10  }
0xd: {  	v7 =	vor.u32 $0x90, v0;
	v8 =	vor.u32 $0x80, v0;
	v9 =	vor.u32 $0x70, v0;
	s11 =	sadd.s32 s7, s26;
	s30 =	sadd.s32 s1, s15;
	s31 =	sadd.s32 s8, s15  }
0xe: {  	v10 =	vor.u32 $0x60, v0;
	v11 =	vor.u32 $0x50, v0;
	v12 =	vor.u32 $0x40, v0;
	s14 =	sadd.s32 s9, s15;
	s15 =	sadd.s32 s2, s15;
	[dreg:$0x5] =	wrdreg s30  }
0xf: {  	v13 =	vor.u32 $0x30, v0;
	v14 =	vor.u32 $0x20, v0;
	v15 =	vor.u32 $0x10, v0;
	s26 =	simm.s32 $0x7;
	[dreg:$0x6] =	wrdreg s31;
	s16 =	sadd.s32 $0x1C0, s11  }
.LBB2_1:
0x10: {  	[tilespmem:s5], [sflag:$0x9] =	stream.linear.gather [hbm4b:s11+s5], $0xE00, $0x38;
	[tilespmem:$0x1E4C0] =	vst v63  }
0x11: {  	_ =	swait.ge [sflag:s19], $0xE00  }
0x12: {  	[sflag:s19] =	ssyncset.done $0x0  }
0x13: {  	s3 =	simm.s32 $0xE00;
	s0 =	simm.s32 $0x1C00;
	[sflag:s19] =	ssyncadd.s32 $0xFFFFF200  }
0x14: {  	[tilespmem:s0], [sflag:$0x1] =	stream.indirect.gather [hbm4b:s6+s3], $0x10, s5, s3, $0xb8;
	[tilespmem:$0x1E4C0] =	vst v63  }
0x15: {  	s12 =	simm.s32 $0x1DC00;
	s22 =	rddreg [dreg:$0x5]  }
0x16: {  	[tilespmem:s12], [sflag:$0x3] =	stream.linear.gather [hbm4b:s22+s5], $0xE0, $0x38;
	[tilespmem:$0x1E4C0] =	vst v63  }
0x17: {  	s24 =	simm.s32 $0x1DDC0;
	s23 =	rddreg [dreg:$0x6]  }
0x18: {  	[tilespmem:s24], [sflag:$0x3] =	stream.linear.gather [hbm4b:s23+s5], $0xE0, $0x38;
	[tilespmem:$0x1E4C0] =	vst v63  }
0x19: {  	s25 =	simm.s32 $0x1DF80  }
0x1a: {  	[tilespmem:s25], [sflag:$0x3] =	stream.linear.gather [hbm4b:s14+s5], $0xE0, $0x38;
	[tilespmem:$0x1E4C0] =	vst v63  }
0x1b: {  	s30 =	simm.s32 $0x1E140  }
0x1c: {  	[tilespmem:s30], [sflag:$0x3] =	stream.linear.gather [hbm4b:s15+s5], $0xE0, $0x38;
	[tilespmem:$0x1E4C0] =	vst v63  }
0x1d: {  	p0 =	por $0x0, $0x0;
	s31 =	simm.s32 $0x0  }
0x1e: {  	[tilespmem:s3], [sflag:$0x6] =	stream.linear.gather [hbm4b:s16+s5], $0xE00, $0x38;
	[tilespmem:$0x1E4C0] =	vst v63  }
.LBB2_2:
0x1f: {  	s30 =	sadd.s32 $0x1, s31;
	p1 =	seq.s32 s31, $0xD  }
0x20: {  	s0 =	sand.u32 @!p1 $0x1, s30  }
0x21: {  	s21 =	smul.u32 @!p1 $0x38000, s0  }
0x22: {  	s3 =	sadd.s32 @!p1 $0x5, s0;
	s22 =	smul.u32 @!p1 $0x3800, s0  }
0x23: {  	s23 =	simm.s32 @!p1 $0xE00;
	s24 =	smul.u32 @!p1 $0xE0, s30;
	_ =	swait.ge @!p1 [sflag:s3], $0xE00  }
0x24: {  	[sflag:s3] =	ssyncset.done @!p1 $0x0;
	s21 =	sshrl.u32 @!p1 s21, $0x2;
	s22 =	sshrl.u32 @!p1 s22, $0x2  }
0x25: {  	[sflag:s3] =	ssyncadd.s32 @!p1 $0xFFFFF200;
	s3 =	sor.u32 @!p1 $0x1C00, s21;
	s21 =	sadd.s32 @!p1 $0x1, s0  }
0x26: {  	[tilespmem:s3], [sflag:s21] =	stream.indirect.gather @!p1 [hbm4b:s6+s23], $0x10, s22, s23, $0xb8;
	[tilespmem:$0x1E4C0] =	vst v63  }
0x27: {  	s3 =	smul.u32 @!p1 $0xE0, s0;
	s21 =	sadd.s32 @!p1 s10, s24  }
0x28: {  	s0 =	sadd.s32 @!p1 $0x3, s0;
	s21 =	sshrl.u32 @!p1 s21, $0x3  }
0x29: {  	s24 =	simm.s32 @!p1 $0x0;
	s22 =	sor.u32 @!p1 $0x1DC00, s3;
	s23 =	sadd.s32 @!p1 s1, s21  }
0x2a: {  	[tilespmem:s22], [sflag:s0] =	stream.linear.gather @!p1 [hbm4b:s23+s24], $0xE0, $0x38;
	[tilespmem:$0x1E4C0] =	vst v63  }
0x2b: {  	s22 =	sadd.s32 @!p1 $0x1DDC0, s3;
	s23 =	sadd.s32 @!p1 s8, s21  }
0x2c: {  	[tilespmem:s22], [sflag:s0] =	stream.linear.gather @!p1 [hbm4b:s23+s24], $0xE0, $0x38;
	[tilespmem:$0x1E4C0] =	vst v63  }
0x2d: {  	s22 =	sadd.s32 @!p1 $0x1DF80, s3;
	s23 =	sadd.s32 @!p1 s9, s21  }
0x2e: {  	[tilespmem:s22], [sflag:s0] =	stream.linear.gather @!p1 [hbm4b:s23+s24], $0xE0, $0x38;
	[tilespmem:$0x1E4C0] =	vst v63  }
0x2f: {  	s3 =	sadd.s32 @!p1 $0x1E140, s3;
	s21 =	sadd.s32 @!p1 s2, s21  }
0x30: {  	[tilespmem:s3], [sflag:s0] =	stream.linear.gather @!p1 [hbm4b:s21+s24], $0xE0, $0x38;
	[tilespmem:$0x1E4C0] =	vst v63  }
0x31: {  	p1 =	sgt.u32 s31, $0xB  }
0x32: {  	s3 =	sand.u32 $0x1, s31;
	s21 =	smul.u32 @!p1 $0xE0, s31  }
0x33: {  	s25 =	sadd.s32 $0x1, s3;
	s22 =	smul.u32 @!p1 $0x3800, s3;
	s23 =	simm.s32 @!p1 $0x0  }
0x34: {  	p2 =	slt.u32 @!p1 s31, $0x2;
	_ =	swait.ge [sflag:s25], $0xE000;
	s21 =	sadd.s32 @!p1 s21, s17  }
0x35: {  	[sflag:s25] =	ssyncset.done $0x0;
	s0 =	sshrl.u32 @!p1 s22, $0x2;
	s21 =	sshll.u32 @!p1 s21, $0x1  }
0x36: {  	s22 =	sadd.s32 @!p1 $0x5, s3;
	[sflag:s25] =	ssyncadd.s32 $0xFFFF2000;
	s21 =	sadd.s32 @!p1 s7, s21  }
0x37: {  	[tilespmem:s0], [sflag:s22] =	stream.linear.gather @!p1 [hbm4b:s21+s23], $0xE00, $0x38;
	[tilespmem:$0x1E4C0] =	vst v63  }
0x38: {  	p1 =	por p1, !p2;
	s0 =	sadd.s32 $0x7, s3  }
0x39: {  	_ =	swait.ge @p1 [sflag:s0], $0xE0  }
0x3a: {  	[sflag:s0] =	ssyncset.done @p1 $0x0  }
0x3b: {  	s21 =	sadd.s32 $0x3, s3;
	[sflag:s0] =	ssyncadd.s32 @p1 $0xFFFFFF20  }
0x3c: {  	_ =	swait.ge [sflag:s21], $0xE0  }
0x3d: {  	[sflag:s21] =	ssyncset.done $0x0  }
0x3e: {  	[sflag:s21] =	ssyncadd.s32 $0xFFFFFF20  }
0x3f: {  	s25 =	smul.u32 $0x38000, s3;
	s22 =	simm.s32 $0x1;
	_ =	swait.ge [sflag:s21], $0xE0  }
0x40: {  	s3 =	smul.u32 $0xE0, s3;
	s22 =	simm.s32 @!p0 $0x0;
	[sflag:s21] =	ssyncset.done $0x0  }
0x41: {  	s22 =	smul.u32 $0x380, s22;
	[sflag:s21] =	ssyncadd.s32 $0xFFFFFF20  }
0x42: {  	s25 =	sshrl.u32 s25, $0x2;
	_ =	swait.ge [sflag:s21], $0xE0  }
0x43: {  	s3 =	sor.u32 $0x1E300, s3;
	s22 =	sshrl.u32 s22, $0x2;
	[sflag:s21] =	ssyncset.done $0x0  }
0x44: {  	s23 =	sor.u32 $0x1DC10, s22;
	s24 =	sadd.s32 $0x1DDC0, s22;
	[sflag:s21] =	ssyncadd.s32 $0xFFFFFF20  }
0x45: {  	s20 =	sadd.s32 $0x1DF80, s22;
	s12 =	sadd.s32 $0x1E140, s22;
	_ =	swait.ge [sflag:s21], $0xE0  }
0x46: {  	s13 =	sor.u32 $0x1E300, s22;
	s22 =	simm.s32 $0x0;
	v16 =	vmov s23;
	v17 =	vmov s24;
	[sflag:s21] =	ssyncset.done $0x0  }
0x47: {  	v18 =	vmov s20;
	v19 =	vmov s12;
	v20 =	vmov s13;
	s23 =	simm.s32 $0x0;
	[sflag:s21] =	ssyncadd.s32 $0xFFFFFF20;
	s21 =	sor.u32 $0x1C00, s25  }
.LBB2_3:
0x48: {  	v21 =	vmov s22  }
0x49: {  	v28 =	vshll.u32 v21, $0x4  }
0x4a: {  	v21 =	vor.u32 v0, v28  }
0x4b: {  	v22 =	vor.u32 $0x1, v21  }
0x4c: {  	v23 =	vor.u32 $0x2, v21;
	_ =	sdelay $0x3  }
0x4d: {  	v22 =	vld.idx.msk [tilespmem:v22+s21+$0x0], $0xffff  }
0x4e: {  	s24 =	sshra.s32 s23, $0x2;
	v27 =	vld.idx.msk [tilespmem:v23+s21+$0x0], $0xffff  }
0x4f: {  	v24 =	vld.idx.msk [tilespmem:v17+s24+$0x0 ss:$0x1], $0xffff  }
0x50: {  	v25 =	vld.idx.msk [tilespmem:v18+s24+$0x0 ss:$0x1], $0xffff;
	_ =	sdelay $0x2  }
0x51: {  	v23 =	vsub.f32 v27, v22;
	_ =	sdelay $0x1  }
0x52: {  	v26 =	vmul.f32 v22, v24;
	v29 =	vmul.f32 v23, v25;
	_ =	sdelay $0x1  }
0x53: {  	v22 =	vmul.f32 v22, v25;
	v23 =	vmul.f32 v23, v24;
	v26 =	vadd.f32 v29, v26;
	_ =	sdelay $0x1  }
0x54: {  	v22 =	vadd.f32 v23, v22;
	v26 =	vmul.f32 $1.442695020e+00, v26  }
0x55: {  	s12 =	sadd.s32 $0x100, s22  }
0x56: {  	v23 =	vmov s12;
	v22 =	vmul.f32 $1.442695020e+00, v22;
	(erf) = vpow2.f32 v26  }
0x57: {  	v26 =	vshll.u32 v23, $0x4  }
0x58: {  	(erf) = vpow2.f32 v22;
	v53 =	vor.u32 v0, v26  }
0x59: {  	v22 =	vor.u32 $0x1, v53  }
0x5a: {  	v23 =	vor.u32 $0x2, v53  }
0x5b: {  	v30 =	vld.idx.msk [tilespmem:v16+s24+$0xFFFFFFF0 ss:$0x1], $0xffff;
	_ =	sdelay $0x2  }
0x5c: {  	v32 =	vld.idx.msk [tilespmem:v22+s21+$0x0], $0xffff  }
0x5d: {  	v33 =	vld.idx.msk [tilespmem:v23+s21+$0x0], $0xffff;
	v31 =	vpop (erf)  }
0x5e: {  	v22 =	vld.idx.msk [tilespmem:v17+s24+$0x10 ss:$0x1], $0xffff;
	v31 =	vmul.f32 v31, v30  }
0x5f: {  	v23 =	vld.idx.msk [tilespmem:v18+s24+$0x10 ss:$0x1], $0xffff;
	v34 =	vpop (erf)  }
0x60: {  	v35 =	vadd.f32 v31, v34;
	v34 =	vmul.f32 v34, v30;
	_ =	sdelay $0x1  }
0x61: {  	v54 =	vsub.f32 v33, v32;
	v34 =	vsub.f32 v35, v34;
	_ =	sdelay $0x1  }
0x62: {  	v55 =	vmul.f32 v32, v22;
	v37 =	vmul.f32 v54, v23;
	v36 =	vsub.f32 $1.000000000e+00, v34  }
0x63: {  	vm1 =	vgt.f32 v27, $0.0e+00;
	v32 =	vmul.f32 v32, v23  }
0x64: {  	v35 =	vmul.f32 v54, v22;
	v27 =	vadd.f32 v37, v55;
	v38 =	vnsel vm1, $0x3F800000, v36  }
0x65: {  	v56 =	vmul.f32 v38, v34  }
0x66: {  	v32 =	vadd.f32 v35, v32;
	v27 =	vmul.f32 $1.442695020e+00, v27  }
0x67: {  	(erf) = vrcp.f32 v56  }
0x68: {  	v57 =	vmul.f32 $1.442695020e+00, v32;
	(erf) = vpow2.f32 v27;
	_ =	sdelay $0x1  }
0x69: {  	v32 =	vor.u32 v15, v28;
	(erf) = vpow2.f32 v57  }
0x6a: {  	v58 =	vor.u32 $0x1, v32  }
0x6b: {  	v39 =	vld.idx.msk [tilespmem:v21+s21+$0x0], $0xffff;
	v59 =	vor.u32 $0x2, v32  }
0x6c: {  	v35 =	vld.idx.msk [tilespmem:v16+s24+$0x0 ss:$0x1], $0xffff;
	_ =	sdelay $0x1  }
0x6d: {  	v21 =	vld.idx.msk [tilespmem:v19+s24+$0x0 ss:$0x1], $0xffff  }
0x6e: {  	v27 =	vld.idx.msk [tilespmem:v58+s21+$0x0], $0xffff;
	v40 =	vpop (erf)  }
0x6f: {  	v37 =	vld.idx.msk [tilespmem:v59+s21+$0x0], $0xffff;
	v41 =	vpop (erf)  }
0x70: {  	v39 =	vsub.f32 v30, v39;
	v41 =	vmul.f32 v41, v35  }
0x71: {  	v42 =	vpop (erf)  }
0x72: {  	v39 =	vand.u32 $0x7FFFFFFF, v39;
	v43 =	vadd.f32 v41, v42;
	v42 =	vmul.f32 v42, v35  }
0x73: {  	v39 =	vmul.f32 v39, v21  }
0x74: {  	v60 =	vsub.f32 v37, v27;
	v42 =	vsub.f32 v43, v42  }
0x75: {  	v39 =	vmin.f32 v39, $1.000000000e+00  }
0x76: {  	v61 =	vmul.f32 v27, v24;
	v45 =	vmul.f32 v60, v25;
	v44 =	vsub.f32 $1.000000000e+00, v42  }
0x77: {  	vm0 =	vgt.f32 v33, $0.0e+00;
	v36 =	vmul.f32 v36, v39;
	v27 =	vmul.f32 v27, v25  }
0x78: {  	v33 =	vadd.f32 v45, v61;
	v43 =	vmul.f32 v60, v24;
	v39 =	vnsel vm0, $0x3F800000, v44  }
0x79: {  	v36 =	vsub.f32 $1.000000000e+00, v36;
	v62 =	vmul.f32 v39, v42  }
0x7a: {  	v33 =	vmul.f32 $1.442695020e+00, v33;
	v27 =	vadd.f32 v43, v27  }
0x7b: {  	v63 =	vsub.f32 v30, v31;
	v46 =	vsub.f32 $1.000000000e+00, v36;
	(erf) = vrcp.f32 v62  }
0x7c: {  	v27 =	vmul.f32 $1.442695020e+00, v27;
	(erf) = vpow2.f32 v33  }
0x7d: {  	v31 =	vmul.f32 v36, v31;
	v48 =	vmul.f32 v46, v63  }
0x7e: {  	v33 =	vor.u32 v15, v26;
	(erf) = vpow2.f32 v27  }
0x7f: {  	v49 =	vmul.f32 v31, v38;
	v50 =	vmul.f32 v48, v34;
	v51 =	vor.u32 $0x1, v33  }
0x80: {  	v52 =	vor.u32 $0x2, v33  }
0x81: {  	v29 =	vld.idx.msk [tilespmem:v53+s21+$0x0], $0xffff;
	v27 =	vadd.f32 v50, v49;
	_ =	sdelay $0x1  }
0x82: {  	v53 =	vmul.f32 v27, v40;
	v27 =	vld.idx.msk [tilespmem:v19+s24+$0x10 ss:$0x1], $0xffff  }
0x83: {  	v34 =	vld.idx.msk [tilespmem:v51+s21+$0x0], $0xffff;
	v54 =	vpop (erf)  }
0x84: {  	v30 =	vsel vm1, v53, v30;
	v31 =	vld.idx.msk [tilespmem:v52+s21+$0x0], $0xffff;
	v55 =	vpop (erf)  }
0x85: {  	v29 =	vsub.f32 v35, v29;
	v36 =	vmul.f32 v30, v55  }
0x86: {  	v56 =	vpop (erf)  }
0x87: {  	v29 =	vand.u32 $0x7FFFFFFF, v29;
	v40 =	vmul.f32 v30, v56;
	v57 =	vadd.f32 v36, v56  }
0x88: {  	v29 =	vmul.f32 v29, v27  }
0x89: {  	v58 =	vsub.f32 v31, v34;
	v40 =	vsub.f32 v57, v40  }
0x8a: {  	v29 =	vmin.f32 v29, $1.000000000e+00  }
0x8b: {  	v59 =	vmul.f32 v34, v22;
	v60 =	vmul.f32 v58, v23;
	v45 =	vsub.f32 $1.000000000e+00, v40  }
0x8c: {  	vm10 =	vgt.f32 v37, $0.0e+00;
	v29 =	vmul.f32 v44, v29;
	v34 =	vmul.f32 v34, v23  }
0x8d: {  	v43 =	vmul.f32 v58, v22;
	v37 =	vadd.f32 v60, v59;
	v44 =	vnsel vm10, $0x3F800000, v45  }
0x8e: {  	v29 =	vsub.f32 $1.000000000e+00, v29;
	v61 =	vmul.f32 v44, v40  }
0x8f: {  	v34 =	vadd.f32 v43, v34;
	v37 =	vmul.f32 $1.442695020e+00, v37  }
0x90: {  	v62 =	vsub.f32 v35, v41;
	v63 =	vsub.f32 $1.000000000e+00, v29;
	(erf) = vrcp.f32 v61  }
0x91: {  	v34 =	vmul.f32 $1.442695020e+00, v34;
	(erf) = vpow2.f32 v37  }
0x92: {  	v29 =	vmul.f32 v29, v41;
	v47 =	vmul.f32 v63, v62  }
0x93: {  	v37 =	vor.u32 v14, v28;
	(erf) = vpow2.f32 v34  }
0x94: {  	v29 =	vmul.f32 v29, v39;
	v48 =	vmul.f32 v47, v42;
	v49 =	vor.u32 $0x1, v37  }
0x95: {  	v50 =	vor.u32 $0x2, v37  }
0x96: {  	v32 =	vld.idx.msk [tilespmem:v32+s21+$0x0], $0xffff;
	v29 =	vadd.f32 v48, v29;
	_ =	sdelay $0x1  }
0x97: {  	v29 =	vmul.f32 v29, v54  }
0x98: {  	v39 =	vld.idx.msk [tilespmem:v49+s21+$0x0], $0xffff;
	v51 =	vpop (erf)  }
0x99: {  	v29 =	vsel vm0, v29, v35;
	v34 =	vld.idx.msk [tilespmem:v50+s21+$0x0], $0xffff;
	v52 =	vpop (erf)  }
0x9a: {  	v32 =	vsub.f32 v30, v32;
	v35 =	vmul.f32 v29, v52  }
0x9b: {  	v53 =	vpop (erf)  }
0x9c: {  	v32 =	vand.u32 $0x7FFFFFFF, v32;
	v41 =	vmul.f32 v29, v53;
	v54 =	vadd.f32 v35, v53  }
0x9d: {  	v32 =	vmul.f32 v32, v21  }
0x9e: {  	v55 =	vsub.f32 v34, v39;
	v41 =	vsub.f32 v54, v41  }
0x9f: {  	v32 =	vmin.f32 v32, $1.000000000e+00  }
0xa0: {  	v57 =	vmul.f32 v39, v24;
	v58 =	vmul.f32 v55, v25;
	v56 =	vsub.f32 $1.000000000e+00, v41  }
0xa1: {  	vm11 =	vgt.f32 v31, $0.0e+00;
	v32 =	vmul.f32 v45, v32;
	v39 =	vmul.f32 v39, v25  }
0xa2: {  	v42 =	vmul.f32 v55, v24;
	v31 =	vadd.f32 v58, v57;
	v45 =	vnsel vm11, $0x3F800000, v56  }
0xa3: {  	v32 =	vsub.f32 $1.000000000e+00, v32;
	v59 =	vmul.f32 v45, v41  }
0xa4: {  	v39 =	vadd.f32 v42, v39;
	v31 =	vmul.f32 $1.442695020e+00, v31  }
0xa5: {  	v60 =	vsub.f32 v30, v36;
	v61 =	vsub.f32 $1.000000000e+00, v32;
	(erf) = vrcp.f32 v59  }
0xa6: {  	v62 =	vmul.f32 $1.442695020e+00, v39;
	(erf) = vpow2.f32 v31  }
0xa7: {  	v32 =	vmul.f32 v32, v36;
	v63 =	vmul.f32 v61, v60  }
0xa8: {  	v36 =	vor.u32 v14, v26;
	(erf) = vpow2.f32 v62  }
0xa9: {  	v47 =	vor.u32 $0x2, v36;
	v42 =	vmul.f32 v32, v44;
	v44 =	vmul.f32 v63, v40  }
0xaa: {  	v46 =	vor.u32 $0x1, v36  }
0xab: {  	v33 =	vld.idx.msk [tilespmem:v33+s21+$0x0], $0xffff;
	v31 =	vadd.f32 v44, v42;
	_ =	sdelay $0x1  }
0xac: {  	v31 =	vmul.f32 v31, v51  }
0xad: {  	v32 =	vld.idx.msk [tilespmem:v47+s21+$0x0], $0xffff;
	v48 =	vpop (erf)  }
0xae: {  	v39 =	vld.idx.msk [tilespmem:v46+s21+$0x0], $0xffff;
	v30 =	vsel vm10, v31, v30;
	v49 =	vpop (erf)  }
0xaf: {  	v33 =	vsub.f32 v29, v33;
	v31 =	vmul.f32 v30, v49  }
0xb0: {  	v50 =	vpop (erf)  }
0xb1: {  	v33 =	vand.u32 $0x7FFFFFFF, v33;
	v40 =	vmul.f32 v30, v50;
	v51 =	vadd.f32 v31, v50  }
0xb2: {  	v33 =	vmul.f32 v33, v27  }
0xb3: {  	v52 =	vsub.f32 v32, v39;
	v40 =	vsub.f32 v51, v40  }
0xb4: {  	v33 =	vmin.f32 v33, $1.000000000e+00  }
0xb5: {  	v53 =	vmul.f32 v39, v22;
	v54 =	vmul.f32 v52, v23;
	v44 =	vsub.f32 $1.000000000e+00, v40  }
0xb6: {  	vm12 =	vgt.f32 v34, $0.0e+00;
	v33 =	vmul.f32 v56, v33;
	v39 =	vmul.f32 v39, v23  }
0xb7: {  	v42 =	vmul.f32 v52, v22;
	v34 =	vadd.f32 v54, v53;
	v43 =	vnsel vm12, $0x3F800000, v44  }
0xb8: {  	v33 =	vsub.f32 $1.000000000e+00, v33;
	v55 =	vmul.f32 v43, v40  }
0xb9: {  	v39 =	vadd.f32 v42, v39;
	v34 =	vmul.f32 $1.442695020e+00, v34  }
0xba: {  	v56 =	vsub.f32 v29, v35;
	v57 =	vsub.f32 $1.000000000e+00, v33;
	(erf) = vrcp.f32 v55  }
0xbb: {  	v58 =	vmul.f32 $1.442695020e+00, v39;
	(erf) = vpow2.f32 v34  }
0xbc: {  	v33 =	vmul.f32 v33, v35;
	v59 =	vmul.f32 v57, v56  }
0xbd: {  	v35 =	vor.u32 v13, v28;
	(erf) = vpow2.f32 v58  }
0xbe: {  	v61 =	vor.u32 $0x1, v35;
	v33 =	vmul.f32 v33, v45;
	v60 =	vmul.f32 v59, v41  }
0xbf: {  	v62 =	vor.u32 $0x2, v35  }
0xc0: {  	v37 =	vld.idx.msk [tilespmem:v37+s21+$0x0], $0xffff;
	v33 =	vadd.f32 v60, v33;
	_ =	sdelay $0x1  }
0xc1: {  	v33 =	vmul.f32 v33, v48  }
0xc2: {  	v39 =	vld.idx.msk [tilespmem:v61+s21+$0x0], $0xffff;
	v63 =	vpop (erf)  }
0xc3: {  	v29 =	vsel vm11, v33, v29;
	v34 =	vld.idx.msk [tilespmem:v62+s21+$0x0], $0xffff;
	v48 =	vpop (erf)  }
0xc4: {  	v37 =	vsub.f32 v30, v37;
	v33 =	vmul.f32 v29, v48  }
0xc5: {  	v49 =	vpop (erf)  }
0xc6: {  	v37 =	vand.u32 $0x7FFFFFFF, v37;
	v41 =	vmul.f32 v29, v49;
	v50 =	vadd.f32 v33, v49  }
0xc7: {  	v37 =	vmul.f32 v37, v21  }
0xc8: {  	v51 =	vsub.f32 v34, v39;
	v41 =	vsub.f32 v50, v41  }
0xc9: {  	v37 =	vmin.f32 v37, $1.000000000e+00  }
0xca: {  	v53 =	vmul.f32 v39, v24;
	v54 =	vmul.f32 v51, v25;
	v52 =	vsub.f32 $1.000000000e+00, v41  }
0xcb: {  	vm13 =	vgt.f32 v32, $0.0e+00;
	v37 =	vmul.f32 v44, v37;
	v39 =	vmul.f32 v39, v25  }
0xcc: {  	v42 =	vmul.f32 v51, v24;
	v32 =	vadd.f32 v54, v53;
	v44 =	vnsel vm13, $0x3F800000, v52  }
0xcd: {  	v37 =	vsub.f32 $1.000000000e+00, v37;
	v55 =	vmul.f32 v44, v41  }
0xce: {  	v39 =	vadd.f32 v42, v39;
	v32 =	vmul.f32 $1.442695020e+00, v32  }
0xcf: {  	v56 =	vsub.f32 v30, v31;
	v57 =	vsub.f32 $1.000000000e+00, v37;
	(erf) = vrcp.f32 v55  }
0xd0: {  	v58 =	vmul.f32 $1.442695020e+00, v39;
	(erf) = vpow2.f32 v32  }
0xd1: {  	v31 =	vmul.f32 v37, v31;
	v59 =	vmul.f32 v57, v56  }
0xd2: {  	v37 =	vor.u32 v13, v26;
	(erf) = vpow2.f32 v58  }
0xd3: {  	v61 =	vor.u32 $0x1, v37;
	v31 =	vmul.f32 v31, v43;
	v60 =	vmul.f32 v59, v40  }
0xd4: {  	v62 =	vor.u32 $0x2, v37  }
0xd5: {  	v36 =	vld.idx.msk [tilespmem:v36+s21+$0x0], $0xffff;
	v31 =	vadd.f32 v60, v31;
	_ =	sdelay $0x1  }
0xd6: {  	v31 =	vmul.f32 v31, v63  }
0xd7: {  	v39 =	vld.idx.msk [tilespmem:v61+s21+$0x0], $0xffff;
	v63 =	vpop (erf)  }
0xd8: {  	v30 =	vsel vm12, v31, v30;
	v32 =	vld.idx.msk [tilespmem:v62+s21+$0x0], $0xffff;
	v43 =	vpop (erf)  }
0xd9: {  	v36 =	vsub.f32 v29, v36;
	v31 =	vmul.f32 v30, v43  }
0xda: {  	v46 =	vpop (erf)  }
0xdb: {  	v36 =	vand.u32 $0x7FFFFFFF, v36;
	v40 =	vmul.f32 v30, v46;
	v47 =	vadd.f32 v31, v46  }
0xdc: {  	v36 =	vmul.f32 v36, v27  }
0xdd: {  	v48 =	vsub.f32 v32, v39;
	v40 =	vsub.f32 v47, v40  }
0xde: {  	v36 =	vmin.f32 v36, $1.000000000e+00  }
0xdf: {  	v49 =	vmul.f32 v39, v22;
	v50 =	vmul.f32 v48, v23;
	v43 =	vsub.f32 $1.000000000e+00, v40  }
0xe0: {  	vm14 =	vgt.f32 v34, $0.0e+00;
	v36 =	vmul.f32 v52, v36;
	v39 =	vmul.f32 v39, v23  }
0xe1: {  	v42 =	vmul.f32 v48, v22;
	v34 =	vadd.f32 v50, v49;
	v45 =	vnsel vm14, $0x3F800000, v43  }
0xe2: {  	v36 =	vsub.f32 $1.000000000e+00, v36;
	v51 =	vmul.f32 v45, v40  }
0xe3: {  	v39 =	vadd.f32 v42, v39;
	v34 =	vmul.f32 $1.442695020e+00, v34  }
0xe4: {  	v52 =	vsub.f32 v29, v33;
	v53 =	vsub.f32 $1.000000000e+00, v36;
	(erf) = vrcp.f32 v51  }
0xe5: {  	v54 =	vmul.f32 $1.442695020e+00, v39;
	(erf) = vpow2.f32 v34  }
0xe6: {  	v33 =	vmul.f32 v36, v33;
	v55 =	vmul.f32 v53, v52  }
0xe7: {  	v36 =	vor.u32 v12, v28;
	(erf) = vpow2.f32 v54  }
0xe8: {  	v57 =	vor.u32 $0x1, v36;
	v33 =	vmul.f32 v33, v44;
	v56 =	vmul.f32 v55, v41  }
0xe9: {  	v58 =	vor.u32 $0x2, v36  }
0xea: {  	v35 =	vld.idx.msk [tilespmem:v35+s21+$0x0], $0xffff;
	v33 =	vadd.f32 v56, v33;
	_ =	sdelay $0x1  }
0xeb: {  	v33 =	vmul.f32 v33, v63  }
0xec: {  	v39 =	vld.idx.msk [tilespmem:v57+s21+$0x0], $0xffff;
	v59 =	vpop (erf)  }
0xed: {  	v29 =	vsel vm13, v33, v29;
	v34 =	vld.idx.msk [tilespmem:v58+s21+$0x0], $0xffff;
	v60 =	vpop (erf)  }
0xee: {  	v35 =	vsub.f32 v30, v35;
	v33 =	vmul.f32 v29, v60  }
0xef: {  	v61 =	vpop (erf)  }
0xf0: {  	v35 =	vand.u32 $0x7FFFFFFF, v35;
	v41 =	vmul.f32 v29, v61;
	v62 =	vadd.f32 v33, v61  }
0xf1: {  	v35 =	vmul.f32 v35, v21  }
0xf2: {  	v63 =	vsub.f32 v34, v39;
	v41 =	vsub.f32 v62, v41  }
0xf3: {  	v35 =	vmin.f32 v35, $1.000000000e+00  }
0xf4: {  	v48 =	vmul.f32 v39, v24;
	v49 =	vmul.f32 v63, v25;
	v44 =	vsub.f32 $1.000000000e+00, v41  }
0xf5: {  	vm15 =	vgt.f32 v32, $0.0e+00;
	v35 =	vmul.f32 v43, v35;
	v39 =	vmul.f32 v39, v25  }
0xf6: {  	v42 =	vmul.f32 v63, v24;
	v32 =	vadd.f32 v49, v48;
	v43 =	vnsel vm15, $0x3F800000, v44  }
0xf7: {  	v35 =	vsub.f32 $1.000000000e+00, v35;
	v50 =	vmul.f32 v43, v41  }
0xf8: {  	v39 =	vadd.f32 v42, v39;
	v32 =	vmul.f32 $1.442695020e+00, v32  }
0xf9: {  	v51 =	vsub.f32 v30, v31;
	v52 =	vsub.f32 $1.000000000e+00, v35;
	(erf) = vrcp.f32 v50  }
0xfa: {  	v53 =	vmul.f32 $1.442695020e+00, v39;
	(erf) = vpow2.f32 v32  }
0xfb: {  	v31 =	vmul.f32 v35, v31;
	v54 =	vmul.f32 v52, v51  }
0xfc: {  	v35 =	vor.u32 v12, v26;
	(erf) = vpow2.f32 v53  }
0xfd: {  	v56 =	vor.u32 $0x1, v35;
	v31 =	vmul.f32 v31, v45;
	v55 =	vmul.f32 v54, v40  }
0xfe: {  	v57 =	vor.u32 $0x2, v35  }
0xff: {  	v37 =	vld.idx.msk [tilespmem:v37+s21+$0x0], $0xffff;
	v31 =	vadd.f32 v55, v31;
	_ =	sdelay $0x1  }
0x100: {  	v31 =	vmul.f32 v31, v59  }
0x101: {  	v39 =	vld.idx.msk [tilespmem:v56+s21+$0x0], $0xffff;
	v58 =	vpop (erf)  }
0x102: {  	v30 =	vsel vm14, v31, v30;
	v32 =	vld.idx.msk [tilespmem:v57+s21+$0x0], $0xffff;
	v59 =	vpop (erf)  }
0x103: {  	v37 =	vsub.f32 v29, v37;
	v31 =	vmul.f32 v30, v59  }
0x104: {  	v60 =	vpop (erf)  }
0x105: {  	v37 =	vand.u32 $0x7FFFFFFF, v37;
	v40 =	vmul.f32 v30, v60;
	v61 =	vadd.f32 v31, v60  }
0x106: {  	v37 =	vmul.f32 v37, v27  }
0x107: {  	v62 =	vsub.f32 v32, v39;
	v40 =	vsub.f32 v61, v40  }
0x108: {  	v37 =	vmin.f32 v37, $1.000000000e+00  }
0x109: {  	v63 =	vmul.f32 v39, v22;
	v48 =	vmul.f32 v62, v23;
	v45 =	vsub.f32 $1.000000000e+00, v40  }
0x10a: {  	vm4 =	vgt.f32 v34, $0.0e+00;
	v37 =	vmul.f32 v44, v37;
	v39 =	vmul.f32 v39, v23  }
0x10b: {  	v42 =	vmul.f32 v62, v22;
	v34 =	vadd.f32 v48, v63;
	v44 =	vnsel vm4, $0x3F800000, v45  }
0x10c: {  	v37 =	vsub.f32 $1.000000000e+00, v37;
	v49 =	vmul.f32 v44, v40  }
0x10d: {  	v39 =	vadd.f32 v42, v39;
	v34 =	vmul.f32 $1.442695020e+00, v34  }
0x10e: {  	v50 =	vsub.f32 v29, v33;
	v51 =	vsub.f32 $1.000000000e+00, v37;
	(erf) = vrcp.f32 v49  }
0x10f: {  	v52 =	vmul.f32 $1.442695020e+00, v39;
	(erf) = vpow2.f32 v34  }
0x110: {  	v33 =	vmul.f32 v37, v33;
	v53 =	vmul.f32 v51, v50  }
0x111: {  	v37 =	vor.u32 v11, v28;
	(erf) = vpow2.f32 v52  }
0x112: {  	v55 =	vor.u32 $0x1, v37;
	v33 =	vmul.f32 v33, v43;
	v54 =	vmul.f32 v53, v41  }
0x113: {  	v56 =	vor.u32 $0x2, v37  }
0x114: {  	v36 =	vld.idx.msk [tilespmem:v36+s21+$0x0], $0xffff;
	v33 =	vadd.f32 v54, v33;
	_ =	sdelay $0x1  }
0x115: {  	v33 =	vmul.f32 v33, v58  }
0x116: {  	v39 =	vld.idx.msk [tilespmem:v55+s21+$0x0], $0xffff;
	v57 =	vpop (erf)  }
0x117: {  	v29 =	vsel vm15, v33, v29;
	v34 =	vld.idx.msk [tilespmem:v56+s21+$0x0], $0xffff;
	v58 =	vpop (erf)  }
0x118: {  	v36 =	vsub.f32 v30, v36;
	v33 =	vmul.f32 v29, v58  }
0x119: {  	v59 =	vpop (erf)  }
0x11a: {  	v36 =	vand.u32 $0x7FFFFFFF, v36;
	v41 =	vmul.f32 v29, v59;
	v60 =	vadd.f32 v33, v59  }
0x11b: {  	v36 =	vmul.f32 v36, v21  }
0x11c: {  	v61 =	vsub.f32 v34, v39;
	v41 =	vsub.f32 v60, v41  }
0x11d: {  	v36 =	vmin.f32 v36, $1.000000000e+00  }
0x11e: {  	v62 =	vmul.f32 v39, v24;
	v63 =	vmul.f32 v61, v25;
	v43 =	vsub.f32 $1.000000000e+00, v41  }
0x11f: {  	vm5 =	vgt.f32 v32, $0.0e+00;
	v36 =	vmul.f32 v45, v36;
	v39 =	vmul.f32 v39, v25  }
0x120: {  	v42 =	vmul.f32 v61, v24;
	v32 =	vadd.f32 v63, v62;
	v45 =	vnsel vm5, $0x3F800000, v43  }
0x121: {  	v36 =	vsub.f32 $1.000000000e+00, v36;
	v48 =	vmul.f32 v45, v41  }
0x122: {  	v39 =	vadd.f32 v42, v39;
	v32 =	vmul.f32 $1.442695020e+00, v32  }
0x123: {  	v49 =	vsub.f32 v30, v31;
	v50 =	vsub.f32 $1.000000000e+00, v36;
	(erf) = vrcp.f32 v48  }
0x124: {  	v51 =	vmul.f32 $1.442695020e+00, v39;
	(erf) = vpow2.f32 v32  }
0x125: {  	v31 =	vmul.f32 v36, v31;
	v52 =	vmul.f32 v50, v49  }
0x126: {  	v36 =	vor.u32 v11, v26;
	(erf) = vpow2.f32 v51  }
0x127: {  	v54 =	vor.u32 $0x1, v36;
	v31 =	vmul.f32 v31, v44;
	v53 =	vmul.f32 v52, v40  }
0x128: {  	v55 =	vor.u32 $0x2, v36  }
0x129: {  	v35 =	vld.idx.msk [tilespmem:v35+s21+$0x0], $0xffff;
	v31 =	vadd.f32 v53, v31;
	_ =	sdelay $0x1  }
0x12a: {  	v31 =	vmul.f32 v31, v57  }
0x12b: {  	v39 =	vld.idx.msk [tilespmem:v54+s21+$0x0], $0xffff;
	v56 =	vpop (erf)  }
0x12c: {  	v30 =	vsel vm4, v31, v30;
	v32 =	vld.idx.msk [tilespmem:v55+s21+$0x0], $0xffff;
	v57 =	vpop (erf)  }
0x12d: {  	v35 =	vsub.f32 v29, v35;
	v31 =	vmul.f32 v30, v57  }
0x12e: {  	v58 =	vpop (erf)  }
0x12f: {  	v35 =	vand.u32 $0x7FFFFFFF, v35;
	v40 =	vmul.f32 v30, v58;
	v59 =	vadd.f32 v31, v58  }
0x130: {  	v35 =	vmul.f32 v35, v27  }
0x131: {  	v60 =	vsub.f32 v32, v39;
	v40 =	vsub.f32 v59, v40  }
0x132: {  	v35 =	vmin.f32 v35, $1.000000000e+00  }
0x133: {  	v61 =	vmul.f32 v39, v22;
	v62 =	vmul.f32 v60, v23;
	v44 =	vsub.f32 $1.000000000e+00, v40  }
0x134: {  	vm6 =	vgt.f32 v34, $0.0e+00;
	v35 =	vmul.f32 v43, v35;
	v39 =	vmul.f32 v39, v23  }
0x135: {  	v42 =	vmul.f32 v60, v22;
	v34 =	vadd.f32 v62, v61;
	v43 =	vnsel vm6, $0x3F800000, v44  }
0x136: {  	v35 =	vsub.f32 $1.000000000e+00, v35;
	v63 =	vmul.f32 v43, v40  }
0x137: {  	v39 =	vadd.f32 v42, v39;
	v34 =	vmul.f32 $1.442695020e+00, v34  }
0x138: {  	v48 =	vsub.f32 v29, v33;
	v49 =	vsub.f32 $1.000000000e+00, v35;
	(erf) = vrcp.f32 v63  }
0x139: {  	v50 =	vmul.f32 $1.442695020e+00, v39;
	(erf) = vpow2.f32 v34  }
0x13a: {  	v33 =	vmul.f32 v35, v33;
	v51 =	vmul.f32 v49, v48  }
0x13b: {  	v35 =	vor.u32 v10, v28;
	(erf) = vpow2.f32 v50  }
0x13c: {  	v53 =	vor.u32 $0x1, v35;
	v33 =	vmul.f32 v33, v45;
	v52 =	vmul.f32 v51, v41  }
0x13d: {  	v54 =	vor.u32 $0x2, v35  }
0x13e: {  	v37 =	vld.idx.msk [tilespmem:v37+s21+$0x0], $0xffff;
	v33 =	vadd.f32 v52, v33;
	_ =	sdelay $0x1  }
0x13f: {  	v33 =	vmul.f32 v33, v56  }
0x140: {  	v39 =	vld.idx.msk [tilespmem:v53+s21+$0x0], $0xffff;
	v55 =	vpop (erf)  }
0x141: {  	v29 =	vsel vm5, v33, v29;
	v34 =	vld.idx.msk [tilespmem:v54+s21+$0x0], $0xffff;
	v56 =	vpop (erf)  }
0x142: {  	v37 =	vsub.f32 v30, v37;
	v33 =	vmul.f32 v29, v56  }
0x143: {  	v57 =	vpop (erf)  }
0x144: {  	v37 =	vand.u32 $0x7FFFFFFF, v37;
	v41 =	vmul.f32 v29, v57;
	v58 =	vadd.f32 v33, v57  }
0x145: {  	v37 =	vmul.f32 v37, v21  }
0x146: {  	v59 =	vsub.f32 v34, v39;
	v41 =	vsub.f32 v58, v41  }
0x147: {  	v37 =	vmin.f32 v37, $1.000000000e+00  }
0x148: {  	v60 =	vmul.f32 v39, v24;
	v61 =	vmul.f32 v59, v25;
	v45 =	vsub.f32 $1.000000000e+00, v41  }
0x149: {  	vm7 =	vgt.f32 v32, $0.0e+00;
	v37 =	vmul.f32 v44, v37;
	v39 =	vmul.f32 v39, v25  }
0x14a: {  	v42 =	vmul.f32 v59, v24;
	v32 =	vadd.f32 v61, v60;
	v44 =	vnsel vm7, $0x3F800000, v45  }
0x14b: {  	v37 =	vsub.f32 $1.000000000e+00, v37;
	v62 =	vmul.f32 v44, v41  }
0x14c: {  	v39 =	vadd.f32 v42, v39;
	v32 =	vmul.f32 $1.442695020e+00, v32  }
0x14d: {  	v63 =	vsub.f32 v30, v31;
	v48 =	vsub.f32 $1.000000000e+00, v37;
	(erf) = vrcp.f32 v62  }
0x14e: {  	v49 =	vmul.f32 $1.442695020e+00, v39;
	(erf) = vpow2.f32 v32  }
0x14f: {  	v31 =	vmul.f32 v37, v31;
	v50 =	vmul.f32 v48, v63  }
0x150: {  	v37 =	vor.u32 v10, v26;
	(erf) = vpow2.f32 v49  }
0x151: {  	v52 =	vor.u32 $0x1, v37;
	v31 =	vmul.f32 v31, v43;
	v51 =	vmul.f32 v50, v40  }
0x152: {  	v53 =	vor.u32 $0x2, v37  }
0x153: {  	v36 =	vld.idx.msk [tilespmem:v36+s21+$0x0], $0xffff;
	v31 =	vadd.f32 v51, v31;
	_ =	sdelay $0x1  }
0x154: {  	v31 =	vmul.f32 v31, v55  }
0x155: {  	v39 =	vld.idx.msk [tilespmem:v52+s21+$0x0], $0xffff;
	v54 =	vpop (erf)  }
0x156: {  	v30 =	vsel vm6, v31, v30;
	v32 =	vld.idx.msk [tilespmem:v53+s21+$0x0], $0xffff;
	v55 =	vpop (erf)  }
0x157: {  	v36 =	vsub.f32 v29, v36;
	v31 =	vmul.f32 v30, v55  }
0x158: {  	v56 =	vpop (erf)  }
0x159: {  	v36 =	vand.u32 $0x7FFFFFFF, v36;
	v40 =	vmul.f32 v30, v56;
	v57 =	vadd.f32 v31, v56  }
0x15a: {  	v36 =	vmul.f32 v36, v27  }
0x15b: {  	v58 =	vsub.f32 v32, v39;
	v40 =	vsub.f32 v57, v40  }
0x15c: {  	v36 =	vmin.f32 v36, $1.000000000e+00  }
0x15d: {  	v59 =	vmul.f32 v39, v22;
	v60 =	vmul.f32 v58, v23;
	v43 =	vsub.f32 $1.000000000e+00, v40  }
0x15e: {  	vm8 =	vgt.f32 v34, $0.0e+00;
	v36 =	vmul.f32 v45, v36;
	v39 =	vmul.f32 v39, v23  }
0x15f: {  	v42 =	vmul.f32 v58, v22;
	v34 =	vadd.f32 v60, v59;
	v45 =	vnsel vm8, $0x3F800000, v43  }
0x160: {  	v36 =	vsub.f32 $1.000000000e+00, v36;
	v61 =	vmul.f32 v45, v40  }
0x161: {  	v39 =	vadd.f32 v42, v39;
	v34 =	vmul.f32 $1.442695020e+00, v34  }
0x162: {  	v62 =	vsub.f32 v29, v33;
	v63 =	vsub.f32 $1.000000000e+00, v36;
	(erf) = vrcp.f32 v61  }
0x163: {  	v47 =	vmul.f32 $1.442695020e+00, v39;
	(erf) = vpow2.f32 v34  }
0x164: {  	v33 =	vmul.f32 v36, v33;
	v48 =	vmul.f32 v63, v62  }
0x165: {  	v36 =	vor.u32 v9, v28;
	(erf) = vpow2.f32 v47  }
0x166: {  	v50 =	vor.u32 $0x1, v36;
	v33 =	vmul.f32 v33, v44;
	v49 =	vmul.f32 v48, v41  }
0x167: {  	v51 =	vor.u32 $0x2, v36  }
0x168: {  	v35 =	vld.idx.msk [tilespmem:v35+s21+$0x0], $0xffff;
	v33 =	vadd.f32 v49, v33;
	_ =	sdelay $0x1  }
0x169: {  	v33 =	vmul.f32 v33, v54  }
0x16a: {  	v39 =	vld.idx.msk [tilespmem:v50+s21+$0x0], $0xffff;
	v52 =	vpop (erf)  }
0x16b: {  	v29 =	vsel vm7, v33, v29;
	v34 =	vld.idx.msk [tilespmem:v51+s21+$0x0], $0xffff;
	v53 =	vpop (erf)  }
0x16c: {  	v35 =	vsub.f32 v30, v35;
	v33 =	vmul.f32 v29, v53  }
0x16d: {  	v54 =	vpop (erf)  }
0x16e: {  	v35 =	vand.u32 $0x7FFFFFFF, v35;
	v41 =	vmul.f32 v29, v54;
	v55 =	vadd.f32 v33, v54  }
0x16f: {  	v35 =	vmul.f32 v35, v21  }
0x170: {  	v56 =	vsub.f32 v34, v39;
	v41 =	vsub.f32 v55, v41  }
0x171: {  	v35 =	vmin.f32 v35, $1.000000000e+00  }
0x172: {  	v58 =	vmul.f32 v39, v24;
	v59 =	vmul.f32 v56, v25;
	v57 =	vsub.f32 $1.000000000e+00, v41  }
0x173: {  	vm9 =	vgt.f32 v32, $0.0e+00;
	v35 =	vmul.f32 v43, v35;
	v39 =	vmul.f32 v39, v25  }
0x174: {  	v42 =	vmul.f32 v56, v24;
	v32 =	vadd.f32 v59, v58;
	v60 =	vnsel vm9, $0x3F800000, v57  }
0x175: {  	v35 =	vsub.f32 $1.000000000e+00, v35;
	v61 =	vmul.f32 v60, v41  }
0x176: {  	v39 =	vadd.f32 v42, v39;
	v32 =	vmul.f32 $1.442695020e+00, v32  }
0x177: {  	v62 =	vsub.f32 v30, v31;
	v63 =	vsub.f32 $1.000000000e+00, v35;
	(erf) = vrcp.f32 v61  }
0x178: {  	v39 =	vmul.f32 $1.442695020e+00, v39;
	(erf) = vpow2.f32 v32  }
0x179: {  	v31 =	vmul.f32 v35, v31;
	v42 =	vmul.f32 v63, v62  }
0x17a: {  	v35 =	vor.u32 v9, v26;
	(erf) = vpow2.f32 v39  }
0x17b: {  	v47 =	vor.u32 $0x2, v35;
	v31 =	vmul.f32 v31, v45;
	v45 =	vmul.f32 v42, v40  }
0x17c: {  	v46 =	vor.u32 $0x1, v35  }
0x17d: {  	v37 =	vld.idx.msk [tilespmem:v37+s21+$0x0], $0xffff;
	v31 =	vadd.f32 v45, v31;
	_ =	sdelay $0x1  }
0x17e: {  	v31 =	vmul.f32 v31, v52  }
0x17f: {  	v32 =	vld.idx.msk [tilespmem:v47+s21+$0x0], $0xffff;
	v48 =	vpop (erf)  }
0x180: {  	v30 =	vsel vm8, v31, v30;
	v39 =	vld.idx.msk [tilespmem:v46+s21+$0x0], $0xffff;
	v49 =	vpop (erf)  }
0x181: {  	v37 =	vsub.f32 v29, v37;
	v31 =	vmul.f32 v30, v49  }
0x182: {  	v50 =	vpop (erf)  }
0x183: {  	v37 =	vand.u32 $0x7FFFFFFF, v37;
	v40 =	vmul.f32 v30, v50;
	v51 =	vadd.f32 v31, v50  }
0x184: {  	v37 =	vmul.f32 v37, v27  }
0x185: {  	v52 =	vsub.f32 v32, v39;
	v40 =	vsub.f32 v51, v40  }
0x186: {  	v37 =	vmin.f32 v37, $1.000000000e+00  }
0x187: {  	v53 =	vmul.f32 v39, v22;
	v54 =	vmul.f32 v52, v23;
	v45 =	vsub.f32 $1.000000000e+00, v40  }
0x188: {  	vm10 =	vgt.f32 v34, $0.0e+00;
	v37 =	vmul.f32 v57, v37;
	v39 =	vmul.f32 v39, v23  }
0x189: {  	v42 =	vmul.f32 v52, v22;
	v34 =	vadd.f32 v54, v53;
	v44 =	vnsel vm10, $0x3F800000, v45  }
0x18a: {  	v37 =	vsub.f32 $1.000000000e+00, v37;
	v55 =	vmul.f32 v44, v40  }
0x18b: {  	v39 =	vadd.f32 v42, v39;
	v34 =	vmul.f32 $1.442695020e+00, v34  }
0x18c: {  	v56 =	vsub.f32 v29, v33;
	v57 =	vsub.f32 $1.000000000e+00, v37;
	(erf) = vrcp.f32 v55  }
0x18d: {  	v58 =	vmul.f32 $1.442695020e+00, v39;
	(erf) = vpow2.f32 v34  }
0x18e: {  	v33 =	vmul.f32 v37, v33;
	v59 =	vmul.f32 v57, v56  }
0x18f: {  	v37 =	vor.u32 v8, v28;
	(erf) = vpow2.f32 v58  }
0x190: {  	v61 =	vor.u32 $0x1, v37;
	v33 =	vmul.f32 v33, v60;
	v60 =	vmul.f32 v59, v41  }
0x191: {  	v62 =	vor.u32 $0x2, v37  }
0x192: {  	v36 =	vld.idx.msk [tilespmem:v36+s21+$0x0], $0xffff;
	v33 =	vadd.f32 v60, v33;
	_ =	sdelay $0x1  }
0x193: {  	v33 =	vmul.f32 v33, v48  }
0x194: {  	v39 =	vld.idx.msk [tilespmem:v61+s21+$0x0], $0xffff;
	v63 =	vpop (erf)  }
0x195: {  	v29 =	vsel vm9, v33, v29;
	v34 =	vld.idx.msk [tilespmem:v62+s21+$0x0], $0xffff;
	v48 =	vpop (erf)  }
0x196: {  	v36 =	vsub.f32 v30, v36;
	v33 =	vmul.f32 v29, v48  }
0x197: {  	v49 =	vpop (erf)  }
0x198: {  	v36 =	vand.u32 $0x7FFFFFFF, v36;
	v41 =	vmul.f32 v29, v49;
	v50 =	vadd.f32 v33, v49  }
0x199: {  	v36 =	vmul.f32 v36, v21  }
0x19a: {  	v51 =	vsub.f32 v34, v39;
	v41 =	vsub.f32 v50, v41  }
0x19b: {  	v36 =	vmin.f32 v36, $1.000000000e+00  }
0x19c: {  	v53 =	vmul.f32 v39, v24;
	v54 =	vmul.f32 v51, v25;
	v52 =	vsub.f32 $1.000000000e+00, v41  }
0x19d: {  	vm11 =	vgt.f32 v32, $0.0e+00;
	v36 =	vmul.f32 v45, v36;
	v39 =	vmul.f32 v39, v25  }
0x19e: {  	v42 =	vmul.f32 v51, v24;
	v32 =	vadd.f32 v54, v53;
	v45 =	vnsel vm11, $0x3F800000, v52  }
0x19f: {  	v36 =	vsub.f32 $1.000000000e+00, v36;
	v55 =	vmul.f32 v45, v41  }
0x1a0: {  	v39 =	vadd.f32 v42, v39;
	v32 =	vmul.f32 $1.442695020e+00, v32  }
0x1a1: {  	v56 =	vsub.f32 v30, v31;
	v57 =	vsub.f32 $1.000000000e+00, v36;
	(erf) = vrcp.f32 v55  }
0x1a2: {  	v58 =	vmul.f32 $1.442695020e+00, v39;
	(erf) = vpow2.f32 v32  }
0x1a3: {  	v31 =	vmul.f32 v36, v31;
	v59 =	vmul.f32 v57, v56  }
0x1a4: {  	v36 =	vor.u32 v8, v26;
	(erf) = vpow2.f32 v58  }
0x1a5: {  	v61 =	vor.u32 $0x1, v36;
	v31 =	vmul.f32 v31, v44;
	v60 =	vmul.f32 v59, v40  }
0x1a6: {  	v62 =	vor.u32 $0x2, v36  }
0x1a7: {  	v35 =	vld.idx.msk [tilespmem:v35+s21+$0x0], $0xffff;
	v31 =	vadd.f32 v60, v31;
	_ =	sdelay $0x1  }
0x1a8: {  	v31 =	vmul.f32 v31, v63  }
0x1a9: {  	v39 =	vld.idx.msk [tilespmem:v61+s21+$0x0], $0xffff;
	v63 =	vpop (erf)  }
0x1aa: {  	v30 =	vsel vm10, v31, v30;
	v32 =	vld.idx.msk [tilespmem:v62+s21+$0x0], $0xffff;
	v44 =	vpop (erf)  }
0x1ab: {  	v35 =	vsub.f32 v29, v35;
	v31 =	vmul.f32 v30, v44  }
0x1ac: {  	v46 =	vpop (erf)  }
0x1ad: {  	v35 =	vand.u32 $0x7FFFFFFF, v35;
	v40 =	vmul.f32 v30, v46;
	v47 =	vadd.f32 v31, v46  }
0x1ae: {  	v35 =	vmul.f32 v35, v27  }
0x1af: {  	v48 =	vsub.f32 v32, v39;
	v40 =	vsub.f32 v47, v40  }
0x1b0: {  	v35 =	vmin.f32 v35, $1.000000000e+00  }
0x1b1: {  	v49 =	vmul.f32 v39, v22;
	v50 =	vmul.f32 v48, v23;
	v44 =	vsub.f32 $1.000000000e+00, v40  }
0x1b2: {  	vm12 =	vgt.f32 v34, $0.0e+00;
	v35 =	vmul.f32 v52, v35;
	v39 =	vmul.f32 v39, v23  }
0x1b3: {  	v42 =	vmul.f32 v48, v22;
	v34 =	vadd.f32 v50, v49;
	v43 =	vnsel vm12, $0x3F800000, v44  }
0x1b4: {  	v35 =	vsub.f32 $1.000000000e+00, v35;
	v51 =	vmul.f32 v43, v40  }
0x1b5: {  	v39 =	vadd.f32 v42, v39;
	v34 =	vmul.f32 $1.442695020e+00, v34  }
0x1b6: {  	v52 =	vsub.f32 v29, v33;
	v53 =	vsub.f32 $1.000000000e+00, v35;
	(erf) = vrcp.f32 v51  }
0x1b7: {  	v54 =	vmul.f32 $1.442695020e+00, v39;
	(erf) = vpow2.f32 v34  }
0x1b8: {  	v33 =	vmul.f32 v35, v33;
	v55 =	vmul.f32 v53, v52  }
0x1b9: {  	v35 =	vor.u32 v7, v28;
	(erf) = vpow2.f32 v54  }
0x1ba: {  	v57 =	vor.u32 $0x1, v35;
	v33 =	vmul.f32 v33, v45;
	v56 =	vmul.f32 v55, v41  }
0x1bb: {  	v58 =	vor.u32 $0x2, v35  }
0x1bc: {  	v37 =	vld.idx.msk [tilespmem:v37+s21+$0x0], $0xffff;
	v33 =	vadd.f32 v56, v33;
	_ =	sdelay $0x1  }
0x1bd: {  	v33 =	vmul.f32 v33, v63  }
0x1be: {  	v39 =	vld.idx.msk [tilespmem:v57+s21+$0x0], $0xffff;
	v59 =	vpop (erf)  }
0x1bf: {  	v29 =	vsel vm11, v33, v29;
	v34 =	vld.idx.msk [tilespmem:v58+s21+$0x0], $0xffff;
	v60 =	vpop (erf)  }
0x1c0: {  	v37 =	vsub.f32 v30, v37;
	v33 =	vmul.f32 v29, v60  }
0x1c1: {  	v61 =	vpop (erf)  }
0x1c2: {  	v37 =	vand.u32 $0x7FFFFFFF, v37;
	v41 =	vmul.f32 v29, v61;
	v62 =	vadd.f32 v33, v61  }
0x1c3: {  	v37 =	vmul.f32 v37, v21  }
0x1c4: {  	v63 =	vsub.f32 v34, v39;
	v41 =	vsub.f32 v62, v41  }
0x1c5: {  	v37 =	vmin.f32 v37, $1.000000000e+00  }
0x1c6: {  	v48 =	vmul.f32 v39, v24;
	v49 =	vmul.f32 v63, v25;
	v45 =	vsub.f32 $1.000000000e+00, v41  }
0x1c7: {  	vm13 =	vgt.f32 v32, $0.0e+00;
	v37 =	vmul.f32 v44, v37;
	v39 =	vmul.f32 v39, v25  }
0x1c8: {  	v42 =	vmul.f32 v63, v24;
	v32 =	vadd.f32 v49, v48;
	v44 =	vnsel vm13, $0x3F800000, v45  }
0x1c9: {  	v37 =	vsub.f32 $1.000000000e+00, v37;
	v50 =	vmul.f32 v44, v41  }
0x1ca: {  	v39 =	vadd.f32 v42, v39;
	v32 =	vmul.f32 $1.442695020e+00, v32  }
0x1cb: {  	v51 =	vsub.f32 v30, v31;
	v52 =	vsub.f32 $1.000000000e+00, v37;
	(erf) = vrcp.f32 v50  }
0x1cc: {  	v53 =	vmul.f32 $1.442695020e+00, v39;
	(erf) = vpow2.f32 v32  }
0x1cd: {  	v31 =	vmul.f32 v37, v31;
	v54 =	vmul.f32 v52, v51  }
0x1ce: {  	v37 =	vor.u32 v7, v26;
	(erf) = vpow2.f32 v53  }
0x1cf: {  	v56 =	vor.u32 $0x1, v37;
	v31 =	vmul.f32 v31, v43;
	v55 =	vmul.f32 v54, v40  }
0x1d0: {  	v57 =	vor.u32 $0x2, v37  }
0x1d1: {  	v36 =	vld.idx.msk [tilespmem:v36+s21+$0x0], $0xffff;
	v31 =	vadd.f32 v55, v31;
	_ =	sdelay $0x1  }
0x1d2: {  	v31 =	vmul.f32 v31, v59  }
0x1d3: {  	v39 =	vld.idx.msk [tilespmem:v56+s21+$0x0], $0xffff;
	v58 =	vpop (erf)  }
0x1d4: {  	v30 =	vsel vm12, v31, v30;
	v32 =	vld.idx.msk [tilespmem:v57+s21+$0x0], $0xffff;
	v59 =	vpop (erf)  }
0x1d5: {  	v36 =	vsub.f32 v29, v36;
	v31 =	vmul.f32 v30, v59  }
0x1d6: {  	v60 =	vpop (erf)  }
0x1d7: {  	v36 =	vand.u32 $0x7FFFFFFF, v36;
	v40 =	vmul.f32 v30, v60;
	v61 =	vadd.f32 v31, v60  }
0x1d8: {  	v36 =	vmul.f32 v36, v27  }
0x1d9: {  	v62 =	vsub.f32 v32, v39;
	v40 =	vsub.f32 v61, v40  }
0x1da: {  	v36 =	vmin.f32 v36, $1.000000000e+00  }
0x1db: {  	v63 =	vmul.f32 v39, v22;
	v48 =	vmul.f32 v62, v23;
	v43 =	vsub.f32 $1.000000000e+00, v40  }
0x1dc: {  	vm14 =	vgt.f32 v34, $0.0e+00;
	v36 =	vmul.f32 v45, v36;
	v39 =	vmul.f32 v39, v23  }
0x1dd: {  	v42 =	vmul.f32 v62, v22;
	v34 =	vadd.f32 v48, v63;
	v45 =	vnsel vm14, $0x3F800000, v43  }
0x1de: {  	v36 =	vsub.f32 $1.000000000e+00, v36;
	v49 =	vmul.f32 v45, v40  }
0x1df: {  	v39 =	vadd.f32 v42, v39;
	v34 =	vmul.f32 $1.442695020e+00, v34  }
0x1e0: {  	v50 =	vsub.f32 v29, v33;
	v51 =	vsub.f32 $1.000000000e+00, v36;
	(erf) = vrcp.f32 v49  }
0x1e1: {  	v52 =	vmul.f32 $1.442695020e+00, v39;
	(erf) = vpow2.f32 v34  }
0x1e2: {  	v33 =	vmul.f32 v36, v33;
	v53 =	vmul.f32 v51, v50  }
0x1e3: {  	v36 =	vor.u32 v6, v28;
	(erf) = vpow2.f32 v52  }
0x1e4: {  	v55 =	vor.u32 $0x1, v36;
	v33 =	vmul.f32 v33, v44;
	v54 =	vmul.f32 v53, v41  }
0x1e5: {  	v56 =	vor.u32 $0x2, v36  }
0x1e6: {  	v35 =	vld.idx.msk [tilespmem:v35+s21+$0x0], $0xffff;
	v33 =	vadd.f32 v54, v33;
	_ =	sdelay $0x1  }
0x1e7: {  	v33 =	vmul.f32 v33, v58  }
0x1e8: {  	v39 =	vld.idx.msk [tilespmem:v55+s21+$0x0], $0xffff;
	v57 =	vpop (erf)  }
0x1e9: {  	v29 =	vsel vm13, v33, v29;
	v34 =	vld.idx.msk [tilespmem:v56+s21+$0x0], $0xffff;
	v58 =	vpop (erf)  }
0x1ea: {  	v35 =	vsub.f32 v30, v35;
	v33 =	vmul.f32 v29, v58  }
0x1eb: {  	v59 =	vpop (erf)  }
0x1ec: {  	v35 =	vand.u32 $0x7FFFFFFF, v35;
	v41 =	vmul.f32 v29, v59;
	v60 =	vadd.f32 v33, v59  }
0x1ed: {  	v35 =	vmul.f32 v35, v21  }
0x1ee: {  	v61 =	vsub.f32 v34, v39;
	v41 =	vsub.f32 v60, v41  }
0x1ef: {  	v35 =	vmin.f32 v35, $1.000000000e+00  }
0x1f0: {  	v62 =	vmul.f32 v39, v24;
	v63 =	vmul.f32 v61, v25;
	v44 =	vsub.f32 $1.000000000e+00, v41  }
0x1f1: {  	vm15 =	vgt.f32 v32, $0.0e+00;
	v35 =	vmul.f32 v43, v35;
	v39 =	vmul.f32 v39, v25  }
0x1f2: {  	v42 =	vmul.f32 v61, v24;
	v32 =	vadd.f32 v63, v62;
	v43 =	vnsel vm15, $0x3F800000, v44  }
0x1f3: {  	v35 =	vsub.f32 $1.000000000e+00, v35;
	v48 =	vmul.f32 v43, v41  }
0x1f4: {  	v39 =	vadd.f32 v42, v39;
	v32 =	vmul.f32 $1.442695020e+00, v32  }
0x1f5: {  	v49 =	vsub.f32 v30, v31;
	v50 =	vsub.f32 $1.000000000e+00, v35;
	(erf) = vrcp.f32 v48  }
0x1f6: {  	v51 =	vmul.f32 $1.442695020e+00, v39;
	(erf) = vpow2.f32 v32  }
0x1f7: {  	v31 =	vmul.f32 v35, v31;
	v52 =	vmul.f32 v50, v49  }
0x1f8: {  	v35 =	vor.u32 v6, v26;
	(erf) = vpow2.f32 v51  }
0x1f9: {  	v54 =	vor.u32 $0x1, v35;
	v31 =	vmul.f32 v31, v45;
	v53 =	vmul.f32 v52, v40  }
0x1fa: {  	v55 =	vor.u32 $0x2, v35  }
0x1fb: {  	v37 =	vld.idx.msk [tilespmem:v37+s21+$0x0], $0xffff;
	v31 =	vadd.f32 v53, v31;
	_ =	sdelay $0x1  }
0x1fc: {  	v31 =	vmul.f32 v31, v57  }
0x1fd: {  	v39 =	vld.idx.msk [tilespmem:v54+s21+$0x0], $0xffff;
	v56 =	vpop (erf)  }
0x1fe: {  	v30 =	vsel vm14, v31, v30;
	v32 =	vld.idx.msk [tilespmem:v55+s21+$0x0], $0xffff;
	v57 =	vpop (erf)  }
0x1ff: {  	v37 =	vsub.f32 v29, v37;
	v31 =	vmul.f32 v30, v57  }
0x200: {  	v58 =	vpop (erf)  }
0x201: {  	v37 =	vand.u32 $0x7FFFFFFF, v37;
	v40 =	vmul.f32 v30, v58;
	v59 =	vadd.f32 v31, v58  }
0x202: {  	v37 =	vmul.f32 v37, v27  }
0x203: {  	v60 =	vsub.f32 v32, v39;
	v40 =	vsub.f32 v59, v40  }
0x204: {  	v37 =	vmin.f32 v37, $1.000000000e+00  }
0x205: {  	v61 =	vmul.f32 v39, v22;
	v62 =	vmul.f32 v60, v23;
	v45 =	vsub.f32 $1.000000000e+00, v40  }
0x206: {  	vm4 =	vgt.f32 v34, $0.0e+00;
	v37 =	vmul.f32 v44, v37;
	v39 =	vmul.f32 v39, v23  }
0x207: {  	v42 =	vmul.f32 v60, v22;
	v34 =	vadd.f32 v62, v61;
	v44 =	vnsel vm4, $0x3F800000, v45  }
0x208: {  	v37 =	vsub.f32 $1.000000000e+00, v37;
	v63 =	vmul.f32 v44, v40  }
0x209: {  	v39 =	vadd.f32 v42, v39;
	v34 =	vmul.f32 $1.442695020e+00, v34  }
0x20a: {  	v48 =	vsub.f32 v29, v33;
	v49 =	vsub.f32 $1.000000000e+00, v37;
	(erf) = vrcp.f32 v63  }
0x20b: {  	v50 =	vmul.f32 $1.442695020e+00, v39;
	(erf) = vpow2.f32 v34  }
0x20c: {  	v33 =	vmul.f32 v37, v33;
	v51 =	vmul.f32 v49, v48  }
0x20d: {  	v37 =	vor.u32 v5, v28;
	(erf) = vpow2.f32 v50  }
0x20e: {  	v53 =	vor.u32 $0x1, v37;
	v33 =	vmul.f32 v33, v43;
	v52 =	vmul.f32 v51, v41  }
0x20f: {  	v54 =	vor.u32 $0x2, v37  }
0x210: {  	v36 =	vld.idx.msk [tilespmem:v36+s21+$0x0], $0xffff;
	v33 =	vadd.f32 v52, v33;
	_ =	sdelay $0x1  }
0x211: {  	v33 =	vmul.f32 v33, v56  }
0x212: {  	v39 =	vld.idx.msk [tilespmem:v53+s21+$0x0], $0xffff;
	v55 =	vpop (erf)  }
0x213: {  	v29 =	vsel vm15, v33, v29;
	v34 =	vld.idx.msk [tilespmem:v54+s21+$0x0], $0xffff;
	v56 =	vpop (erf)  }
0x214: {  	v36 =	vsub.f32 v30, v36;
	v33 =	vmul.f32 v29, v56  }
0x215: {  	v57 =	vpop (erf)  }
0x216: {  	v36 =	vand.u32 $0x7FFFFFFF, v36;
	v41 =	vmul.f32 v29, v57;
	v58 =	vadd.f32 v33, v57  }
0x217: {  	v36 =	vmul.f32 v36, v21  }
0x218: {  	v59 =	vsub.f32 v34, v39;
	v41 =	vsub.f32 v58, v41  }
0x219: {  	v36 =	vmin.f32 v36, $1.000000000e+00  }
0x21a: {  	v60 =	vmul.f32 v39, v24;
	v61 =	vmul.f32 v59, v25;
	v43 =	vsub.f32 $1.000000000e+00, v41  }
0x21b: {  	vm5 =	vgt.f32 v32, $0.0e+00;
	v36 =	vmul.f32 v45, v36;
	v39 =	vmul.f32 v39, v25  }
0x21c: {  	v42 =	vmul.f32 v59, v24;
	v32 =	vadd.f32 v61, v60;
	v45 =	vnsel vm5, $0x3F800000, v43  }
0x21d: {  	v36 =	vsub.f32 $1.000000000e+00, v36;
	v62 =	vmul.f32 v45, v41  }
0x21e: {  	v39 =	vadd.f32 v42, v39;
	v32 =	vmul.f32 $1.442695020e+00, v32  }
0x21f: {  	v63 =	vsub.f32 v30, v31;
	v48 =	vsub.f32 $1.000000000e+00, v36;
	(erf) = vrcp.f32 v62  }
0x220: {  	v49 =	vmul.f32 $1.442695020e+00, v39;
	(erf) = vpow2.f32 v32  }
0x221: {  	v31 =	vmul.f32 v36, v31;
	v50 =	vmul.f32 v48, v63  }
0x222: {  	v36 =	vor.u32 v5, v26;
	(erf) = vpow2.f32 v49  }
0x223: {  	v52 =	vor.u32 $0x1, v36;
	v31 =	vmul.f32 v31, v44;
	v51 =	vmul.f32 v50, v40  }
0x224: {  	v53 =	vor.u32 $0x2, v36  }
0x225: {  	v35 =	vld.idx.msk [tilespmem:v35+s21+$0x0], $0xffff;
	v31 =	vadd.f32 v51, v31;
	_ =	sdelay $0x1  }
0x226: {  	v31 =	vmul.f32 v31, v55  }
0x227: {  	v39 =	vld.idx.msk [tilespmem:v52+s21+$0x0], $0xffff;
	v54 =	vpop (erf)  }
0x228: {  	v30 =	vsel vm4, v31, v30;
	v32 =	vld.idx.msk [tilespmem:v53+s21+$0x0], $0xffff;
	v55 =	vpop (erf)  }
0x229: {  	v35 =	vsub.f32 v29, v35;
	v31 =	vmul.f32 v30, v55  }
0x22a: {  	v56 =	vpop (erf)  }
0x22b: {  	v35 =	vand.u32 $0x7FFFFFFF, v35;
	v40 =	vmul.f32 v30, v56;
	v57 =	vadd.f32 v31, v56  }
0x22c: {  	v35 =	vmul.f32 v35, v27  }
0x22d: {  	v58 =	vsub.f32 v32, v39;
	v40 =	vsub.f32 v57, v40  }
0x22e: {  	v35 =	vmin.f32 v35, $1.000000000e+00  }
0x22f: {  	v59 =	vmul.f32 v39, v22;
	v60 =	vmul.f32 v58, v23;
	v44 =	vsub.f32 $1.000000000e+00, v40  }
0x230: {  	vm6 =	vgt.f32 v34, $0.0e+00;
	v35 =	vmul.f32 v43, v35;
	v39 =	vmul.f32 v39, v23  }
0x231: {  	v42 =	vmul.f32 v58, v22;
	v34 =	vadd.f32 v60, v59;
	v43 =	vnsel vm6, $0x3F800000, v44  }
0x232: {  	v35 =	vsub.f32 $1.000000000e+00, v35;
	v61 =	vmul.f32 v43, v40  }
0x233: {  	v39 =	vadd.f32 v42, v39;
	v34 =	vmul.f32 $1.442695020e+00, v34  }
0x234: {  	v62 =	vsub.f32 v29, v33;
	v63 =	vsub.f32 $1.000000000e+00, v35;
	(erf) = vrcp.f32 v61  }
0x235: {  	v47 =	vmul.f32 $1.442695020e+00, v39;
	(erf) = vpow2.f32 v34  }
0x236: {  	v33 =	vmul.f32 v35, v33;
	v48 =	vmul.f32 v63, v62  }
0x237: {  	v35 =	vor.u32 v4, v28;
	(erf) = vpow2.f32 v47  }
0x238: {  	v50 =	vor.u32 $0x1, v35;
	v33 =	vmul.f32 v33, v45;
	v49 =	vmul.f32 v48, v41  }
0x239: {  	v51 =	vor.u32 $0x2, v35  }
0x23a: {  	v37 =	vld.idx.msk [tilespmem:v37+s21+$0x0], $0xffff;
	v33 =	vadd.f32 v49, v33;
	_ =	sdelay $0x1  }
0x23b: {  	v33 =	vmul.f32 v33, v54  }
0x23c: {  	v39 =	vld.idx.msk [tilespmem:v50+s21+$0x0], $0xffff;
	v52 =	vpop (erf)  }
0x23d: {  	v29 =	vsel vm5, v33, v29;
	v34 =	vld.idx.msk [tilespmem:v51+s21+$0x0], $0xffff;
	v53 =	vpop (erf)  }
0x23e: {  	v37 =	vsub.f32 v30, v37;
	v33 =	vmul.f32 v29, v53  }
0x23f: {  	v54 =	vpop (erf)  }
0x240: {  	v37 =	vand.u32 $0x7FFFFFFF, v37;
	v41 =	vmul.f32 v29, v54;
	v55 =	vadd.f32 v33, v54  }
0x241: {  	v37 =	vmul.f32 v37, v21  }
0x242: {  	v56 =	vsub.f32 v34, v39;
	v41 =	vsub.f32 v55, v41  }
0x243: {  	v37 =	vmin.f32 v37, $1.000000000e+00  }
0x244: {  	v58 =	vmul.f32 v39, v24;
	v59 =	vmul.f32 v56, v25;
	v57 =	vsub.f32 $1.000000000e+00, v41  }
0x245: {  	vm7 =	vgt.f32 v32, $0.0e+00;
	v37 =	vmul.f32 v44, v37;
	v39 =	vmul.f32 v39, v25  }
0x246: {  	v42 =	vmul.f32 v56, v24;
	v32 =	vadd.f32 v59, v58;
	v44 =	vnsel vm7, $0x3F800000, v57  }
0x247: {  	v37 =	vsub.f32 $1.000000000e+00, v37;
	v60 =	vmul.f32 v44, v41  }
0x248: {  	v39 =	vadd.f32 v42, v39;
	v32 =	vmul.f32 $1.442695020e+00, v32  }
0x249: {  	v61 =	vsub.f32 v30, v31;
	v62 =	vsub.f32 $1.000000000e+00, v37;
	(erf) = vrcp.f32 v60  }
0x24a: {  	v63 =	vmul.f32 $1.442695020e+00, v39;
	(erf) = vpow2.f32 v32  }
0x24b: {  	v31 =	vmul.f32 v37, v31;
	v42 =	vmul.f32 v62, v61  }
0x24c: {  	v37 =	vor.u32 v4, v26;
	(erf) = vpow2.f32 v63  }
0x24d: {  	v46 =	vor.u32 $0x1, v37;
	v31 =	vmul.f32 v31, v43;
	v43 =	vmul.f32 v42, v40  }
0x24e: {  	v47 =	vor.u32 $0x2, v37  }
0x24f: {  	v36 =	vld.idx.msk [tilespmem:v36+s21+$0x0], $0xffff;
	v31 =	vadd.f32 v43, v31;
	_ =	sdelay $0x1  }
0x250: {  	v31 =	vmul.f32 v31, v52  }
0x251: {  	v39 =	vld.idx.msk [tilespmem:v46+s21+$0x0], $0xffff;
	v48 =	vpop (erf)  }
0x252: {  	v30 =	vsel vm6, v31, v30;
	v32 =	vld.idx.msk [tilespmem:v47+s21+$0x0], $0xffff;
	v49 =	vpop (erf)  }
0x253: {  	v36 =	vsub.f32 v29, v36;
	v31 =	vmul.f32 v30, v49  }
0x254: {  	v50 =	vpop (erf)  }
0x255: {  	v36 =	vand.u32 $0x7FFFFFFF, v36;
	v40 =	vmul.f32 v30, v50;
	v51 =	vadd.f32 v31, v50  }
0x256: {  	v36 =	vmul.f32 v36, v27  }
0x257: {  	v52 =	vsub.f32 v32, v39;
	v40 =	vsub.f32 v51, v40  }
0x258: {  	v36 =	vmin.f32 v36, $1.000000000e+00  }
0x259: {  	v53 =	vmul.f32 v39, v22;
	v54 =	vmul.f32 v52, v23;
	v43 =	vsub.f32 $1.000000000e+00, v40  }
0x25a: {  	vm8 =	vgt.f32 v34, $0.0e+00;
	v36 =	vmul.f32 v57, v36;
	v39 =	vmul.f32 v39, v23  }
0x25b: {  	v42 =	vmul.f32 v52, v22;
	v34 =	vadd.f32 v54, v53;
	v45 =	vnsel vm8, $0x3F800000, v43  }
0x25c: {  	v36 =	vsub.f32 $1.000000000e+00, v36;
	v55 =	vmul.f32 v45, v40  }
0x25d: {  	v39 =	vadd.f32 v42, v39;
	v34 =	vmul.f32 $1.442695020e+00, v34  }
0x25e: {  	v56 =	vsub.f32 v29, v33;
	v57 =	vsub.f32 $1.000000000e+00, v36;
	(erf) = vrcp.f32 v55  }
0x25f: {  	v58 =	vmul.f32 $1.442695020e+00, v39;
	(erf) = vpow2.f32 v34  }
0x260: {  	v33 =	vmul.f32 v36, v33;
	v59 =	vmul.f32 v57, v56  }
0x261: {  	v36 =	vor.u32 v3, v28;
	(erf) = vpow2.f32 v58  }
0x262: {  	v61 =	vor.u32 $0x1, v36;
	v33 =	vmul.f32 v33, v44;
	v60 =	vmul.f32 v59, v41  }
0x263: {  	v62 =	vor.u32 $0x2, v36  }
0x264: {  	v35 =	vld.idx.msk [tilespmem:v35+s21+$0x0], $0xffff;
	v33 =	vadd.f32 v60, v33;
	_ =	sdelay $0x1  }
0x265: {  	v33 =	vmul.f32 v33, v48  }
0x266: {  	v39 =	vld.idx.msk [tilespmem:v61+s21+$0x0], $0xffff;
	v63 =	vpop (erf)  }
0x267: {  	v29 =	vsel vm7, v33, v29;
	v34 =	vld.idx.msk [tilespmem:v62+s21+$0x0], $0xffff;
	v48 =	vpop (erf)  }
0x268: {  	v35 =	vsub.f32 v30, v35;
	v33 =	vmul.f32 v29, v48  }
0x269: {  	v49 =	vpop (erf)  }
0x26a: {  	v35 =	vand.u32 $0x7FFFFFFF, v35;
	v41 =	vmul.f32 v29, v49;
	v50 =	vadd.f32 v33, v49  }
0x26b: {  	v35 =	vmul.f32 v35, v21  }
0x26c: {  	v51 =	vsub.f32 v34, v39;
	v41 =	vsub.f32 v50, v41  }
0x26d: {  	v35 =	vmin.f32 v35, $1.000000000e+00  }
0x26e: {  	v53 =	vmul.f32 v39, v24;
	v54 =	vmul.f32 v51, v25;
	v52 =	vsub.f32 $1.000000000e+00, v41  }
0x26f: {  	vm9 =	vgt.f32 v32, $0.0e+00;
	v35 =	vmul.f32 v43, v35;
	v39 =	vmul.f32 v39, v25  }
0x270: {  	v42 =	vmul.f32 v51, v24;
	v32 =	vadd.f32 v54, v53;
	v43 =	vnsel vm9, $0x3F800000, v52  }
0x271: {  	v35 =	vsub.f32 $1.000000000e+00, v35;
	v55 =	vmul.f32 v43, v41  }
0x272: {  	v39 =	vadd.f32 v42, v39;
	v32 =	vmul.f32 $1.442695020e+00, v32  }
0x273: {  	v56 =	vsub.f32 v30, v31;
	v57 =	vsub.f32 $1.000000000e+00, v35;
	(erf) = vrcp.f32 v55  }
0x274: {  	v58 =	vmul.f32 $1.442695020e+00, v39;
	(erf) = vpow2.f32 v32  }
0x275: {  	v31 =	vmul.f32 v35, v31;
	v59 =	vmul.f32 v57, v56  }
0x276: {  	v35 =	vor.u32 v3, v26;
	(erf) = vpow2.f32 v58  }
0x277: {  	v61 =	vor.u32 $0x1, v35;
	v31 =	vmul.f32 v31, v45;
	v60 =	vmul.f32 v59, v40  }
0x278: {  	v62 =	vor.u32 $0x2, v35  }
0x279: {  	v37 =	vld.idx.msk [tilespmem:v37+s21+$0x0], $0xffff;
	v31 =	vadd.f32 v60, v31;
	_ =	sdelay $0x1  }
0x27a: {  	v31 =	vmul.f32 v31, v63  }
0x27b: {  	v39 =	vld.idx.msk [tilespmem:v61+s21+$0x0], $0xffff;
	v63 =	vpop (erf)  }
0x27c: {  	v30 =	vsel vm8, v31, v30;
	v32 =	vld.idx.msk [tilespmem:v62+s21+$0x0], $0xffff;
	v45 =	vpop (erf)  }
0x27d: {  	v37 =	vsub.f32 v29, v37;
	v31 =	vmul.f32 v30, v45  }
0x27e: {  	v46 =	vpop (erf)  }
0x27f: {  	v37 =	vand.u32 $0x7FFFFFFF, v37;
	v40 =	vmul.f32 v30, v46;
	v47 =	vadd.f32 v31, v46  }
0x280: {  	v37 =	vmul.f32 v37, v27  }
0x281: {  	v48 =	vsub.f32 v32, v39;
	v40 =	vsub.f32 v47, v40  }
0x282: {  	v37 =	vmin.f32 v37, $1.000000000e+00  }
0x283: {  	v49 =	vmul.f32 v39, v22;
	v50 =	vmul.f32 v48, v23;
	v45 =	vsub.f32 $1.000000000e+00, v40  }
0x284: {  	vm10 =	vgt.f32 v34, $0.0e+00;
	v37 =	vmul.f32 v52, v37;
	v39 =	vmul.f32 v39, v23  }
0x285: {  	v42 =	vmul.f32 v48, v22;
	v34 =	vadd.f32 v50, v49;
	v44 =	vnsel vm10, $0x3F800000, v45  }
0x286: {  	v37 =	vsub.f32 $1.000000000e+00, v37;
	v51 =	vmul.f32 v44, v40  }
0x287: {  	v39 =	vadd.f32 v42, v39;
	v34 =	vmul.f32 $1.442695020e+00, v34  }
0x288: {  	v52 =	vsub.f32 v29, v33;
	v53 =	vsub.f32 $1.000000000e+00, v37;
	(erf) = vrcp.f32 v51  }
0x289: {  	v54 =	vmul.f32 $1.442695020e+00, v39;
	(erf) = vpow2.f32 v34  }
0x28a: {  	v33 =	vmul.f32 v37, v33;
	v55 =	vmul.f32 v53, v52  }
0x28b: {  	v37 =	vor.u32 v2, v28;
	(erf) = vpow2.f32 v54  }
0x28c: {  	v57 =	vor.u32 $0x1, v37;
	v33 =	vmul.f32 v33, v43;
	v56 =	vmul.f32 v55, v41  }
0x28d: {  	v58 =	vor.u32 $0x2, v37  }
0x28e: {  	v36 =	vld.idx.msk [tilespmem:v36+s21+$0x0], $0xffff;
	v33 =	vadd.f32 v56, v33;
	_ =	sdelay $0x1  }
0x28f: {  	v33 =	vmul.f32 v33, v63  }
0x290: {  	v39 =	vld.idx.msk [tilespmem:v57+s21+$0x0], $0xffff;
	v59 =	vpop (erf)  }
0x291: {  	v29 =	vsel vm9, v33, v29;
	v34 =	vld.idx.msk [tilespmem:v58+s21+$0x0], $0xffff;
	v60 =	vpop (erf)  }
0x292: {  	v36 =	vsub.f32 v30, v36;
	v33 =	vmul.f32 v29, v60  }
0x293: {  	v61 =	vpop (erf)  }
0x294: {  	v36 =	vand.u32 $0x7FFFFFFF, v36;
	v41 =	vmul.f32 v29, v61;
	v62 =	vadd.f32 v33, v61  }
0x295: {  	v36 =	vmul.f32 v36, v21  }
0x296: {  	v63 =	vsub.f32 v34, v39;
	v41 =	vsub.f32 v62, v41  }
0x297: {  	v36 =	vmin.f32 v36, $1.000000000e+00  }
0x298: {  	v48 =	vmul.f32 v39, v24;
	v49 =	vmul.f32 v63, v25;
	v43 =	vsub.f32 $1.000000000e+00, v41  }
0x299: {  	vm11 =	vgt.f32 v32, $0.0e+00;
	v36 =	vmul.f32 v45, v36;
	v39 =	vmul.f32 v39, v25  }
0x29a: {  	v42 =	vmul.f32 v63, v24;
	v32 =	vadd.f32 v49, v48;
	v45 =	vnsel vm11, $0x3F800000, v43  }
0x29b: {  	v36 =	vsub.f32 $1.000000000e+00, v36;
	v50 =	vmul.f32 v45, v41  }
0x29c: {  	v39 =	vadd.f32 v42, v39;
	v32 =	vmul.f32 $1.442695020e+00, v32  }
0x29d: {  	v51 =	vsub.f32 v30, v31;
	v52 =	vsub.f32 $1.000000000e+00, v36;
	(erf) = vrcp.f32 v50  }
0x29e: {  	v53 =	vmul.f32 $1.442695020e+00, v39;
	(erf) = vpow2.f32 v32  }
0x29f: {  	v31 =	vmul.f32 v36, v31;
	v54 =	vmul.f32 v52, v51  }
0x2a0: {  	v36 =	vor.u32 v2, v26;
	(erf) = vpow2.f32 v53  }
0x2a1: {  	v56 =	vor.u32 $0x1, v36;
	v31 =	vmul.f32 v31, v44;
	v55 =	vmul.f32 v54, v40  }
0x2a2: {  	v57 =	vor.u32 $0x2, v36  }
0x2a3: {  	v35 =	vld.idx.msk [tilespmem:v35+s21+$0x0], $0xffff;
	v31 =	vadd.f32 v55, v31;
	_ =	sdelay $0x1  }
0x2a4: {  	v31 =	vmul.f32 v31, v59  }
0x2a5: {  	v39 =	vld.idx.msk [tilespmem:v56+s21+$0x0], $0xffff;
	v58 =	vpop (erf)  }
0x2a6: {  	v30 =	vsel vm10, v31, v30;
	v32 =	vld.idx.msk [tilespmem:v57+s21+$0x0], $0xffff;
	v59 =	vpop (erf)  }
0x2a7: {  	v35 =	vsub.f32 v29, v35;
	v31 =	vmul.f32 v30, v59  }
0x2a8: {  	v60 =	vpop (erf)  }
0x2a9: {  	v35 =	vand.u32 $0x7FFFFFFF, v35;
	v40 =	vmul.f32 v30, v60;
	v61 =	vadd.f32 v31, v60  }
0x2aa: {  	v35 =	vmul.f32 v35, v27  }
0x2ab: {  	v62 =	vsub.f32 v32, v39;
	v40 =	vsub.f32 v61, v40  }
0x2ac: {  	v35 =	vmin.f32 v35, $1.000000000e+00  }
0x2ad: {  	v63 =	vmul.f32 v39, v22;
	v48 =	vmul.f32 v62, v23;
	v44 =	vsub.f32 $1.000000000e+00, v40  }
0x2ae: {  	vm12 =	vgt.f32 v34, $0.0e+00;
	v35 =	vmul.f32 v43, v35;
	v39 =	vmul.f32 v39, v23  }
0x2af: {  	v42 =	vmul.f32 v62, v22;
	v34 =	vadd.f32 v48, v63;
	v43 =	vnsel vm12, $0x3F800000, v44  }
0x2b0: {  	v35 =	vsub.f32 $1.000000000e+00, v35;
	v49 =	vmul.f32 v43, v40  }
0x2b1: {  	v39 =	vadd.f32 v42, v39;
	v34 =	vmul.f32 $1.442695020e+00, v34  }
0x2b2: {  	v50 =	vsub.f32 v29, v33;
	v51 =	vsub.f32 $1.000000000e+00, v35;
	(erf) = vrcp.f32 v49  }
0x2b3: {  	v52 =	vmul.f32 $1.442695020e+00, v39;
	(erf) = vpow2.f32 v34  }
0x2b4: {  	v33 =	vmul.f32 v35, v33;
	v53 =	vmul.f32 v51, v50  }
0x2b5: {  	v28 =	vor.u32 v1, v28;
	(erf) = vpow2.f32 v52  }
0x2b6: {  	v55 =	vor.u32 $0x2, v28;
	v33 =	vmul.f32 v33, v45;
	v35 =	vmul.f32 v53, v41  }
0x2b7: {  	v54 =	vor.u32 $0x1, v28  }
0x2b8: {  	v56 =	vld.idx.msk [tilespmem:v37+s21+$0x0], $0xffff;
	v33 =	vadd.f32 v35, v33;
	_ =	sdelay $0x1  }
0x2b9: {  	v33 =	vmul.f32 v33, v58  }
0x2ba: {  	v38 =	vld.idx.msk [tilespmem:v55+s21+$0x0], $0xffff;
	v57 =	vpop (erf)  }
0x2bb: {  	v29 =	vsel vm11, v33, v29;
	v34 =	vld.idx.msk [tilespmem:v54+s21+$0x0], $0xffff;
	v58 =	vpop (erf)  }
0x2bc: {  	v35 =	vsub.f32 v30, v56;
	v33 =	vmul.f32 v29, v58  }
0x2bd: {  	v59 =	vpop (erf)  }
0x2be: {  	v35 =	vand.u32 $0x7FFFFFFF, v35;
	v39 =	vmul.f32 v29, v59;
	v60 =	vadd.f32 v33, v59  }
0x2bf: {  	v35 =	vmul.f32 v35, v21  }
0x2c0: {  	v61 =	vsub.f32 v38, v34;
	v39 =	vsub.f32 v60, v39  }
0x2c1: {  	v35 =	vmin.f32 v35, $1.000000000e+00  }
0x2c2: {  	v62 =	vmul.f32 v34, v24;
	v63 =	vmul.f32 v61, v25;
	v48 =	vsub.f32 $1.000000000e+00, v39  }
0x2c3: {  	vm13 =	vgt.f32 v32, $0.0e+00;
	v35 =	vmul.f32 v44, v35;
	v25 =	vmul.f32 v34, v25  }
0x2c4: {  	v24 =	vmul.f32 v61, v24;
	v49 =	vadd.f32 v63, v62;
	v50 =	vnsel vm13, $0x3F800000, v48  }
0x2c5: {  	v35 =	vsub.f32 $1.000000000e+00, v35;
	v51 =	vmul.f32 v50, v39  }
0x2c6: {  	v24 =	vadd.f32 v24, v25;
	v32 =	vmul.f32 $1.442695020e+00, v49  }
0x2c7: {  	v53 =	vsub.f32 $1.000000000e+00, v35;
	v52 =	vsub.f32 v30, v31;
	(erf) = vrcp.f32 v51  }
0x2c8: {  	v24 =	vmul.f32 $1.442695020e+00, v24;
	(erf) = vpow2.f32 v32  }
0x2c9: {  	v31 =	vmul.f32 v35, v31;
	v25 =	vmul.f32 v53, v52  }
0x2ca: {  	v26 =	vor.u32 v1, v26;
	(erf) = vpow2.f32 v24  }
0x2cb: {  	v55 =	vor.u32 $0x2, v26;
	v31 =	vmul.f32 v31, v43;
	v25 =	vmul.f32 v25, v40  }
0x2cc: {  	v54 =	vor.u32 $0x1, v26  }
0x2cd: {  	v56 =	vld.idx.msk [tilespmem:v36+s21+$0x0], $0xffff;
	v25 =	vadd.f32 v25, v31;
	_ =	sdelay $0x1  }
0x2ce: {  	v25 =	vmul.f32 v25, v57  }
0x2cf: {  	v32 =	vld.idx.msk [tilespmem:v55+s21+$0x0], $0xffff;
	v57 =	vpop (erf)  }
0x2d0: {  	v25 =	vsel vm12, v25, v30;
	v24 =	vld.idx.msk [tilespmem:v54+s21+$0x0], $0xffff;
	v58 =	vpop (erf)  }
0x2d1: {  	v31 =	vsub.f32 v29, v56;
	v30 =	vmul.f32 v25, v58  }
0x2d2: {  	v59 =	vpop (erf)  }
0x2d3: {  	v31 =	vand.u32 $0x7FFFFFFF, v31;
	v36 =	vmul.f32 v25, v59;
	v60 =	vadd.f32 v30, v59  }
0x2d4: {  	v31 =	vmul.f32 v31, v27  }
0x2d5: {  	v61 =	vsub.f32 v32, v24;
	v36 =	vsub.f32 v60, v36  }
0x2d6: {  	v31 =	vmin.f32 v31, $1.000000000e+00  }
0x2d7: {  	v62 =	vmul.f32 v24, v22;
	v63 =	vmul.f32 v61, v23;
	v45 =	vsub.f32 $1.000000000e+00, v36  }
0x2d8: {  	vm14 =	vgt.f32 v38, $0.0e+00;
	v31 =	vmul.f32 v48, v31;
	v23 =	vmul.f32 v24, v23  }
0x2d9: {  	v22 =	vmul.f32 v61, v22;
	v37 =	vadd.f32 v63, v62;
	v46 =	vnsel vm14, $0x3F800000, v45  }
0x2da: {  	v31 =	vsub.f32 $1.000000000e+00, v31;
	v47 =	vmul.f32 v46, v36  }
0x2db: {  	v22 =	vadd.f32 v22, v23;
	v37 =	vmul.f32 $1.442695020e+00, v37  }
0x2dc: {  	v48 =	vsub.f32 $1.000000000e+00, v31;
	v23 =	vsub.f32 v29, v33;
	(erf) = vrcp.f32 v47  }
0x2dd: {  	v22 =	vmul.f32 $1.442695020e+00, v22;
	(erf) = vpow2.f32 v37  }
0x2de: {  	v31 =	vmul.f32 v31, v33;
	v23 =	vmul.f32 v48, v23  }
0x2df: {  	(erf) = vpow2.f32 v22  }
0x2e0: {  	v23 =	vmul.f32 v23, v39;
	v22 =	vmul.f32 v31, v50;
	_ =	sdelay $0x1  }
0x2e1: {  	v22 =	vadd.f32 v23, v22;
	_ =	sdelay $0x1  }
0x2e2: {  	v23 =	vld.idx.msk [tilespmem:v28+s21+$0x0], $0xffff;
	v22 =	vmul.f32 v22, v57  }
0x2e3: {  	v26 =	vld.idx.msk [tilespmem:v26+s21+$0x0], $0xffff;
	v49 =	vpop (erf)  }
0x2e4: {  	v22 =	vsel vm13, v22, v29;
	v50 =	vpop (erf)  }
0x2e5: {  	v29 =	vmul.f32 v22, v50  }
0x2e6: {  	v51 =	vpop (erf)  }
0x2e7: {  	v23 =	vsub.f32 v25, v23;
	v31 =	vmul.f32 v22, v51;
	v52 =	vadd.f32 v29, v51  }
0x2e8: {  	v26 =	vsub.f32 v22, v26  }
0x2e9: {  	v23 =	vand.u32 $0x7FFFFFFF, v23;
	v31 =	vsub.f32 v52, v31  }
0x2ea: {  	v21 =	vmul.f32 v23, v21;
	v23 =	vand.u32 $0x7FFFFFFF, v26  }
0x2eb: {  	v23 =	vmul.f32 v23, v27;
	v53 =	vsub.f32 $1.000000000e+00, v31  }
0x2ec: {  	vm15 =	vgt.f32 v32, $0.0e+00;
	v21 =	vmin.f32 v21, $1.000000000e+00  }
0x2ed: {  	v21 =	vmul.f32 v45, v21;
	v23 =	vmin.f32 v23, $1.000000000e+00;
	v54 =	vnsel vm15, $0x3F800000, v53  }
0x2ee: {  	v23 =	vmul.f32 v53, v23;
	v55 =	vmul.f32 v54, v31  }
0x2ef: {  	v21 =	vsub.f32 $1.000000000e+00, v21  }
0x2f0: {  	v23 =	vsub.f32 $1.000000000e+00, v23;
	(erf) = vrcp.f32 v55  }
0x2f1: {  	v56 =	vsub.f32 v25, v30;
	v57 =	vsub.f32 $1.000000000e+00, v21  }
0x2f2: {  	v58 =	vsub.f32 v22, v29;
	v59 =	vsub.f32 $1.000000000e+00, v23  }
0x2f3: {  	v21 =	vmul.f32 v21, v30;
	v26 =	vmul.f32 v57, v56  }
0x2f4: {  	v23 =	vmul.f32 v23, v29;
	v60 =	vmul.f32 v59, v58  }
0x2f5: {  	v21 =	vmul.f32 v21, v46;
	v61 =	vmul.f32 v26, v36  }
0x2f6: {  	v23 =	vmul.f32 v23, v54;
	v62 =	vmul.f32 v60, v31  }
0x2f7: {  	v21 =	vadd.f32 v61, v21  }
0x2f8: {  	p1 =	sne.s32 s23, $0x300;
	v23 =	vadd.f32 v62, v23  }
.Ltmp0:
0x2f9: {  	v21 =	vmul.f32 v21, v49;
	v63 =	vpop (erf);
	(pc) =	sbr.rel @p1 .LBB2_3-.Ltmp0, $4  }
0x2fa: {  	v23 =	vmul.f32 v23, v63  }
0x2fb: {  	v21 =	vsel vm14, v21, v25  }
0x2fc: {  	[tilespmem:v20+s24+$0x0 ss:$0x1] =	vst.idx.msk $0xffff, v21;
	v22 =	vsel vm15, v23, v22  }
0x2fd: {  	s22 =	sadd.s32 $0x200, s22;
	s23 =	sadd.s32 $0x80, s23;
	[tilespmem:v20+s24+$0x10 ss:$0x1] =	vst.idx.msk $0xffff, v22  }
0x2fe: {  	s12 =	smul.u32 $0xE0, s31;
	p1 =	sne.s32 s30, $0xE  }
.Ltmp1:
0x2ff: {  	_ = 	snop;
	(pc) =	sbr.rel @p1 .LBB2_2-.Ltmp1, $4  }
0x300: {  	s12 =	sadd.s32 s10, s12  }
0x301: {  	s12 =	sshrl.u32 s12, $0x3  }
0x302: {  	p0 =	por !p0, !p0;
	s31 =	smov.u32 s30;
	s12 =	sadd.s32 s4, s12  }
0x303: {  	[hbm4b:s12+s5] =	stream.linear.scatter [tilespmem:s3], [sflag:s0], $0xE0, $0x38;
	[tilespmem:$0x1E4C0] =	vst v63  }
0x304: {  	s29 =	sadd.s32 $0x1, s29  }
0x305: {  	_ =	swait.ge [sflag:s26], $0xE0;
	p0 =	sne.s32 s29, s18  }
.Ltmp2:
0x306: {  	[sflag:s26] =	ssyncset.done $0x0;
	(pc) =	sbr.rel @p0 .LBB2_1-.Ltmp2, $4  }
0x307: {  	[sflag:s26] =	ssyncadd.s32 $0xFFFFFF20  }
0x308: {  	_ =	swait.ge [sflag:s28], $0xE0  }
0x309: {  	[sflag:s28] =	ssyncset.done $0x0  }
0x30a: {  	[sflag:s28] =	ssyncadd.s32 $0xFFFFFF20  }
0x30b: {  	_ =	sfence.sel $0x180000  }
0x30c: {  	[bflag:$0x0] =	sbarrier.arrive $0xFFFF  }
0x30d: {  	_ =	strace $0x90000047  }
0x30e: {  	s0 =	stileid.u32;
	[bflag:$0x2] =	sbarrier.arrive $0xFFFF  }
0x30f: {  	p0 =	sne.s32 s0, $0x0;
	s0 =	rddreg [dreg:$0x4]  }
0x310: {  	s0 =	sadd.s32 @!p0 $0x100000, s0  }
0x311: {  	[sflag:s0] =	ssyncadd.tile.s32 @!p0 $0x1;
	_ =	shalt  }
.Lfunc_end2:
_tile_overlayer_lowered:
.L_overlay_start_2:
0x312: {  	(tag) =	ssettag $0x2  }
0x313: {  	s0 =	rddreg [dreg:$0x0];
	s2 =	stileid.u32  }
0x314: {  	s1 =	rddreg [dreg:$0x1];
	p0 =	sne.s32 s2, $0x0  }
0x315: {  	s3 =	rddreg [dreg:$0x2];
	[bflag:$0x3] =	sbarrier.arrive $0xFFFF;
	s2 =	simm.s32 @!p0 $0x1C09  }
0x316: {  	[timem:s3], [sflag:s2] =	dma.local @!p0 [hbm:s0], s1  }
0x317: {  	s0 =	simm.s32 @!p0 $0x9  }
0x318: {  	_ =	swait.ge @!p0 [sflag:s0], s1  }
0x319: {  	s1 =	ssub.s32 @!p0 $0x0, s1;
	[sflag:s0] =	ssyncset.done @!p0 $0x0  }
0x31a: {  	[sflag:s0] =	ssyncadd.s32 @!p0 s1  }
0x31b: {  	[bflag:$0x3] =	sbarrier.arrive $0xFFFF  }
0x31c: {  	_ =	shalt  }

</sc_bundles>
